<compile_context>
chip_gen: v7x
topology: tpu7x:2x2x1
jax: 0.10.2.dev20260603
libtpu: 0.0.44.dev20260713+nightly
codegen_flags: <defaults>
</compile_context>

<pallas_src>
import functools

import jax
import jax.numpy as jnp
from jax import lax
from jax.experimental import pallas as pl
from jax.experimental.pallas import tpu as pltpu
from jax.experimental.pallas import tpu_sc as plsc

_IOU_T = 0.7
_SCORE_T = 0.01
_TOPK = 300
_NEG = -3.0e38
_NCAND = 512
_BIGI = 1 << 30


def _dense_body(lgt_ref, sm_ref, lb_ref, *, n_real, nb):
    lg = lgt_ref[...]
    c = lg.shape[1]
    vals = jnp.max(lg, axis=1)
    cio = lax.broadcasted_iota(jnp.int32, lg.shape, 1)
    labs = jnp.min(jnp.where(lg == vals[:, None, :], cio, c), axis=1)
    score = 1.0 / (1.0 + jnp.exp(-vals))
    i = pl.program_id(1)
    lane = lax.broadcasted_iota(jnp.int32, (1, nb), 1) + i * nb
    sm = jnp.where(jnp.logical_and(lane < n_real, score > _SCORE_T),
                   score, -1.0)
    sm_ref[...] = sm[:, None, :]
    lb_ref[...] = labs[:, None, :]


def _bisect_body(sm_ref, bx_ref, sz_ref, tau_ref, comp_ref, x1_ref, y1_ref,
                 x2_ref, y2_ref):
    s = sm_ref[...]
    b = s.shape[0]
    sz = sz_ref[...].astype(jnp.float32)
    s0 = sz[:, 0:1]
    s1 = sz[:, 1:2]
    cx = bx_ref[0]
    cy = bx_ref[1]
    w = bx_ref[2]
    h = bx_ref[3]
    x1_ref[...] = (cx - 0.5 * w) * s0
    y1_ref[...] = (cy - 0.5 * h) * s1
    x2_ref[...] = (cx + 0.5 * w) * s0
    y2_ref[...] = (cy + 0.5 * h) * s1
    total = jnp.sum((s > _SCORE_T).astype(jnp.int32), axis=1, keepdims=True)

    def bi(_, carry):
        lo, hi = carry
        mid = 0.5 * (lo + hi)
        cnt = jnp.sum((s >= mid).astype(jnp.int32), axis=1, keepdims=True)
        big = cnt > _NCAND
        return jnp.where(big, mid, lo), jnp.where(big, hi, mid)

    lo0 = jnp.full((b, 1), _SCORE_T, jnp.float32)
    hi0 = jnp.ones((b, 1), jnp.float32)
    _, tau = lax.fori_loop(0, 24, bi, (lo0, hi0))
    cnt_f = jnp.sum((s >= tau).astype(jnp.int32), axis=1, keepdims=True)
    comp = (cnt_f >= total).astype(jnp.int32)
    tau_ref[...] = jnp.broadcast_to(tau, (b, 128))
    comp_ref[...] = jnp.broadcast_to(comp, (b, 128))


def _sc_compact_body(smf_ref, tau_ref, lbf_ref, x1f_ref, y1f_ref, x2f_ref,
                     y2f_ref, cs_ref, cl_ref, cx1_ref, cy1_ref,
                     cx2_ref, cy2_ref, s_v, row_v, rowi_v, tau_v, idx_v,
                     gf_v, gi_v, *, n_img, npad):
    wid = lax.axis_index("s") * 2 + lax.axis_index("c")

    @pl.when(wid < n_img)
    def _():
        b = wid
        pltpu.sync_copy(smf_ref.at[b], s_v)
        pltpu.sync_copy(tau_ref.at[b], tau_v)
        tau = tau_v[pl.ds(0, 16)]
        iota16 = lax.iota(jnp.int32, 16)
        ngroups = _NCAND // 16

        for g in range(ngroups):
            idx_v[pl.ds(g * 16, 16)] = jnp.zeros((16,), jnp.int32)

        def grp(g, cnt):
            gidx = g * 16 + iota16
            sv = plsc.load_gather(s_v, [gidx])
            mask = sv >= tau
            m01 = mask.astype(jnp.int32)
            incl = plsc.cumsum(m01)
            pos = (cnt + incl) - m01
            plsc.store_scatter(idx_v, [pos], gidx, mask=mask)
            return cnt + jnp.sum(m01)

        cnt = lax.fori_loop(0, npad // 16, grp, jnp.int32(0))

        for g in range(ngroups):
            iv = idx_v[pl.ds(g * 16, 16)]
            v = plsc.load_gather(s_v, [iv])
            j = g * 16 + iota16
            gf_v[pl.ds(g * 16, 16)] = jnp.where(j < cnt, v, -1.0)
        pltpu.sync_copy(gf_v, cs_ref.at[b])

        pltpu.sync_copy(lbf_ref.at[b], rowi_v)
        for g in range(ngroups):
            iv = idx_v[pl.ds(g * 16, 16)]
            gi_v[pl.ds(g * 16, 16)] = plsc.load_gather(rowi_v, [iv])
        pltpu.sync_copy(gi_v, cl_ref.at[b])

        for src, dst in ((x1f_ref, cx1_ref), (y1f_ref, cy1_ref),
                         (x2f_ref, cx2_ref), (y2f_ref, cy2_ref)):
            pltpu.sync_copy(src.at[b], row_v)
            for g in range(ngroups):
                iv = idx_v[pl.ds(g * 16, 16)]
                gf_v[pl.ds(g * 16, 16)] = plsc.load_gather(row_v, [iv])
            pltpu.sync_copy(gf_v, dst.at[b])


def _nms_body(cs_ref, cl_ref, cx1_ref, cy1_ref, cx2_ref, cy2_ref,
              comp_ref, sm_ref, lb_ref, x1_ref, y1_ref, x2_ref, y2_ref,
              pk_ref, s2_ref, ar2_ref):
    b, nc = cs_ref.shape
    npad = sm_ref.shape[1]
    lq = lax.broadcasted_iota(jnp.int32, (b, b), 1)
    pad8 = jnp.where(lq == 0, -1.0, 0.0)
    pk_ref[...] = jnp.broadcast_to(pad8[None], (_TOPK, b, b))

    x1 = cx1_ref[...]
    y1 = cy1_ref[...]
    x2 = cx2_ref[...]
    y2 = cy2_ref[...]
    lbf = cl_ref[...].astype(jnp.float32)
    ar = (x2 - x1) * (y2 - y1)
    q = jnp.concatenate([lbf, x1, y1, x2, y2, ar], axis=0)
    lane1 = lax.broadcasted_iota(jnp.int32, (b, nc), 1)

    def cond1(carry):
        t, done, _, _ = carry
        return jnp.logical_and(t < _TOPK, jnp.logical_not(done))

    def body1(carry):
        t, _, kept, s = carry
        m = jnp.max(s, axis=1, keepdims=True)
        active = m > _SCORE_T
        eq = s == m
        sel = jnp.min(jnp.where(eq, lane1, nc), axis=1, keepdims=True)
        oh = jnp.logical_and(eq, lane1 == sel)
        oh6 = jnp.concatenate([oh] * 6, axis=0)
        g = jnp.max(jnp.where(oh6, q, _NEG), axis=1, keepdims=True)
        li = g[0:b]
        xi1 = g[b:2 * b]
        yi1 = g[2 * b:3 * b]
        xi2 = g[3 * b:4 * b]
        yi2 = g[4 * b:5 * b]
        ai = g[5 * b:6 * b]
        xx1 = jnp.maximum(xi1, x1)
        yy1 = jnp.maximum(yi1, y1)
        xx2 = jnp.minimum(xi2, x2)
        yy2 = jnp.minimum(yi2, y2)
        inter = jnp.maximum(xx2 - xx1, 0.0) * jnp.maximum(yy2 - yy1, 0.0)
        iou = inter / (ai + ar - inter + 1e-12)
        kill = jnp.logical_or(
            oh,
            jnp.logical_and(jnp.logical_and(active, lbf == li),
                            iou > _IOU_T))
        s_new = jnp.where(kill, -1.0, s)
        row8 = jnp.concatenate(
            [li, m, xi1, yi1, xi2, yi2, li, li], axis=1)
        pk_ref[pl.ds(t, 1)] = jnp.where(active, row8, pad8)[None]
        done = jnp.logical_not(jnp.any(active))
        return t + 1, done, kept + active.astype(jnp.int32), s_new

    kept0 = jnp.zeros((b, 1), jnp.int32)
    _, _, kept, _ = lax.while_loop(
        cond1, body1,
        (jnp.int32(0), jnp.bool_(False), kept0, cs_ref[...]))

    comp0 = comp_ref[:, 0:1] > 0
    needs = jnp.logical_and(kept < _TOPK, jnp.logical_not(comp0))
    s2_ref[...] = sm_ref[...]
    ar2_ref[...] = (x2_ref[...] - x1_ref[...]) * (y2_ref[...] - y1_ref[...])
    lane2 = lax.broadcasted_iota(jnp.int32, (b, npad), 1)

    def cond2(carry):
        t, done = carry
        return jnp.logical_and(t < _TOPK, jnp.logical_not(done))

    def body2(carry):
        t, _ = carry
        s = s2_ref[...]
        m = jnp.max(s, axis=1, keepdims=True)
        active = jnp.logical_and(needs, m > _SCORE_T)
        eq = s == m
        idx = jnp.min(jnp.where(eq, lane2, _BIGI), axis=1, keepdims=True)
        oh = jnp.logical_and(eq, lane2 == idx)
        x1 = x1_ref[...]
        y1 = y1_ref[...]
        x2 = x2_ref[...]
        y2 = y2_ref[...]
        lb = lb_ref[...]
        ar = ar2_ref[...]
        xi1 = jnp.max(jnp.where(oh, x1, _NEG), axis=1, keepdims=True)
        yi1 = jnp.max(jnp.where(oh, y1, _NEG), axis=1, keepdims=True)
        xi2 = jnp.max(jnp.where(oh, x2, _NEG), axis=1, keepdims=True)
        yi2 = jnp.max(jnp.where(oh, y2, _NEG), axis=1, keepdims=True)
        li = jnp.max(jnp.where(oh, lb, -1), axis=1, keepdims=True)
        ai = jnp.max(jnp.where(oh, ar, _NEG), axis=1, keepdims=True)
        xx1 = jnp.maximum(xi1, x1)
        yy1 = jnp.maximum(yi1, y1)
        xx2 = jnp.minimum(xi2, x2)
        yy2 = jnp.minimum(yi2, y2)
        inter = jnp.maximum(xx2 - xx1, 0.0) * jnp.maximum(yy2 - yy1, 0.0)
        iou = inter / (ai + ar - inter + 1e-12)
        kill = jnp.logical_or(
            oh,
            jnp.logical_and(jnp.logical_and(active, lb == li), iou > _IOU_T))
        s2_ref[...] = jnp.where(kill, -1.0, s)
        row8 = jnp.concatenate(
            [li.astype(jnp.float32), m, xi1, yi1, xi2, yi2, m, m], axis=1)
        prev = pk_ref[pl.ds(t, 1)][0]
        pk_ref[pl.ds(t, 1)] = jnp.where(active, row8, prev)[None]
        done = jnp.logical_not(jnp.any(active))
        return t + 1, done

    done0 = jnp.logical_not(jnp.any(needs))
    lax.while_loop(cond2, body2, (jnp.int32(0), done0))


def kernel(pred_logits, pred_boxes, orig_target_sizes):
    B, N, C = pred_logits.shape
    nb = 512
    grid = (N + nb - 1) // nb
    npad = grid * nb
    f32 = jnp.float32
    i32 = jnp.int32
    lgt = jnp.transpose(pred_logits, (0, 2, 1))
    bxp = jnp.transpose(
        jnp.pad(pred_boxes, ((0, 0), (0, npad - N), (0, 0))), (2, 0, 1))

    sm3, lb3 = pl.pallas_call(
        functools.partial(_dense_body, n_real=N, nb=nb),
        grid=(B, grid),
        in_specs=[
            pl.BlockSpec((1, C, nb), lambda b, i: (b, 0, i)),
        ],
        out_specs=[pl.BlockSpec((1, 1, nb), lambda b, i: (b, 0, i))] * 2,
        out_shape=[
            jax.ShapeDtypeStruct((B, 1, npad), f32),
            jax.ShapeDtypeStruct((B, 1, npad), i32),
        ],
    )(lgt)
    sm = sm3.reshape(B, npad)
    lb = lb3.reshape(B, npad)

    tau, comp, x1, y1, x2, y2 = pl.pallas_call(
        _bisect_body,
        out_shape=[
            jax.ShapeDtypeStruct((B, 128), f32),
            jax.ShapeDtypeStruct((B, 128), i32),
            jax.ShapeDtypeStruct((B, npad), f32),
            jax.ShapeDtypeStruct((B, npad), f32),
            jax.ShapeDtypeStruct((B, npad), f32),
            jax.ShapeDtypeStruct((B, npad), f32),
        ],
    )(sm, bxp, orig_target_sizes)

    mesh = plsc.VectorSubcoreMesh(core_axis_name="c", subcore_axis_name="s")
    sc_compact = functools.partial(
        pl.kernel,
        mesh=mesh,
        compiler_params=pltpu.CompilerParams(needs_layout_passes=False),
        out_type=[
            jax.ShapeDtypeStruct((B, _NCAND), f32),
            jax.ShapeDtypeStruct((B, _NCAND), i32),
            jax.ShapeDtypeStruct((B, _NCAND), f32),
            jax.ShapeDtypeStruct((B, _NCAND), f32),
            jax.ShapeDtypeStruct((B, _NCAND), f32),
            jax.ShapeDtypeStruct((B, _NCAND), f32),
        ],
        scratch_types=[
            pltpu.VMEM((npad,), f32),
            pltpu.VMEM((npad,), f32),
            pltpu.VMEM((npad,), i32),
            pltpu.VMEM((128,), f32),
            pltpu.VMEM((_NCAND,), i32),
            pltpu.VMEM((_NCAND,), f32),
            pltpu.VMEM((_NCAND,), i32),
        ],
    )(functools.partial(_sc_compact_body, n_img=B, npad=npad))
    cs, cl, cx1, cy1, cx2, cy2 = sc_compact(
        sm, tau, lb, x1, y1, x2, y2)

    pk = pl.pallas_call(
        _nms_body,
        out_shape=jax.ShapeDtypeStruct((_TOPK, B, B), f32),
        scratch_shapes=[
            pltpu.VMEM((B, npad), f32),
            pltpu.VMEM((B, npad), f32),
        ],
    )(cs, cl, cx1, cy1, cx2, cy2, comp, sm, lb, x1, y1, x2, y2)
    ol = pk[:, :, 0].T.astype(i32)
    osc = pk[:, :, 1].T
    boxes = jnp.transpose(pk[:, :, 2:6], (1, 0, 2))
    return ol, boxes, osc

# --- scband reference (transcript-rebuilt; emitter-appended) ---
"""Pipeline reference for scband-det-nmspost-processor-48627619726095 (READ-ONLY COPY).

The authoritative reference and input builder live on the scoring server;
editing this copy changes nothing except your own understanding.
"""

import jax, jax.numpy as jnp
from jax import lax
import numpy as np

IOU_THRESHOLD = 0.7
SCORE_THRESHOLD = 0.01
KEEP_TOPK = 300


def setup_inputs(seed: int = 0) -> dict:
    key = jax.random.key(seed)
    k1, k2, k3 = jax.random.split(key, 3)
    B, N, C = 8, 5000, 80
    pred_logits = jax.random.normal(k1, (B, N, C), dtype=jnp.float32)
    pred_boxes = jax.random.uniform(k2, (B, N, 4), dtype=jnp.float32)
    orig_target_sizes = jax.random.randint(k3, (B, 2), 320, 1280).astype(jnp.int32)
    return {"pred_logits": pred_logits, "pred_boxes": pred_boxes, "orig_target_sizes": orig_target_sizes}


def _greedy_nms(boxes, scores, labels, valid, iou_t, topk):
    n = scores.shape[0]
    order = jnp.argsort(jnp.where(valid, -scores, jnp.inf), stable=True)
    x1, y1, x2, y2 = boxes[:, 0], boxes[:, 1], boxes[:, 2], boxes[:, 3]
    areas = (x2 - x1) * (y2 - y1)

    def body(t, state):
        suppressed, keep, count = state
        i = order[t]
        take = jnp.logical_and(jnp.logical_not(suppressed[i]), count < topk)
        slot = jnp.minimum(count, topk - 1)
        keep = jnp.where(take, keep.at[slot].set(i), keep)
        count = count + take.astype(count.dtype)
        xx1 = jnp.maximum(x1[i], x1)
        yy1 = jnp.maximum(y1[i], y1)
        xx2 = jnp.minimum(x2[i], x2)
        yy2 = jnp.minimum(y2[i], y2)
        inter = jnp.maximum(xx2 - xx1, 0.0) * jnp.maximum(yy2 - yy1, 0.0)
        iou = inter / (areas[i] + areas - inter + 1e-12)
        # batched_nms: per-class NMS (same kept set as torchvision's coordinate offset trick)
        suppressed = suppressed | (take & (labels == labels[i]) & (iou > iou_t))
        return suppressed, keep, count

    suppressed0 = jnp.logical_not(valid)
    keep0 = jnp.zeros((topk,), dtype=jnp.int32)
    _, keep, count = lax.fori_loop(0, n, body, (suppressed0, keep0, jnp.int32(0)))
    return keep, count


def _postprocess_np(pred_logits, pred_boxes, orig_target_sizes):
    logits = jnp.asarray(pred_logits)
    boxes = jnp.asarray(pred_boxes)
    sizes = jnp.asarray(orig_target_sizes).astype(jnp.float32)
    B, N, _ = logits.shape
    cx, cy, w, h = boxes[..., 0], boxes[..., 1], boxes[..., 2], boxes[..., 3]
    xyxy = jnp.stack([cx - 0.5 * w, cy - 0.5 * h, cx + 0.5 * w, cy + 0.5 * h], axis=-1)
    scale = jnp.tile(sizes, (1, 2))[:, None, :]
    xyxy = xyxy * scale
    values = logits.max(axis=-1)
    labels = logits.argmax(axis=-1)
    scores = 1.0 / (1.0 + jnp.exp(-values))

    def per_image(xy, lab, sc):
        valid0 = sc > SCORE_THRESHOLD
        keep, count = _greedy_nms(xy, sc, lab, valid0, IOU_THRESHOLD, KEEP_TOPK)
        slot_ok = jnp.arange(KEEP_TOPK) < count
        out_l = jnp.where(slot_ok, lab[keep], -1)
        out_b = jnp.where(slot_ok[:, None], xy[keep], 0.0)
        out_s = jnp.where(slot_ok, sc[keep], 0.0)
        kf = jnp.where(slot_ok, keep, 0)
        return out_l, out_b, out_s, kf, slot_ok

    out_labels, out_boxes, out_scores, keep_full, valid = jax.vmap(per_image)(xyxy, labels, scores)
    return out_labels, out_boxes, out_scores, keep_full, valid


def reference(pred_logits, pred_boxes, orig_target_sizes):
    labels, boxes, scores, _, _ = _postprocess_np(pred_logits, pred_boxes, orig_target_sizes)
    return (jnp.asarray(labels), jnp.asarray(boxes), jnp.asarray(scores))

if __name__ == "__main__":
    import jax
    _d = setup_inputs()
    print(jax.jit(kernel)(*tuple(_d.values())))

</pallas_src>

<mosaic_0001>
#map = affine_map<(d0, d1) -> (0, 0)>
module attributes {stable_mosaic.version = 14 : i64} {
  func.func @_sc_compact_body(%arg0: i32, %arg1: i32, %arg2: memref<8x5120xf32, #tpu.memory_space<hbm>>, %arg3: memref<8x128xf32, #tpu.memory_space<hbm>>, %arg4: memref<8x5120xi32, #tpu.memory_space<hbm>>, %arg5: memref<8x5120xf32, #tpu.memory_space<hbm>>, %arg6: memref<8x5120xf32, #tpu.memory_space<hbm>>, %arg7: memref<8x5120xf32, #tpu.memory_space<hbm>>, %arg8: memref<8x5120xf32, #tpu.memory_space<hbm>>, %arg9: memref<8x512xf32, #tpu.memory_space<hbm>>, %arg10: memref<8x512xi32, #tpu.memory_space<hbm>>, %arg11: memref<8x512xf32, #tpu.memory_space<hbm>>, %arg12: memref<8x512xf32, #tpu.memory_space<hbm>>, %arg13: memref<8x512xf32, #tpu.memory_space<hbm>>, %arg14: memref<8x512xf32, #tpu.memory_space<hbm>>, %arg15: memref<5120xf32, #tpu.memory_space<vmem>>, %arg16: memref<5120xf32, #tpu.memory_space<vmem>>, %arg17: memref<5120xi32, #tpu.memory_space<vmem>>, %arg18: memref<128xf32, #tpu.memory_space<vmem>>, %arg19: memref<512xi32, #tpu.memory_space<vmem>>, %arg20: memref<512xf32, #tpu.memory_space<vmem>>, %arg21: memref<512xi32, #tpu.memory_space<vmem>>) attributes {dimension_semantics = [#tpu.dimension_semantics<core_parallel>, #tpu.dimension_semantics<subcore_parallel>], iteration_bounds = array<i64: 2, 16>, scalar_prefetch = 0 : i64, scratch_operands = 7 : i64, tpu.core_type = #tpu.core_type<sc_vector_subcore>, window_params = [{transform_indices = #map}, {transform_indices = #map}, {transform_indices = #map}, {transform_indices = #map}, {transform_indices = #map}, {transform_indices = #map}, {transform_indices = #map}, {transform_indices = #map}, {transform_indices = #map}, {transform_indices = #map}, {transform_indices = #map}, {transform_indices = #map}, {transform_indices = #map}]} {
    %mul3A = arith.constant 2 : i32
    %mul3A_0 = arith.muli %arg1, %mul3A : i32
    %add3A = arith.addi %mul3A_0, %arg0 : i32
    %lt3A = arith.constant 8 : i32
    %lt3A_1 = arith.cmpi slt, %add3A, %lt3A : i32
    %convert_element_type3A = arith.extui %lt3A_1 : i1 to i32
    %cond3A = arith.constant 0 : i32
    %cond3A_2 = arith.cmpi ne, %convert_element_type3A, %cond3A : i32
    scf.if %cond3A_2 {
      "tpu.region"() ({
        %run_scoped3A = tpu.sem_alloc : memref<!tpu.dma_semaphore, #tpu.memory_space<semaphore_mem>>
        %dma_start3A = arith.constant 0 : i32
        %dma_start3A_1349 = tpu.memref_slice %arg2[%add3A, %dma_start3A] : memref<8x5120xf32, #tpu.memory_space<hbm>> -> memref<1x5120xf32, #tpu.memory_space<hbm>>
        %dma_start3A_1350 = tpu.memref_squeeze %dma_start3A_1349 : memref<1x5120xf32, #tpu.memory_space<hbm>> -> memref<5120xf32, #tpu.memory_space<hbm>>
        %dma_start3A_1351 = arith.constant 0 : i32
        %dma_start3A_1352 = tpu.memref_slice %arg2[%add3A, %dma_start3A_1351] : memref<8x5120xf32, #tpu.memory_space<hbm>> -> memref<1x5120xf32, #tpu.memory_space<hbm>>
        %dma_start3A_1353 = tpu.memref_squeeze %dma_start3A_1352 : memref<1x5120xf32, #tpu.memory_space<hbm>> -> memref<5120xf32, #tpu.memory_space<hbm>>
        tpu.enqueue_dma source(%dma_start3A_1353 : memref<5120xf32, #tpu.memory_space<hbm>>) target(%arg15 : memref<5120xf32, #tpu.memory_space<vmem>>) target_semaphore(%run_scoped3A : memref<!tpu.dma_semaphore, #tpu.memory_space<semaphore_mem>>)
        %dma_wait3A = arith.constant 0 : i32
        %dma_wait3A_1354 = tpu.memref_slice %arg2[%add3A, %dma_wait3A] : memref<8x5120xf32, #tpu.memory_space<hbm>> -> memref<1x5120xf32, #tpu.memory_space<hbm>>
        %dma_wait3A_1355 = tpu.memref_squeeze %dma_wait3A_1354 : memref<1x5120xf32, #tpu.memory_space<hbm>> -> memref<5120xf32, #tpu.memory_space<hbm>>
        %dma_wait3A_1356 = arith.constant 0 : i32
        %dma_wait3A_1357 = tpu.memref_slice %arg2[%add3A, %dma_wait3A_1356] : memref<8x5120xf32, #tpu.memory_space<hbm>> -> memref<1x5120xf32, #tpu.memory_space<hbm>>
        %dma_wait3A_1358 = tpu.memref_squeeze %dma_wait3A_1357 : memref<1x5120xf32, #tpu.memory_space<hbm>> -> memref<5120xf32, #tpu.memory_space<hbm>>
        tpu.wait_dma2 semaphore(%run_scoped3A : memref<!tpu.dma_semaphore, #tpu.memory_space<semaphore_mem>>) src(%dma_wait3A_1358 : memref<5120xf32, #tpu.memory_space<hbm>>) dst(%arg15 : memref<5120xf32, #tpu.memory_space<vmem>>)
        tpu.yield
      }) : () -> ()
      "tpu.region"() ({
        %run_scoped3A = tpu.sem_alloc : memref<!tpu.dma_semaphore, #tpu.memory_space<semaphore_mem>>
        %dma_start3A = arith.constant 0 : i32
        %dma_start3A_1349 = tpu.memref_slice %arg3[%add3A, %dma_start3A] : memref<8x128xf32, #tpu.memory_space<hbm>> -> memref<1x128xf32, #tpu.memory_space<hbm>>
        %dma_start3A_1350 = tpu.memref_squeeze %dma_start3A_1349 : memref<1x128xf32, #tpu.memory_space<hbm>> -> memref<128xf32, #tpu.memory_space<hbm>>
        %dma_start3A_1351 = arith.constant 0 : i32
        %dma_start3A_1352 = tpu.memref_slice %arg3[%add3A, %dma_start3A_1351] : memref<8x128xf32, #tpu.memory_space<hbm>> -> memref<1x128xf32, #tpu.memory_space<hbm>>
        %dma_start3A_1353 = tpu.memref_squeeze %dma_start3A_1352 : memref<1x128xf32, #tpu.memory_space<hbm>> -> memref<128xf32, #tpu.memory_space<hbm>>
        tpu.enqueue_dma source(%dma_start3A_1353 : memref<128xf32, #tpu.memory_space<hbm>>) target(%arg18 : memref<128xf32, #tpu.memory_space<vmem>>) target_semaphore(%run_scoped3A : memref<!tpu.dma_semaphore, #tpu.memory_space<semaphore_mem>>)
        %dma_wait3A = arith.constant 0 : i32
        %dma_wait3A_1354 = tpu.memref_slice %arg3[%add3A, %dma_wait3A] : memref<8x128xf32, #tpu.memory_space<hbm>> -> memref<1x128xf32, #tpu.memory_space<hbm>>
        %dma_wait3A_1355 = tpu.memref_squeeze %dma_wait3A_1354 : memref<1x128xf32, #tpu.memory_space<hbm>> -> memref<128xf32, #tpu.memory_space<hbm>>
        %dma_wait3A_1356 = arith.constant 0 : i32
        %dma_wait3A_1357 = tpu.memref_slice %arg3[%add3A, %dma_wait3A_1356] : memref<8x128xf32, #tpu.memory_space<hbm>> -> memref<1x128xf32, #tpu.memory_space<hbm>>
        %dma_wait3A_1358 = tpu.memref_squeeze %dma_wait3A_1357 : memref<1x128xf32, #tpu.memory_space<hbm>> -> memref<128xf32, #tpu.memory_space<hbm>>
        tpu.wait_dma2 semaphore(%run_scoped3A : memref<!tpu.dma_semaphore, #tpu.memory_space<semaphore_mem>>) src(%dma_wait3A_1358 : memref<128xf32, #tpu.memory_space<hbm>>) dst(%arg18 : memref<128xf32, #tpu.memory_space<vmem>>)
        tpu.yield
      }) : () -> ()
      %get3A = arith.constant 0 : index
      %get3A_3 = tpu.vector_load %arg18[%get3A] {strides = array<i32>} : memref<128xf32, #tpu.memory_space<vmem>>, vector<16xf32>,
      %iota3A = tpu.iota {dimensions = array<i32: 0>} : vector<16xi32>
      %broadcast_in_dim3A = arith.constant 0 : i32
      %broadcast_in_dim3A_4 = vector.broadcast %broadcast_in_dim3A : i32 to vector<16xi32>
      %swap3A = arith.constant 0 : index
      %swap3A_5 = tpu.vector_load %arg19[%swap3A] {strides = array<i32>} : memref<512xi32, #tpu.memory_space<vmem>>, vector<16xi32>,
      tpu.vector_store %arg19[%swap3A], %broadcast_in_dim3A_4 {strides = array<i32>} : memref<512xi32, #tpu.memory_space<vmem>>, vector<16xi32>,
      %broadcast_in_dim3A_6 = arith.constant 0 : i32
      %broadcast_in_dim3A_7 = vector.broadcast %broadcast_in_dim3A_6 : i32 to vector<16xi32>
      %swap3A_8 = arith.constant 16 : index
      %swap3A_9 = tpu.vector_load %arg19[%swap3A_8] {strides = array<i32>} : memref<512xi32, #tpu.memory_space<vmem>>, vector<16xi32>,
      tpu.vector_store %arg19[%swap3A_8], %broadcast_in_dim3A_7 {strides = array<i32>} : memref<512xi32, #tpu.memory_space<vmem>>, vector<16xi32>,
      %broadcast_in_dim3A_10 = arith.constant 0 : i32
      %broadcast_in_dim3A_11 = vector.broadcast %broadcast_in_dim3A_10 : i32 to vector<16xi32>
      %swap3A_12 = arith.constant 32 : index
      %swap3A_13 = tpu.vector_load %arg19[%swap3A_12] {strides = array<i32>} : memref<512xi32, #tpu.memory_space<vmem>>, vector<16xi32>,
      tpu.vector_store %arg19[%swap3A_12], %broadcast_in_dim3A_11 {strides = array<i32>} : memref<512xi32, #tpu.memory_space<vmem>>, vector<16xi32>,
      %broadcast_in_dim3A_14 = arith.constant 0 : i32
      %broadcast_in_dim3A_15 = vector.broadcast %broadcast_in_dim3A_14 : i32 to vector<16xi32>
      %swap3A_16 = arith.constant 48 : index
      %swap3A_17 = tpu.vector_load %arg19[%swap3A_16] {strides = array<i32>} : memref<512xi32, #tpu.memory_space<vmem>>, vector<16xi32>,
      tpu.vector_store %arg19[%swap3A_16], %broadcast_in_dim3A_15 {strides = array<i32>} : memref<512xi32, #tpu.memory_space<vmem>>, vector<16xi32>,
      %broadcast_in_dim3A_18 = arith.constant 0 : i32
      %broadcast_in_dim3A_19 = vector.broadcast %broadcast_in_dim3A_18 : i32 to vector<16xi32>
      %swap3A_20 = arith.constant 64 : index
      %swap3A_21 = tpu.vector_load %arg19[%swap3A_20] {strides = array<i32>} : memref<512xi32, #tpu.memory_space<vmem>>, vector<16xi32>,
      tpu.vector_store %arg19[%swap3A_20], %broadcast_in_dim3A_19 {strides = array<i32>} : memref<512xi32, #tpu.memory_space<vmem>>, vector<16xi32>,
      %broadcast_in_dim3A_22 = arith.constant 0 : i32
      %broadcast_in_dim3A_23 = vector.broadcast %broadcast_in_dim3A_22 : i32 to vector<16xi32>
      %swap3A_24 = arith.constant 80 : index
      %swap3A_25 = tpu.vector_load %arg19[%swap3A_24] {strides = array<i32>} : memref<512xi32, #tpu.memory_space<vmem>>, vector<16xi32>,
      tpu.vector_store %arg19[%swap3A_24], %broadcast_in_dim3A_23 {strides = array<i32>} : memref<512xi32, #tpu.memory_space<vmem>>, vector<16xi32>,
      %broadcast_in_dim3A_26 = arith.constant 0 : i32
      %broadcast_in_dim3A_27 = vector.broadcast %broadcast_in_dim3A_26 : i32 to vector<16xi32>
      %swap3A_28 = arith.constant 96 : index
      %swap3A_29 = tpu.vector_load %arg19[%swap3A_28] {strides = array<i32>} : memref<512xi32, #tpu.memory_space<vmem>>, vector<16xi32>,
      tpu.vector_store %arg19[%swap3A_28], %broadcast_in_dim3A_27 {strides = array<i32>} : memref<512xi32, #tpu.memory_space<vmem>>, vector<16xi32>,
      %broadcast_in_dim3A_30 = arith.constant 0 : i32
      %broadcast_in_dim3A_31 = vector.broadcast %broadcast_in_dim3A_30 : i32 to vector<16xi32>
      %swap3A_32 = arith.constant 112 : index
      %swap3A_33 = tpu.vector_load %arg19[%swap3A_32] {strides = array<i32>} : memref<512xi32, #tpu.memory_space<vmem>>, vector<16xi32>,
      tpu.vector_store %arg19[%swap3A_32], %broadcast_in_dim3A_31 {strides = array<i32>} : memref<512xi32, #tpu.memory_space<vmem>>, vector<16xi32>,
      %broadcast_in_dim3A_34 = arith.constant 0 : i32
      %broadcast_in_dim3A_35 = vector.broadcast %broadcast_in_dim3A_34 : i32 to vector<16xi32>
      %swap3A_36 = arith.constant 128 : index
      %swap3A_37 = tpu.vector_load %arg19[%swap3A_36] {strides = array<i32>} : memref<512xi32, #tpu.memory_space<vmem>>, vector<16xi32>,
      tpu.vector_store %arg19[%swap3A_36], %broadcast_in_dim3A_35 {strides = array<i32>} : memref<512xi32, #tpu.memory_space<vmem>>, vector<16xi32>,
      %broadcast_in_dim3A_38 = arith.constant 0 : i32
      %broadcast_in_dim3A_39 = vector.broadcast %broadcast_in_dim3A_38 : i32 to vector<16xi32>
      %swap3A_40 = arith.constant 144 : index
      %swap3A_41 = tpu.vector_load %arg19[%swap3A_40] {strides = array<i32>} : memref<512xi32, #tpu.memory_space<vmem>>, vector<16xi32>,
      tpu.vector_store %arg19[%swap3A_40], %broadcast_in_dim3A_39 {strides = array<i32>} : memref<512xi32, #tpu.memory_space<vmem>>, vector<16xi32>,
      %broadcast_in_dim3A_42 = arith.constant 0 : i32
      %broadcast_in_dim3A_43 = vector.broadcast %broadcast_in_dim3A_42 : i32 to vector<16xi32>
      %swap3A_44 = arith.constant 160 : index
      %swap3A_45 = tpu.vector_load %arg19[%swap3A_44] {strides = array<i32>} : memref<512xi32, #tpu.memory_space<vmem>>, vector<16xi32>,
      tpu.vector_store %arg19[%swap3A_44], %broadcast_in_dim3A_43 {strides = array<i32>} : memref<512xi32, #tpu.memory_space<vmem>>, vector<16xi32>,
      %broadcast_in_dim3A_46 = arith.constant 0 : i32
      %broadcast_in_dim3A_47 = vector.broadcast %broadcast_in_dim3A_46 : i32 to vector<16xi32>
      %swap3A_48 = arith.constant 176 : index
      %swap3A_49 = tpu.vector_load %arg19[%swap3A_48] {strides = array<i32>} : memref<512xi32, #tpu.memory_space<vmem>>, vector<16xi32>,
      tpu.vector_store %arg19[%swap3A_48], %broadcast_in_dim3A_47 {strides = array<i32>} : memref<512xi32, #tpu.memory_space<vmem>>, vector<16xi32>,
      %broadcast_in_dim3A_50 = arith.constant 0 : i32
      %broadcast_in_dim3A_51 = vector.broadcast %broadcast_in_dim3A_50 : i32 to vector<16xi32>
      %swap3A_52 = arith.constant 192 : index
      %swap3A_53 = tpu.vector_load %arg19[%swap3A_52] {strides = array<i32>} : memref<512xi32, #tpu.memory_space<vmem>>, vector<16xi32>,
      tpu.vector_store %arg19[%swap3A_52], %broadcast_in_dim3A_51 {strides = array<i32>} : memref<512xi32, #tpu.memory_space<vmem>>, vector<16xi32>,
      %broadcast_in_dim3A_54 = arith.constant 0 : i32
      %broadcast_in_dim3A_55 = vector.broadcast %broadcast_in_dim3A_54 : i32 to vector<16xi32>
      %swap3A_56 = arith.constant 208 : index
      %swap3A_57 = tpu.vector_load %arg19[%swap3A_56] {strides = array<i32>} : memref<512xi32, #tpu.memory_space<vmem>>, vector<16xi32>,
      tpu.vector_store %arg19[%swap3A_56], %broadcast_in_dim3A_55 {strides = array<i32>} : memref<512xi32, #tpu.memory_space<vmem>>, vector<16xi32>,
      %broadcast_in_dim3A_58 = arith.constant 0 : i32
      %broadcast_in_dim3A_59 = vector.broadcast %broadcast_in_dim3A_58 : i32 to vector<16xi32>
      %swap3A_60 = arith.constant 224 : index
      %swap3A_61 = tpu.vector_load %arg19[%swap3A_60] {strides = array<i32>} : memref<512xi32, #tpu.memory_space<vmem>>, vector<16xi32>,
      tpu.vector_store %arg19[%swap3A_60], %broadcast_in_dim3A_59 {strides = array<i32>} : memref<512xi32, #tpu.memory_space<vmem>>, vector<16xi32>,
      %broadcast_in_dim3A_62 = arith.constant 0 : i32
      %broadcast_in_dim3A_63 = vector.broadcast %broadcast_in_dim3A_62 : i32 to vector<16xi32>
      %swap3A_64 = arith.constant 240 : index
      %swap3A_65 = tpu.vector_load %arg19[%swap3A_64] {strides = array<i32>} : memref<512xi32, #tpu.memory_space<vmem>>, vector<16xi32>,
      tpu.vector_store %arg19[%swap3A_64], %broadcast_in_dim3A_63 {strides = array<i32>} : memref<512xi32, #tpu.memory_space<vmem>>, vector<16xi32>,
      %broadcast_in_dim3A_66 = arith.constant 0 : i32
      %broadcast_in_dim3A_67 = vector.broadcast %broadcast_in_dim3A_66 : i32 to vector<16xi32>
      %swap3A_68 = arith.constant 256 : index
      %swap3A_69 = tpu.vector_load %arg19[%swap3A_68] {strides = array<i32>} : memref<512xi32, #tpu.memory_space<vmem>>, vector<16xi32>,
      tpu.vector_store %arg19[%swap3A_68], %broadcast_in_dim3A_67 {strides = array<i32>} : memref<512xi32, #tpu.memory_space<vmem>>, vector<16xi32>,
      %broadcast_in_dim3A_70 = arith.constant 0 : i32
      %broadcast_in_dim3A_71 = vector.broadcast %broadcast_in_dim3A_70 : i32 to vector<16xi32>
      %swap3A_72 = arith.constant 272 : index
      %swap3A_73 = tpu.vector_load %arg19[%swap3A_72] {strides = array<i32>} : memref<512xi32, #tpu.memory_space<vmem>>, vector<16xi32>,
      tpu.vector_store %arg19[%swap3A_72], %broadcast_in_dim3A_71 {strides = array<i32>} : memref<512xi32, #tpu.memory_space<vmem>>, vector<16xi32>,
      %broadcast_in_dim3A_74 = arith.constant 0 : i32
      %broadcast_in_dim3A_75 = vector.broadcast %broadcast_in_dim3A_74 : i32 to vector<16xi32>
      %swap3A_76 = arith.constant 288 : index
      %swap3A_77 = tpu.vector_load %arg19[%swap3A_76] {strides = array<i32>} : memref<512xi32, #tpu.memory_space<vmem>>, vector<16xi32>,
      tpu.vector_store %arg19[%swap3A_76], %broadcast_in_dim3A_75 {strides = array<i32>} : memref<512xi32, #tpu.memory_space<vmem>>, vector<16xi32>,
      %broadcast_in_dim3A_78 = arith.constant 0 : i32
      %broadcast_in_dim3A_79 = vector.broadcast %broadcast_in_dim3A_78 : i32 to vector<16xi32>
      %swap3A_80 = arith.constant 304 : index
      %swap3A_81 = tpu.vector_load %arg19[%swap3A_80] {strides = array<i32>} : memref<512xi32, #tpu.memory_space<vmem>>, vector<16xi32>,
      tpu.vector_store %arg19[%swap3A_80], %broadcast_in_dim3A_79 {strides = array<i32>} : memref<512xi32, #tpu.memory_space<vmem>>, vector<16xi32>,
      %broadcast_in_dim3A_82 = arith.constant 0 : i32
      %broadcast_in_dim3A_83 = vector.broadcast %broadcast_in_dim3A_82 : i32 to vector<16xi32>
      %swap3A_84 = arith.constant 320 : index
      %swap3A_85 = tpu.vector_load %arg19[%swap3A_84] {strides = array<i32>} : memref<512xi32, #tpu.memory_space<vmem>>, vector<16xi32>,
      tpu.vector_store %arg19[%swap3A_84], %broadcast_in_dim3A_83 {strides = array<i32>} : memref<512xi32, #tpu.memory_space<vmem>>, vector<16xi32>,
      %broadcast_in_dim3A_86 = arith.constant 0 : i32
      %broadcast_in_dim3A_87 = vector.broadcast %broadcast_in_dim3A_86 : i32 to vector<16xi32>
      %swap3A_88 = arith.constant 336 : index
      %swap3A_89 = tpu.vector_load %arg19[%swap3A_88] {strides = array<i32>} : memref<512xi32, #tpu.memory_space<vmem>>, vector<16xi32>,
      tpu.vector_store %arg19[%swap3A_88], %broadcast_in_dim3A_87 {strides = array<i32>} : memref<512xi32, #tpu.memory_space<vmem>>, vector<16xi32>,
      %broadcast_in_dim3A_90 = arith.constant 0 : i32
      %broadcast_in_dim3A_91 = vector.broadcast %broadcast_in_dim3A_90 : i32 to vector<16xi32>
      %swap3A_92 = arith.constant 352 : index
      %swap3A_93 = tpu.vector_load %arg19[%swap3A_92] {strides = array<i32>} : memref<512xi32, #tpu.memory_space<vmem>>, vector<16xi32>,
      tpu.vector_store %arg19[%swap3A_92], %broadcast_in_dim3A_91 {strides = array<i32>} : memref<512xi32, #tpu.memory_space<vmem>>, vector<16xi32>,
      %broadcast_in_dim3A_94 = arith.constant 0 : i32
      %broadcast_in_dim3A_95 = vector.broadcast %broadcast_in_dim3A_94 : i32 to vector<16xi32>
      %swap3A_96 = arith.constant 368 : index
      %swap3A_97 = tpu.vector_load %arg19[%swap3A_96] {strides = array<i32>} : memref<512xi32, #tpu.memory_space<vmem>>, vector<16xi32>,
      tpu.vector_store %arg19[%swap3A_96], %broadcast_in_dim3A_95 {strides = array<i32>} : memref<512xi32, #tpu.memory_space<vmem>>, vector<16xi32>,
      %broadcast_in_dim3A_98 = arith.constant 0 : i32
      %broadcast_in_dim3A_99 = vector.broadcast %broadcast_in_dim3A_98 : i32 to vector<16xi32>
      %swap3A_100 = arith.constant 384 : index
      %swap3A_101 = tpu.vector_load %arg19[%swap3A_100] {strides = array<i32>} : memref<512xi32, #tpu.memory_space<vmem>>, vector<16xi32>,
      tpu.vector_store %arg19[%swap3A_100], %broadcast_in_dim3A_99 {strides = array<i32>} : memref<512xi32, #tpu.memory_space<vmem>>, vector<16xi32>,
      %broadcast_in_dim3A_102 = arith.constant 0 : i32
      %broadcast_in_dim3A_103 = vector.broadcast %broadcast_in_dim3A_102 : i32 to vector<16xi32>
      %swap3A_104 = arith.constant 400 : index
      %swap3A_105 = tpu.vector_load %arg19[%swap3A_104] {strides = array<i32>} : memref<512xi32, #tpu.memory_space<vmem>>, vector<16xi32>,
      tpu.vector_store %arg19[%swap3A_104], %broadcast_in_dim3A_103 {strides = array<i32>} : memref<512xi32, #tpu.memory_space<vmem>>, vector<16xi32>,
      %broadcast_in_dim3A_106 = arith.constant 0 : i32
      %broadcast_in_dim3A_107 = vector.broadcast %broadcast_in_dim3A_106 : i32 to vector<16xi32>
      %swap3A_108 = arith.constant 416 : index
      %swap3A_109 = tpu.vector_load %arg19[%swap3A_108] {strides = array<i32>} : memref<512xi32, #tpu.memory_space<vmem>>, vector<16xi32>,
      tpu.vector_store %arg19[%swap3A_108], %broadcast_in_dim3A_107 {strides = array<i32>} : memref<512xi32, #tpu.memory_space<vmem>>, vector<16xi32>,
      %broadcast_in_dim3A_110 = arith.constant 0 : i32
      %broadcast_in_dim3A_111 = vector.broadcast %broadcast_in_dim3A_110 : i32 to vector<16xi32>
      %swap3A_112 = arith.constant 432 : index
      %swap3A_113 = tpu.vector_load %arg19[%swap3A_112] {strides = array<i32>} : memref<512xi32, #tpu.memory_space<vmem>>, vector<16xi32>,
      tpu.vector_store %arg19[%swap3A_112], %broadcast_in_dim3A_111 {strides = array<i32>} : memref<512xi32, #tpu.memory_space<vmem>>, vector<16xi32>,
      %broadcast_in_dim3A_114 = arith.constant 0 : i32
      %broadcast_in_dim3A_115 = vector.broadcast %broadcast_in_dim3A_114 : i32 to vector<16xi32>
      %swap3A_116 = arith.constant 448 : index
      %swap3A_117 = tpu.vector_load %arg19[%swap3A_116] {strides = array<i32>} : memref<512xi32, #tpu.memory_space<vmem>>, vector<16xi32>,
      tpu.vector_store %arg19[%swap3A_116], %broadcast_in_dim3A_115 {strides = array<i32>} : memref<512xi32, #tpu.memory_space<vmem>>, vector<16xi32>,
      %broadcast_in_dim3A_118 = arith.constant 0 : i32
      %broadcast_in_dim3A_119 = vector.broadcast %broadcast_in_dim3A_118 : i32 to vector<16xi32>
      %swap3A_120 = arith.constant 464 : index
      %swap3A_121 = tpu.vector_load %arg19[%swap3A_120] {strides = array<i32>} : memref<512xi32, #tpu.memory_space<vmem>>, vector<16xi32>,
      tpu.vector_store %arg19[%swap3A_120], %broadcast_in_dim3A_119 {strides = array<i32>} : memref<512xi32, #tpu.memory_space<vmem>>, vector<16xi32>,
      %broadcast_in_dim3A_122 = arith.constant 0 : i32
      %broadcast_in_dim3A_123 = vector.broadcast %broadcast_in_dim3A_122 : i32 to vector<16xi32>
      %swap3A_124 = arith.constant 480 : index
      %swap3A_125 = tpu.vector_load %arg19[%swap3A_124] {strides = array<i32>} : memref<512xi32, #tpu.memory_space<vmem>>, vector<16xi32>,
      tpu.vector_store %arg19[%swap3A_124], %broadcast_in_dim3A_123 {strides = array<i32>} : memref<512xi32, #tpu.memory_space<vmem>>, vector<16xi32>,
      %broadcast_in_dim3A_126 = arith.constant 0 : i32
      %broadcast_in_dim3A_127 = vector.broadcast %broadcast_in_dim3A_126 : i32 to vector<16xi32>
      %swap3A_128 = arith.constant 496 : index
      %swap3A_129 = tpu.vector_load %arg19[%swap3A_128] {strides = array<i32>} : memref<512xi32, #tpu.memory_space<vmem>>, vector<16xi32>,
      tpu.vector_store %arg19[%swap3A_128], %broadcast_in_dim3A_127 {strides = array<i32>} : memref<512xi32, #tpu.memory_space<vmem>>, vector<16xi32>,
      %scan3A = arith.constant 0 : i32
      %scan3A_130 = arith.constant 0 : i32
      %scan3A_131 = arith.constant 320 : i32
      %scan3A_132 = arith.addi %scan3A_130, %scan3A_131 : i32
      %scan3A_133 = arith.constant 1 : i32
      %scan3A_134 = scf.for %scan3A_1349 = %scan3A_130 to %scan3A_132 step %scan3A_133 iter_args(%scan3A_1350 = %scan3A) -> (i32)  : i32 {
        %mul3A_1351 = arith.constant 16 : i32
        %mul3A_1352 = arith.muli %scan3A_1349, %mul3A_1351 : i32
        %add3A_1353 = vector.broadcast %mul3A_1352 : i32 to vector<16xi32>
        %add3A_1354 = arith.addi %add3A_1353, %iota3A : vector<16xi32>
        %gather3A_1355 = tpu.vector_load_idx %arg15[%add3A_1354] : memref<5120xf32, #tpu.memory_space<vmem>>[vector<16xi32>], vector<16xf32>,
        %ge3A = arith.cmpf oge, %gather3A_1355, %get3A_3 : vector<16xf32>
        %convert_element_type3A_1356 = arith.extui %ge3A : vector<16xi1> to vector<16xi32>
        %broadcast_in_dim3A_1357 = arith.constant true
        %broadcast_in_dim3A_1358 = vector.broadcast %broadcast_in_dim3A_1357 : i1 to vector<16xi1>
        %masked_cumsum3A = tpu.scan <sum>, %convert_element_type3A_1356 masked %broadcast_in_dim3A_1358 : vector<16xi32>, vector<16xi1> -> vector<16xi32>
        %add3A_1359 = vector.broadcast %scan3A_1350 : i32 to vector<16xi32>
        %add3A_1360 = arith.addi %add3A_1359, %masked_cumsum3A : vector<16xi32>
        %sub3A = arith.subi %add3A_1360, %convert_element_type3A_1356 : vector<16xi32>
        tpu.vector_store_idx %arg19[%sub3A], %add3A_1354 masked %ge3A : memref<512xi32, #tpu.memory_space<vmem>>[vector<16xi32>], vector<16xi32>, vector<16xi1>
        %reduce_sum3A = arith.constant true
        %reduce_sum3A_1361 = vector.broadcast %reduce_sum3A : i1 to vector<16xi1>
        %reduce_sum3A_1362 = tpu.scan <sum>, %convert_element_type3A_1356 masked %reduce_sum3A_1361 : vector<16xi32>, vector<16xi1> -> vector<16xi32>
        %reduce_sum3A_1363 = vector.extract %reduce_sum3A_1362[15] : i32 from vector<16xi32>
        %add3A_1364 = arith.addi %scan3A_1350, %reduce_sum3A_1363 : i32
        scf.yield %add3A_1364 : i32
      }
      %scan3A_135 = arith.constant 320 : i32
      %get3A_136 = arith.constant 0 : index
      %get3A_137 = tpu.vector_load %arg19[%get3A_136] {strides = array<i32>} : memref<512xi32, #tpu.memory_space<vmem>>, vector<16xi32>,
      %gather3A = tpu.vector_load_idx %arg15[%get3A_137] : memref<5120xf32, #tpu.memory_space<vmem>>[vector<16xi32>], vector<16xf32>,
      %add3A_138 = arith.constant 0 : i32
      %add3A_139 = vector.broadcast %add3A_138 : i32 to vector<16xi32>
      %add3A_140 = arith.addi %add3A_139, %iota3A : vector<16xi32>
      %lt3A_141 = vector.broadcast %scan3A_134 : i32 to vector<16xi32>
      %lt3A_142 = arith.cmpi slt, %add3A_140, %lt3A_141 : vector<16xi32>
      %jit3A = arith.constant -1.000000e+00 : f32
      %broadcast_in_dim3A_143 = vector.broadcast %jit3A : f32 to vector<16xf32>
      %select_n3A = arith.select %lt3A_142, %gather3A, %broadcast_in_dim3A_143 : vector<16xi1>, vector<16xf32>
      %swap3A_144 = arith.constant 0 : index
      %swap3A_145 = tpu.vector_load %arg20[%swap3A_144] {strides = array<i32>} : memref<512xf32, #tpu.memory_space<vmem>>, vector<16xf32>,
      tpu.vector_store %arg20[%swap3A_144], %select_n3A {strides = array<i32>} : memref<512xf32, #tpu.memory_space<vmem>>, vector<16xf32>,
      %get3A_146 = arith.constant 16 : index
      %get3A_147 = tpu.vector_load %arg19[%get3A_146] {strides = array<i32>} : memref<512xi32, #tpu.memory_space<vmem>>, vector<16xi32>,
      %gather3A_148 = tpu.vector_load_idx %arg15[%get3A_147] : memref<5120xf32, #tpu.memory_space<vmem>>[vector<16xi32>], vector<16xf32>,
      %add3A_149 = arith.constant 16 : i32
      %add3A_150 = vector.broadcast %add3A_149 : i32 to vector<16xi32>
      %add3A_151 = arith.addi %add3A_150, %iota3A : vector<16xi32>
      %lt3A_152 = vector.broadcast %scan3A_134 : i32 to vector<16xi32>
      %lt3A_153 = arith.cmpi slt, %add3A_151, %lt3A_152 : vector<16xi32>
      %jit3A_154 = arith.constant -1.000000e+00 : f32
      %broadcast_in_dim3A_155 = vector.broadcast %jit3A_154 : f32 to vector<16xf32>
      %select_n3A_156 = arith.select %lt3A_153, %gather3A_148, %broadcast_in_dim3A_155 : vector<16xi1>, vector<16xf32>
      %swap3A_157 = arith.constant 16 : index
      %swap3A_158 = tpu.vector_load %arg20[%swap3A_157] {strides = array<i32>} : memref<512xf32, #tpu.memory_space<vmem>>, vector<16xf32>,
      tpu.vector_store %arg20[%swap3A_157], %select_n3A_156 {strides = array<i32>} : memref<512xf32, #tpu.memory_space<vmem>>, vector<16xf32>,
      %get3A_159 = arith.constant 32 : index
      %get3A_160 = tpu.vector_load %arg19[%get3A_159] {strides = array<i32>} : memref<512xi32, #tpu.memory_space<vmem>>, vector<16xi32>,
      %gather3A_161 = tpu.vector_load_idx %arg15[%get3A_160] : memref<5120xf32, #tpu.memory_space<vmem>>[vector<16xi32>], vector<16xf32>,
      %add3A_162 = arith.constant 32 : i32
      %add3A_163 = vector.broadcast %add3A_162 : i32 to vector<16xi32>
      %add3A_164 = arith.addi %add3A_163, %iota3A : vector<16xi32>
      %lt3A_165 = vector.broadcast %scan3A_134 : i32 to vector<16xi32>
      %lt3A_166 = arith.cmpi slt, %add3A_164, %lt3A_165 : vector<16xi32>
      %jit3A_167 = arith.constant -1.000000e+00 : f32
      %broadcast_in_dim3A_168 = vector.broadcast %jit3A_167 : f32 to vector<16xf32>
      %select_n3A_169 = arith.select %lt3A_166, %gather3A_161, %broadcast_in_dim3A_168 : vector<16xi1>, vector<16xf32>
      %swap3A_170 = arith.constant 32 : index
      %swap3A_171 = tpu.vector_load %arg20[%swap3A_170] {strides = array<i32>} : memref<512xf32, #tpu.memory_space<vmem>>, vector<16xf32>,
      tpu.vector_store %arg20[%swap3A_170], %select_n3A_169 {strides = array<i32>} : memref<512xf32, #tpu.memory_space<vmem>>, vector<16xf32>,
      %get3A_172 = arith.constant 48 : index
      %get3A_173 = tpu.vector_load %arg19[%get3A_172] {strides = array<i32>} : memref<512xi32, #tpu.memory_space<vmem>>, vector<16xi32>,
      %gather3A_174 = tpu.vector_load_idx %arg15[%get3A_173] : memref<5120xf32, #tpu.memory_space<vmem>>[vector<16xi32>], vector<16xf32>,
      %add3A_175 = arith.constant 48 : i32
      %add3A_176 = vector.broadcast %add3A_175 : i32 to vector<16xi32>
      %add3A_177 = arith.addi %add3A_176, %iota3A : vector<16xi32>
      %lt3A_178 = vector.broadcast %scan3A_134 : i32 to vector<16xi32>
      %lt3A_179 = arith.cmpi slt, %add3A_177, %lt3A_178 : vector<16xi32>
      %jit3A_180 = arith.constant -1.000000e+00 : f32
      %broadcast_in_dim3A_181 = vector.broadcast %jit3A_180 : f32 to vector<16xf32>
      %select_n3A_182 = arith.select %lt3A_179, %gather3A_174, %broadcast_in_dim3A_181 : vector<16xi1>, vector<16xf32>
      %swap3A_183 = arith.constant 48 : index
      %swap3A_184 = tpu.vector_load %arg20[%swap3A_183] {strides = array<i32>} : memref<512xf32, #tpu.memory_space<vmem>>, vector<16xf32>,
      tpu.vector_store %arg20[%swap3A_183], %select_n3A_182 {strides = array<i32>} : memref<512xf32, #tpu.memory_space<vmem>>, vector<16xf32>,
      %get3A_185 = arith.constant 64 : index
      %get3A_186 = tpu.vector_load %arg19[%get3A_185] {strides = array<i32>} : memref<512xi32, #tpu.memory_space<vmem>>, vector<16xi32>,
      %gather3A_187 = tpu.vector_load_idx %arg15[%get3A_186] : memref<5120xf32, #tpu.memory_space<vmem>>[vector<16xi32>], vector<16xf32>,
      %add3A_188 = arith.constant 64 : i32
      %add3A_189 = vector.broadcast %add3A_188 : i32 to vector<16xi32>
      %add3A_190 = arith.addi %add3A_189, %iota3A : vector<16xi32>
      %lt3A_191 = vector.broadcast %scan3A_134 : i32 to vector<16xi32>
      %lt3A_192 = arith.cmpi slt, %add3A_190, %lt3A_191 : vector<16xi32>
      %jit3A_193 = arith.constant -1.000000e+00 : f32
      %broadcast_in_dim3A_194 = vector.broadcast %jit3A_193 : f32 to vector<16xf32>
      %select_n3A_195 = arith.select %lt3A_192, %gather3A_187, %broadcast_in_dim3A_194 : vector<16xi1>, vector<16xf32>
      %swap3A_196 = arith.constant 64 : index
      %swap3A_197 = tpu.vector_load %arg20[%swap3A_196] {strides = array<i32>} : memref<512xf32, #tpu.memory_space<vmem>>, vector<16xf32>,
      tpu.vector_store %arg20[%swap3A_196], %select_n3A_195 {strides = array<i32>} : memref<512xf32, #tpu.memory_space<vmem>>, vector<16xf32>,
      %get3A_198 = arith.constant 80 : index
      %get3A_199 = tpu.vector_load %arg19[%get3A_198] {strides = array<i32>} : memref<512xi32, #tpu.memory_space<vmem>>, vector<16xi32>,
      %gather3A_200 = tpu.vector_load_idx %arg15[%get3A_199] : memref<5120xf32, #tpu.memory_space<vmem>>[vector<16xi32>], vector<16xf32>,
      %add3A_201 = arith.constant 80 : i32
      %add3A_202 = vector.broadcast %add3A_201 : i32 to vector<16xi32>
      %add3A_203 = arith.addi %add3A_202, %iota3A : vector<16xi32>
      %lt3A_204 = vector.broadcast %scan3A_134 : i32 to vector<16xi32>
      %lt3A_205 = arith.cmpi slt, %add3A_203, %lt3A_204 : vector<16xi32>
      %jit3A_206 = arith.constant -1.000000e+00 : f32
      %broadcast_in_dim3A_207 = vector.broadcast %jit3A_206 : f32 to vector<16xf32>
      %select_n3A_208 = arith.select %lt3A_205, %gather3A_200, %broadcast_in_dim3A_207 : vector<16xi1>, vector<16xf32>
      %swap3A_209 = arith.constant 80 : index
      %swap3A_210 = tpu.vector_load %arg20[%swap3A_209] {strides = array<i32>} : memref<512xf32, #tpu.memory_space<vmem>>, vector<16xf32>,
      tpu.vector_store %arg20[%swap3A_209], %select_n3A_208 {strides = array<i32>} : memref<512xf32, #tpu.memory_space<vmem>>, vector<16xf32>,
      %get3A_211 = arith.constant 96 : index
      %get3A_212 = tpu.vector_load %arg19[%get3A_211] {strides = array<i32>} : memref<512xi32, #tpu.memory_space<vmem>>, vector<16xi32>,
      %gather3A_213 = tpu.vector_load_idx %arg15[%get3A_212] : memref<5120xf32, #tpu.memory_space<vmem>>[vector<16xi32>], vector<16xf32>,
      %add3A_214 = arith.constant 96 : i32
      %add3A_215 = vector.broadcast %add3A_214 : i32 to vector<16xi32>
      %add3A_216 = arith.addi %add3A_215, %iota3A : vector<16xi32>
      %lt3A_217 = vector.broadcast %scan3A_134 : i32 to vector<16xi32>
      %lt3A_218 = arith.cmpi slt, %add3A_216, %lt3A_217 : vector<16xi32>
      %jit3A_219 = arith.constant -1.000000e+00 : f32
      %broadcast_in_dim3A_220 = vector.broadcast %jit3A_219 : f32 to vector<16xf32>
      %select_n3A_221 = arith.select %lt3A_218, %gather3A_213, %broadcast_in_dim3A_220 : vector<16xi1>, vector<16xf32>
      %swap3A_222 = arith.constant 96 : index
      %swap3A_223 = tpu.vector_load %arg20[%swap3A_222] {strides = array<i32>} : memref<512xf32, #tpu.memory_space<vmem>>, vector<16xf32>,
      tpu.vector_store %arg20[%swap3A_222], %select_n3A_221 {strides = array<i32>} : memref<512xf32, #tpu.memory_space<vmem>>, vector<16xf32>,
      %get3A_224 = arith.constant 112 : index
      %get3A_225 = tpu.vector_load %arg19[%get3A_224] {strides = array<i32>} : memref<512xi32, #tpu.memory_space<vmem>>, vector<16xi32>,
      %gather3A_226 = tpu.vector_load_idx %arg15[%get3A_225] : memref<5120xf32, #tpu.memory_space<vmem>>[vector<16xi32>], vector<16xf32>,
      %add3A_227 = arith.constant 112 : i32
      %add3A_228 = vector.broadcast %add3A_227 : i32 to vector<16xi32>
      %add3A_229 = arith.addi %add3A_228, %iota3A : vector<16xi32>
      %lt3A_230 = vector.broadcast %scan3A_134 : i32 to vector<16xi32>
      %lt3A_231 = arith.cmpi slt, %add3A_229, %lt3A_230 : vector<16xi32>
      %jit3A_232 = arith.constant -1.000000e+00 : f32
      %broadcast_in_dim3A_233 = vector.broadcast %jit3A_232 : f32 to vector<16xf32>
      %select_n3A_234 = arith.select %lt3A_231, %gather3A_226, %broadcast_in_dim3A_233 : vector<16xi1>, vector<16xf32>
      %swap3A_235 = arith.constant 112 : index
      %swap3A_236 = tpu.vector_load %arg20[%swap3A_235] {strides = array<i32>} : memref<512xf32, #tpu.memory_space<vmem>>, vector<16xf32>,
      tpu.vector_store %arg20[%swap3A_235], %select_n3A_234 {strides = array<i32>} : memref<512xf32, #tpu.memory_space<vmem>>, vector<16xf32>,
      %get3A_237 = arith.constant 128 : index
      %get3A_238 = tpu.vector_load %arg19[%get3A_237] {strides = array<i32>} : memref<512xi32, #tpu.memory_space<vmem>>, vector<16xi32>,
      %gather3A_239 = tpu.vector_load_idx %arg15[%get3A_238] : memref<5120xf32, #tpu.memory_space<vmem>>[vector<16xi32>], vector<16xf32>,
      %add3A_240 = arith.constant 128 : i32
      %add3A_241 = vector.broadcast %add3A_240 : i32 to vector<16xi32>
      %add3A_242 = arith.addi %add3A_241, %iota3A : vector<16xi32>
      %lt3A_243 = vector.broadcast %scan3A_134 : i32 to vector<16xi32>
      %lt3A_244 = arith.cmpi slt, %add3A_242, %lt3A_243 : vector<16xi32>
      %jit3A_245 = arith.constant -1.000000e+00 : f32
      %broadcast_in_dim3A_246 = vector.broadcast %jit3A_245 : f32 to vector<16xf32>
      %select_n3A_247 = arith.select %lt3A_244, %gather3A_239, %broadcast_in_dim3A_246 : vector<16xi1>, vector<16xf32>
      %swap3A_248 = arith.constant 128 : index
      %swap3A_249 = tpu.vector_load %arg20[%swap3A_248] {strides = array<i32>} : memref<512xf32, #tpu.memory_space<vmem>>, vector<16xf32>,
      tpu.vector_store %arg20[%swap3A_248], %select_n3A_247 {strides = array<i32>} : memref<512xf32, #tpu.memory_space<vmem>>, vector<16xf32>,
      %get3A_250 = arith.constant 144 : index
      %get3A_251 = tpu.vector_load %arg19[%get3A_250] {strides = array<i32>} : memref<512xi32, #tpu.memory_space<vmem>>, vector<16xi32>,
      %gather3A_252 = tpu.vector_load_idx %arg15[%get3A_251] : memref<5120xf32, #tpu.memory_space<vmem>>[vector<16xi32>], vector<16xf32>,
      %add3A_253 = arith.constant 144 : i32
      %add3A_254 = vector.broadcast %add3A_253 : i32 to vector<16xi32>
      %add3A_255 = arith.addi %add3A_254, %iota3A : vector<16xi32>
      %lt3A_256 = vector.broadcast %scan3A_134 : i32 to vector<16xi32>
      %lt3A_257 = arith.cmpi slt, %add3A_255, %lt3A_256 : vector<16xi32>
      %jit3A_258 = arith.constant -1.000000e+00 : f32
      %broadcast_in_dim3A_259 = vector.broadcast %jit3A_258 : f32 to vector<16xf32>
      %select_n3A_260 = arith.select %lt3A_257, %gather3A_252, %broadcast_in_dim3A_259 : vector<16xi1>, vector<16xf32>
      %swap3A_261 = arith.constant 144 : index
      %swap3A_262 = tpu.vector_load %arg20[%swap3A_261] {strides = array<i32>} : memref<512xf32, #tpu.memory_space<vmem>>, vector<16xf32>,
      tpu.vector_store %arg20[%swap3A_261], %select_n3A_260 {strides = array<i32>} : memref<512xf32, #tpu.memory_space<vmem>>, vector<16xf32>,
      %get3A_263 = arith.constant 160 : index
      %get3A_264 = tpu.vector_load %arg19[%get3A_263] {strides = array<i32>} : memref<512xi32, #tpu.memory_space<vmem>>, vector<16xi32>,
      %gather3A_265 = tpu.vector_load_idx %arg15[%get3A_264] : memref<5120xf32, #tpu.memory_space<vmem>>[vector<16xi32>], vector<16xf32>,
      %add3A_266 = arith.constant 160 : i32
      %add3A_267 = vector.broadcast %add3A_266 : i32 to vector<16xi32>
      %add3A_268 = arith.addi %add3A_267, %iota3A : vector<16xi32>
      %lt3A_269 = vector.broadcast %scan3A_134 : i32 to vector<16xi32>
      %lt3A_270 = arith.cmpi slt, %add3A_268, %lt3A_269 : vector<16xi32>
      %jit3A_271 = arith.constant -1.000000e+00 : f32
      %broadcast_in_dim3A_272 = vector.broadcast %jit3A_271 : f32 to vector<16xf32>
      %select_n3A_273 = arith.select %lt3A_270, %gather3A_265, %broadcast_in_dim3A_272 : vector<16xi1>, vector<16xf32>
      %swap3A_274 = arith.constant 160 : index
      %swap3A_275 = tpu.vector_load %arg20[%swap3A_274] {strides = array<i32>} : memref<512xf32, #tpu.memory_space<vmem>>, vector<16xf32>,
      tpu.vector_store %arg20[%swap3A_274], %select_n3A_273 {strides = array<i32>} : memref<512xf32, #tpu.memory_space<vmem>>, vector<16xf32>,
      %get3A_276 = arith.constant 176 : index
      %get3A_277 = tpu.vector_load %arg19[%get3A_276] {strides = array<i32>} : memref<512xi32, #tpu.memory_space<vmem>>, vector<16xi32>,
      %gather3A_278 = tpu.vector_load_idx %arg15[%get3A_277] : memref<5120xf32, #tpu.memory_space<vmem>>[vector<16xi32>], vector<16xf32>,
      %add3A_279 = arith.constant 176 : i32
      %add3A_280 = vector.broadcast %add3A_279 : i32 to vector<16xi32>
      %add3A_281 = arith.addi %add3A_280, %iota3A : vector<16xi32>
      %lt3A_282 = vector.broadcast %scan3A_134 : i32 to vector<16xi32>
      %lt3A_283 = arith.cmpi slt, %add3A_281, %lt3A_282 : vector<16xi32>
      %jit3A_284 = arith.constant -1.000000e+00 : f32
      %broadcast_in_dim3A_285 = vector.broadcast %jit3A_284 : f32 to vector<16xf32>
      %select_n3A_286 = arith.select %lt3A_283, %gather3A_278, %broadcast_in_dim3A_285 : vector<16xi1>, vector<16xf32>
      %swap3A_287 = arith.constant 176 : index
      %swap3A_288 = tpu.vector_load %arg20[%swap3A_287] {strides = array<i32>} : memref<512xf32, #tpu.memory_space<vmem>>, vector<16xf32>,
      tpu.vector_store %arg20[%swap3A_287], %select_n3A_286 {strides = array<i32>} : memref<512xf32, #tpu.memory_space<vmem>>, vector<16xf32>,
      %get3A_289 = arith.constant 192 : index
      %get3A_290 = tpu.vector_load %arg19[%get3A_289] {strides = array<i32>} : memref<512xi32, #tpu.memory_space<vmem>>, vector<16xi32>,
      %gather3A_291 = tpu.vector_load_idx %arg15[%get3A_290] : memref<5120xf32, #tpu.memory_space<vmem>>[vector<16xi32>], vector<16xf32>,
      %add3A_292 = arith.constant 192 : i32
      %add3A_293 = vector.broadcast %add3A_292 : i32 to vector<16xi32>
      %add3A_294 = arith.addi %add3A_293, %iota3A : vector<16xi32>
      %lt3A_295 = vector.broadcast %scan3A_134 : i32 to vector<16xi32>
      %lt3A_296 = arith.cmpi slt, %add3A_294, %lt3A_295 : vector<16xi32>
      %jit3A_297 = arith.constant -1.000000e+00 : f32
      %broadcast_in_dim3A_298 = vector.broadcast %jit3A_297 : f32 to vector<16xf32>
      %select_n3A_299 = arith.select %lt3A_296, %gather3A_291, %broadcast_in_dim3A_298 : vector<16xi1>, vector<16xf32>
      %swap3A_300 = arith.constant 192 : index
      %swap3A_301 = tpu.vector_load %arg20[%swap3A_300] {strides = array<i32>} : memref<512xf32, #tpu.memory_space<vmem>>, vector<16xf32>,
      tpu.vector_store %arg20[%swap3A_300], %select_n3A_299 {strides = array<i32>} : memref<512xf32, #tpu.memory_space<vmem>>, vector<16xf32>,
      %get3A_302 = arith.constant 208 : index
      %get3A_303 = tpu.vector_load %arg19[%get3A_302] {strides = array<i32>} : memref<512xi32, #tpu.memory_space<vmem>>, vector<16xi32>,
      %gather3A_304 = tpu.vector_load_idx %arg15[%get3A_303] : memref<5120xf32, #tpu.memory_space<vmem>>[vector<16xi32>], vector<16xf32>,
      %add3A_305 = arith.constant 208 : i32
      %add3A_306 = vector.broadcast %add3A_305 : i32 to vector<16xi32>
      %add3A_307 = arith.addi %add3A_306, %iota3A : vector<16xi32>
      %lt3A_308 = vector.broadcast %scan3A_134 : i32 to vector<16xi32>
      %lt3A_309 = arith.cmpi slt, %add3A_307, %lt3A_308 : vector<16xi32>
      %jit3A_310 = arith.constant -1.000000e+00 : f32
      %broadcast_in_dim3A_311 = vector.broadcast %jit3A_310 : f32 to vector<16xf32>
      %select_n3A_312 = arith.select %lt3A_309, %gather3A_304, %broadcast_in_dim3A_311 : vector<16xi1>, vector<16xf32>
      %swap3A_313 = arith.constant 208 : index
      %swap3A_314 = tpu.vector_load %arg20[%swap3A_313] {strides = array<i32>} : memref<512xf32, #tpu.memory_space<vmem>>, vector<16xf32>,
      tpu.vector_store %arg20[%swap3A_313], %select_n3A_312 {strides = array<i32>} : memref<512xf32, #tpu.memory_space<vmem>>, vector<16xf32>,
      %get3A_315 = arith.constant 224 : index
      %get3A_316 = tpu.vector_load %arg19[%get3A_315] {strides = array<i32>} : memref<512xi32, #tpu.memory_space<vmem>>, vector<16xi32>,
      %gather3A_317 = tpu.vector_load_idx %arg15[%get3A_316] : memref<5120xf32, #tpu.memory_space<vmem>>[vector<16xi32>], vector<16xf32>,
      %add3A_318 = arith.constant 224 : i32
      %add3A_319 = vector.broadcast %add3A_318 : i32 to vector<16xi32>
      %add3A_320 = arith.addi %add3A_319, %iota3A : vector<16xi32>
      %lt3A_321 = vector.broadcast %scan3A_134 : i32 to vector<16xi32>
      %lt3A_322 = arith.cmpi slt, %add3A_320, %lt3A_321 : vector<16xi32>
      %jit3A_323 = arith.constant -1.000000e+00 : f32
      %broadcast_in_dim3A_324 = vector.broadcast %jit3A_323 : f32 to vector<16xf32>
      %select_n3A_325 = arith.select %lt3A_322, %gather3A_317, %broadcast_in_dim3A_324 : vector<16xi1>, vector<16xf32>
      %swap3A_326 = arith.constant 224 : index
      %swap3A_327 = tpu.vector_load %arg20[%swap3A_326] {strides = array<i32>} : memref<512xf32, #tpu.memory_space<vmem>>, vector<16xf32>,
      tpu.vector_store %arg20[%swap3A_326], %select_n3A_325 {strides = array<i32>} : memref<512xf32, #tpu.memory_space<vmem>>, vector<16xf32>,
      %get3A_328 = arith.constant 240 : index
      %get3A_329 = tpu.vector_load %arg19[%get3A_328] {strides = array<i32>} : memref<512xi32, #tpu.memory_space<vmem>>, vector<16xi32>,
      %gather3A_330 = tpu.vector_load_idx %arg15[%get3A_329] : memref<5120xf32, #tpu.memory_space<vmem>>[vector<16xi32>], vector<16xf32>,
      %add3A_331 = arith.constant 240 : i32
      %add3A_332 = vector.broadcast %add3A_331 : i32 to vector<16xi32>
      %add3A_333 = arith.addi %add3A_332, %iota3A : vector<16xi32>
      %lt3A_334 = vector.broadcast %scan3A_134 : i32 to vector<16xi32>
      %lt3A_335 = arith.cmpi slt, %add3A_333, %lt3A_334 : vector<16xi32>
      %jit3A_336 = arith.constant -1.000000e+00 : f32
      %broadcast_in_dim3A_337 = vector.broadcast %jit3A_336 : f32 to vector<16xf32>
      %select_n3A_338 = arith.select %lt3A_335, %gather3A_330, %broadcast_in_dim3A_337 : vector<16xi1>, vector<16xf32>
      %swap3A_339 = arith.constant 240 : index
      %swap3A_340 = tpu.vector_load %arg20[%swap3A_339] {strides = array<i32>} : memref<512xf32, #tpu.memory_space<vmem>>, vector<16xf32>,
      tpu.vector_store %arg20[%swap3A_339], %select_n3A_338 {strides = array<i32>} : memref<512xf32, #tpu.memory_space<vmem>>, vector<16xf32>,
      %get3A_341 = arith.constant 256 : index
      %get3A_342 = tpu.vector_load %arg19[%get3A_341] {strides = array<i32>} : memref<512xi32, #tpu.memory_space<vmem>>, vector<16xi32>,
      %gather3A_343 = tpu.vector_load_idx %arg15[%get3A_342] : memref<5120xf32, #tpu.memory_space<vmem>>[vector<16xi32>], vector<16xf32>,
      %add3A_344 = arith.constant 256 : i32
      %add3A_345 = vector.broadcast %add3A_344 : i32 to vector<16xi32>
      %add3A_346 = arith.addi %add3A_345, %iota3A : vector<16xi32>
      %lt3A_347 = vector.broadcast %scan3A_134 : i32 to vector<16xi32>
      %lt3A_348 = arith.cmpi slt, %add3A_346, %lt3A_347 : vector<16xi32>
      %jit3A_349 = arith.constant -1.000000e+00 : f32
      %broadcast_in_dim3A_350 = vector.broadcast %jit3A_349 : f32 to vector<16xf32>
      %select_n3A_351 = arith.select %lt3A_348, %gather3A_343, %broadcast_in_dim3A_350 : vector<16xi1>, vector<16xf32>
      %swap3A_352 = arith.constant 256 : index
      %swap3A_353 = tpu.vector_load %arg20[%swap3A_352] {strides = array<i32>} : memref<512xf32, #tpu.memory_space<vmem>>, vector<16xf32>,
      tpu.vector_store %arg20[%swap3A_352], %select_n3A_351 {strides = array<i32>} : memref<512xf32, #tpu.memory_space<vmem>>, vector<16xf32>,
      %get3A_354 = arith.constant 272 : index
      %get3A_355 = tpu.vector_load %arg19[%get3A_354] {strides = array<i32>} : memref<512xi32, #tpu.memory_space<vmem>>, vector<16xi32>,
      %gather3A_356 = tpu.vector_load_idx %arg15[%get3A_355] : memref<5120xf32, #tpu.memory_space<vmem>>[vector<16xi32>], vector<16xf32>,
      %add3A_357 = arith.constant 272 : i32
      %add3A_358 = vector.broadcast %add3A_357 : i32 to vector<16xi32>
      %add3A_359 = arith.addi %add3A_358, %iota3A : vector<16xi32>
      %lt3A_360 = vector.broadcast %scan3A_134 : i32 to vector<16xi32>
      %lt3A_361 = arith.cmpi slt, %add3A_359, %lt3A_360 : vector<16xi32>
      %jit3A_362 = arith.constant -1.000000e+00 : f32
      %broadcast_in_dim3A_363 = vector.broadcast %jit3A_362 : f32 to vector<16xf32>
      %select_n3A_364 = arith.select %lt3A_361, %gather3A_356, %broadcast_in_dim3A_363 : vector<16xi1>, vector<16xf32>
      %swap3A_365 = arith.constant 272 : index
      %swap3A_366 = tpu.vector_load %arg20[%swap3A_365] {strides = array<i32>} : memref<512xf32, #tpu.memory_space<vmem>>, vector<16xf32>,
      tpu.vector_store %arg20[%swap3A_365], %select_n3A_364 {strides = array<i32>} : memref<512xf32, #tpu.memory_space<vmem>>, vector<16xf32>,
      %get3A_367 = arith.constant 288 : index
      %get3A_368 = tpu.vector_load %arg19[%get3A_367] {strides = array<i32>} : memref<512xi32, #tpu.memory_space<vmem>>, vector<16xi32>,
      %gather3A_369 = tpu.vector_load_idx %arg15[%get3A_368] : memref<5120xf32, #tpu.memory_space<vmem>>[vector<16xi32>], vector<16xf32>,
      %add3A_370 = arith.constant 288 : i32
      %add3A_371 = vector.broadcast %add3A_370 : i32 to vector<16xi32>
      %add3A_372 = arith.addi %add3A_371, %iota3A : vector<16xi32>
      %lt3A_373 = vector.broadcast %scan3A_134 : i32 to vector<16xi32>
      %lt3A_374 = arith.cmpi slt, %add3A_372, %lt3A_373 : vector<16xi32>
      %jit3A_375 = arith.constant -1.000000e+00 : f32
      %broadcast_in_dim3A_376 = vector.broadcast %jit3A_375 : f32 to vector<16xf32>
      %select_n3A_377 = arith.select %lt3A_374, %gather3A_369, %broadcast_in_dim3A_376 : vector<16xi1>, vector<16xf32>
      %swap3A_378 = arith.constant 288 : index
      %swap3A_379 = tpu.vector_load %arg20[%swap3A_378] {strides = array<i32>} : memref<512xf32, #tpu.memory_space<vmem>>, vector<16xf32>,
      tpu.vector_store %arg20[%swap3A_378], %select_n3A_377 {strides = array<i32>} : memref<512xf32, #tpu.memory_space<vmem>>, vector<16xf32>,
      %get3A_380 = arith.constant 304 : index
      %get3A_381 = tpu.vector_load %arg19[%get3A_380] {strides = array<i32>} : memref<512xi32, #tpu.memory_space<vmem>>, vector<16xi32>,
      %gather3A_382 = tpu.vector_load_idx %arg15[%get3A_381] : memref<5120xf32, #tpu.memory_space<vmem>>[vector<16xi32>], vector<16xf32>,
      %add3A_383 = arith.constant 304 : i32
      %add3A_384 = vector.broadcast %add3A_383 : i32 to vector<16xi32>
      %add3A_385 = arith.addi %add3A_384, %iota3A : vector<16xi32>
      %lt3A_386 = vector.broadcast %scan3A_134 : i32 to vector<16xi32>
      %lt3A_387 = arith.cmpi slt, %add3A_385, %lt3A_386 : vector<16xi32>
      %jit3A_388 = arith.constant -1.000000e+00 : f32
      %broadcast_in_dim3A_389 = vector.broadcast %jit3A_388 : f32 to vector<16xf32>
      %select_n3A_390 = arith.select %lt3A_387, %gather3A_382, %broadcast_in_dim3A_389 : vector<16xi1>, vector<16xf32>
      %swap3A_391 = arith.constant 304 : index
      %swap3A_392 = tpu.vector_load %arg20[%swap3A_391] {strides = array<i32>} : memref<512xf32, #tpu.memory_space<vmem>>, vector<16xf32>,
      tpu.vector_store %arg20[%swap3A_391], %select_n3A_390 {strides = array<i32>} : memref<512xf32, #tpu.memory_space<vmem>>, vector<16xf32>,
      %get3A_393 = arith.constant 320 : index
      %get3A_394 = tpu.vector_load %arg19[%get3A_393] {strides = array<i32>} : memref<512xi32, #tpu.memory_space<vmem>>, vector<16xi32>,
      %gather3A_395 = tpu.vector_load_idx %arg15[%get3A_394] : memref<5120xf32, #tpu.memory_space<vmem>>[vector<16xi32>], vector<16xf32>,
      %add3A_396 = arith.constant 320 : i32
      %add3A_397 = vector.broadcast %add3A_396 : i32 to vector<16xi32>
      %add3A_398 = arith.addi %add3A_397, %iota3A : vector<16xi32>
      %lt3A_399 = vector.broadcast %scan3A_134 : i32 to vector<16xi32>
      %lt3A_400 = arith.cmpi slt, %add3A_398, %lt3A_399 : vector<16xi32>
      %jit3A_401 = arith.constant -1.000000e+00 : f32
      %broadcast_in_dim3A_402 = vector.broadcast %jit3A_401 : f32 to vector<16xf32>
      %select_n3A_403 = arith.select %lt3A_400, %gather3A_395, %broadcast_in_dim3A_402 : vector<16xi1>, vector<16xf32>
      %swap3A_404 = arith.constant 320 : index
      %swap3A_405 = tpu.vector_load %arg20[%swap3A_404] {strides = array<i32>} : memref<512xf32, #tpu.memory_space<vmem>>, vector<16xf32>,
      tpu.vector_store %arg20[%swap3A_404], %select_n3A_403 {strides = array<i32>} : memref<512xf32, #tpu.memory_space<vmem>>, vector<16xf32>,
      %get3A_406 = arith.constant 336 : index
      %get3A_407 = tpu.vector_load %arg19[%get3A_406] {strides = array<i32>} : memref<512xi32, #tpu.memory_space<vmem>>, vector<16xi32>,
      %gather3A_408 = tpu.vector_load_idx %arg15[%get3A_407] : memref<5120xf32, #tpu.memory_space<vmem>>[vector<16xi32>], vector<16xf32>,
      %add3A_409 = arith.constant 336 : i32
      %add3A_410 = vector.broadcast %add3A_409 : i32 to vector<16xi32>
      %add3A_411 = arith.addi %add3A_410, %iota3A : vector<16xi32>
      %lt3A_412 = vector.broadcast %scan3A_134 : i32 to vector<16xi32>
      %lt3A_413 = arith.cmpi slt, %add3A_411, %lt3A_412 : vector<16xi32>
      %jit3A_414 = arith.constant -1.000000e+00 : f32
      %broadcast_in_dim3A_415 = vector.broadcast %jit3A_414 : f32 to vector<16xf32>
      %select_n3A_416 = arith.select %lt3A_413, %gather3A_408, %broadcast_in_dim3A_415 : vector<16xi1>, vector<16xf32>
      %swap3A_417 = arith.constant 336 : index
      %swap3A_418 = tpu.vector_load %arg20[%swap3A_417] {strides = array<i32>} : memref<512xf32, #tpu.memory_space<vmem>>, vector<16xf32>,
      tpu.vector_store %arg20[%swap3A_417], %select_n3A_416 {strides = array<i32>} : memref<512xf32, #tpu.memory_space<vmem>>, vector<16xf32>,
      %get3A_419 = arith.constant 352 : index
      %get3A_420 = tpu.vector_load %arg19[%get3A_419] {strides = array<i32>} : memref<512xi32, #tpu.memory_space<vmem>>, vector<16xi32>,
      %gather3A_421 = tpu.vector_load_idx %arg15[%get3A_420] : memref<5120xf32, #tpu.memory_space<vmem>>[vector<16xi32>], vector<16xf32>,
      %add3A_422 = arith.constant 352 : i32
      %add3A_423 = vector.broadcast %add3A_422 : i32 to vector<16xi32>
      %add3A_424 = arith.addi %add3A_423, %iota3A : vector<16xi32>
      %lt3A_425 = vector.broadcast %scan3A_134 : i32 to vector<16xi32>
      %lt3A_426 = arith.cmpi slt, %add3A_424, %lt3A_425 : vector<16xi32>
      %jit3A_427 = arith.constant -1.000000e+00 : f32
      %broadcast_in_dim3A_428 = vector.broadcast %jit3A_427 : f32 to vector<16xf32>
      %select_n3A_429 = arith.select %lt3A_426, %gather3A_421, %broadcast_in_dim3A_428 : vector<16xi1>, vector<16xf32>
      %swap3A_430 = arith.constant 352 : index
      %swap3A_431 = tpu.vector_load %arg20[%swap3A_430] {strides = array<i32>} : memref<512xf32, #tpu.memory_space<vmem>>, vector<16xf32>,
      tpu.vector_store %arg20[%swap3A_430], %select_n3A_429 {strides = array<i32>} : memref<512xf32, #tpu.memory_space<vmem>>, vector<16xf32>,
      %get3A_432 = arith.constant 368 : index
      %get3A_433 = tpu.vector_load %arg19[%get3A_432] {strides = array<i32>} : memref<512xi32, #tpu.memory_space<vmem>>, vector<16xi32>,
      %gather3A_434 = tpu.vector_load_idx %arg15[%get3A_433] : memref<5120xf32, #tpu.memory_space<vmem>>[vector<16xi32>], vector<16xf32>,
      %add3A_435 = arith.constant 368 : i32
      %add3A_436 = vector.broadcast %add3A_435 : i32 to vector<16xi32>
      %add3A_437 = arith.addi %add3A_436, %iota3A : vector<16xi32>
      %lt3A_438 = vector.broadcast %scan3A_134 : i32 to vector<16xi32>
      %lt3A_439 = arith.cmpi slt, %add3A_437, %lt3A_438 : vector<16xi32>
      %jit3A_440 = arith.constant -1.000000e+00 : f32
      %broadcast_in_dim3A_441 = vector.broadcast %jit3A_440 : f32 to vector<16xf32>
      %select_n3A_442 = arith.select %lt3A_439, %gather3A_434, %broadcast_in_dim3A_441 : vector<16xi1>, vector<16xf32>
      %swap3A_443 = arith.constant 368 : index
      %swap3A_444 = tpu.vector_load %arg20[%swap3A_443] {strides = array<i32>} : memref<512xf32, #tpu.memory_space<vmem>>, vector<16xf32>,
      tpu.vector_store %arg20[%swap3A_443], %select_n3A_442 {strides = array<i32>} : memref<512xf32, #tpu.memory_space<vmem>>, vector<16xf32>,
      %get3A_445 = arith.constant 384 : index
      %get3A_446 = tpu.vector_load %arg19[%get3A_445] {strides = array<i32>} : memref<512xi32, #tpu.memory_space<vmem>>, vector<16xi32>,
      %gather3A_447 = tpu.vector_load_idx %arg15[%get3A_446] : memref<5120xf32, #tpu.memory_space<vmem>>[vector<16xi32>], vector<16xf32>,
      %add3A_448 = arith.constant 384 : i32
      %add3A_449 = vector.broadcast %add3A_448 : i32 to vector<16xi32>
      %add3A_450 = arith.addi %add3A_449, %iota3A : vector<16xi32>
      %lt3A_451 = vector.broadcast %scan3A_134 : i32 to vector<16xi32>
      %lt3A_452 = arith.cmpi slt, %add3A_450, %lt3A_451 : vector<16xi32>
      %jit3A_453 = arith.constant -1.000000e+00 : f32
      %broadcast_in_dim3A_454 = vector.broadcast %jit3A_453 : f32 to vector<16xf32>
      %select_n3A_455 = arith.select %lt3A_452, %gather3A_447, %broadcast_in_dim3A_454 : vector<16xi1>, vector<16xf32>
      %swap3A_456 = arith.constant 384 : index
      %swap3A_457 = tpu.vector_load %arg20[%swap3A_456] {strides = array<i32>} : memref<512xf32, #tpu.memory_space<vmem>>, vector<16xf32>,
      tpu.vector_store %arg20[%swap3A_456], %select_n3A_455 {strides = array<i32>} : memref<512xf32, #tpu.memory_space<vmem>>, vector<16xf32>,
      %get3A_458 = arith.constant 400 : index
      %get3A_459 = tpu.vector_load %arg19[%get3A_458] {strides = array<i32>} : memref<512xi32, #tpu.memory_space<vmem>>, vector<16xi32>,
      %gather3A_460 = tpu.vector_load_idx %arg15[%get3A_459] : memref<5120xf32, #tpu.memory_space<vmem>>[vector<16xi32>], vector<16xf32>,
      %add3A_461 = arith.constant 400 : i32
      %add3A_462 = vector.broadcast %add3A_461 : i32 to vector<16xi32>
      %add3A_463 = arith.addi %add3A_462, %iota3A : vector<16xi32>
      %lt3A_464 = vector.broadcast %scan3A_134 : i32 to vector<16xi32>
      %lt3A_465 = arith.cmpi slt, %add3A_463, %lt3A_464 : vector<16xi32>
      %jit3A_466 = arith.constant -1.000000e+00 : f32
      %broadcast_in_dim3A_467 = vector.broadcast %jit3A_466 : f32 to vector<16xf32>
      %select_n3A_468 = arith.select %lt3A_465, %gather3A_460, %broadcast_in_dim3A_467 : vector<16xi1>, vector<16xf32>
      %swap3A_469 = arith.constant 400 : index
      %swap3A_470 = tpu.vector_load %arg20[%swap3A_469] {strides = array<i32>} : memref<512xf32, #tpu.memory_space<vmem>>, vector<16xf32>,
      tpu.vector_store %arg20[%swap3A_469], %select_n3A_468 {strides = array<i32>} : memref<512xf32, #tpu.memory_space<vmem>>, vector<16xf32>,
      %get3A_471 = arith.constant 416 : index
      %get3A_472 = tpu.vector_load %arg19[%get3A_471] {strides = array<i32>} : memref<512xi32, #tpu.memory_space<vmem>>, vector<16xi32>,
      %gather3A_473 = tpu.vector_load_idx %arg15[%get3A_472] : memref<5120xf32, #tpu.memory_space<vmem>>[vector<16xi32>], vector<16xf32>,
      %add3A_474 = arith.constant 416 : i32
      %add3A_475 = vector.broadcast %add3A_474 : i32 to vector<16xi32>
      %add3A_476 = arith.addi %add3A_475, %iota3A : vector<16xi32>
      %lt3A_477 = vector.broadcast %scan3A_134 : i32 to vector<16xi32>
      %lt3A_478 = arith.cmpi slt, %add3A_476, %lt3A_477 : vector<16xi32>
      %jit3A_479 = arith.constant -1.000000e+00 : f32
      %broadcast_in_dim3A_480 = vector.broadcast %jit3A_479 : f32 to vector<16xf32>
      %select_n3A_481 = arith.select %lt3A_478, %gather3A_473, %broadcast_in_dim3A_480 : vector<16xi1>, vector<16xf32>
      %swap3A_482 = arith.constant 416 : index
      %swap3A_483 = tpu.vector_load %arg20[%swap3A_482] {strides = array<i32>} : memref<512xf32, #tpu.memory_space<vmem>>, vector<16xf32>,
      tpu.vector_store %arg20[%swap3A_482], %select_n3A_481 {strides = array<i32>} : memref<512xf32, #tpu.memory_space<vmem>>, vector<16xf32>,
      %get3A_484 = arith.constant 432 : index
      %get3A_485 = tpu.vector_load %arg19[%get3A_484] {strides = array<i32>} : memref<512xi32, #tpu.memory_space<vmem>>, vector<16xi32>,
      %gather3A_486 = tpu.vector_load_idx %arg15[%get3A_485] : memref<5120xf32, #tpu.memory_space<vmem>>[vector<16xi32>], vector<16xf32>,
      %add3A_487 = arith.constant 432 : i32
      %add3A_488 = vector.broadcast %add3A_487 : i32 to vector<16xi32>
      %add3A_489 = arith.addi %add3A_488, %iota3A : vector<16xi32>
      %lt3A_490 = vector.broadcast %scan3A_134 : i32 to vector<16xi32>
      %lt3A_491 = arith.cmpi slt, %add3A_489, %lt3A_490 : vector<16xi32>
      %jit3A_492 = arith.constant -1.000000e+00 : f32
      %broadcast_in_dim3A_493 = vector.broadcast %jit3A_492 : f32 to vector<16xf32>
      %select_n3A_494 = arith.select %lt3A_491, %gather3A_486, %broadcast_in_dim3A_493 : vector<16xi1>, vector<16xf32>
      %swap3A_495 = arith.constant 432 : index
      %swap3A_496 = tpu.vector_load %arg20[%swap3A_495] {strides = array<i32>} : memref<512xf32, #tpu.memory_space<vmem>>, vector<16xf32>,
      tpu.vector_store %arg20[%swap3A_495], %select_n3A_494 {strides = array<i32>} : memref<512xf32, #tpu.memory_space<vmem>>, vector<16xf32>,
      %get3A_497 = arith.constant 448 : index
      %get3A_498 = tpu.vector_load %arg19[%get3A_497] {strides = array<i32>} : memref<512xi32, #tpu.memory_space<vmem>>, vector<16xi32>,
      %gather3A_499 = tpu.vector_load_idx %arg15[%get3A_498] : memref<5120xf32, #tpu.memory_space<vmem>>[vector<16xi32>], vector<16xf32>,
      %add3A_500 = arith.constant 448 : i32
      %add3A_501 = vector.broadcast %add3A_500 : i32 to vector<16xi32>
      %add3A_502 = arith.addi %add3A_501, %iota3A : vector<16xi32>
      %lt3A_503 = vector.broadcast %scan3A_134 : i32 to vector<16xi32>
      %lt3A_504 = arith.cmpi slt, %add3A_502, %lt3A_503 : vector<16xi32>
      %jit3A_505 = arith.constant -1.000000e+00 : f32
      %broadcast_in_dim3A_506 = vector.broadcast %jit3A_505 : f32 to vector<16xf32>
      %select_n3A_507 = arith.select %lt3A_504, %gather3A_499, %broadcast_in_dim3A_506 : vector<16xi1>, vector<16xf32>
      %swap3A_508 = arith.constant 448 : index
      %swap3A_509 = tpu.vector_load %arg20[%swap3A_508] {strides = array<i32>} : memref<512xf32, #tpu.memory_space<vmem>>, vector<16xf32>,
      tpu.vector_store %arg20[%swap3A_508], %select_n3A_507 {strides = array<i32>} : memref<512xf32, #tpu.memory_space<vmem>>, vector<16xf32>,
      %get3A_510 = arith.constant 464 : index
      %get3A_511 = tpu.vector_load %arg19[%get3A_510] {strides = array<i32>} : memref<512xi32, #tpu.memory_space<vmem>>, vector<16xi32>,
      %gather3A_512 = tpu.vector_load_idx %arg15[%get3A_511] : memref<5120xf32, #tpu.memory_space<vmem>>[vector<16xi32>], vector<16xf32>,
      %add3A_513 = arith.constant 464 : i32
      %add3A_514 = vector.broadcast %add3A_513 : i32 to vector<16xi32>
      %add3A_515 = arith.addi %add3A_514, %iota3A : vector<16xi32>
      %lt3A_516 = vector.broadcast %scan3A_134 : i32 to vector<16xi32>
      %lt3A_517 = arith.cmpi slt, %add3A_515, %lt3A_516 : vector<16xi32>
      %jit3A_518 = arith.constant -1.000000e+00 : f32
      %broadcast_in_dim3A_519 = vector.broadcast %jit3A_518 : f32 to vector<16xf32>
      %select_n3A_520 = arith.select %lt3A_517, %gather3A_512, %broadcast_in_dim3A_519 : vector<16xi1>, vector<16xf32>
      %swap3A_521 = arith.constant 464 : index
      %swap3A_522 = tpu.vector_load %arg20[%swap3A_521] {strides = array<i32>} : memref<512xf32, #tpu.memory_space<vmem>>, vector<16xf32>,
      tpu.vector_store %arg20[%swap3A_521], %select_n3A_520 {strides = array<i32>} : memref<512xf32, #tpu.memory_space<vmem>>, vector<16xf32>,
      %get3A_523 = arith.constant 480 : index
      %get3A_524 = tpu.vector_load %arg19[%get3A_523] {strides = array<i32>} : memref<512xi32, #tpu.memory_space<vmem>>, vector<16xi32>,
      %gather3A_525 = tpu.vector_load_idx %arg15[%get3A_524] : memref<5120xf32, #tpu.memory_space<vmem>>[vector<16xi32>], vector<16xf32>,
      %add3A_526 = arith.constant 480 : i32
      %add3A_527 = vector.broadcast %add3A_526 : i32 to vector<16xi32>
      %add3A_528 = arith.addi %add3A_527, %iota3A : vector<16xi32>
      %lt3A_529 = vector.broadcast %scan3A_134 : i32 to vector<16xi32>
      %lt3A_530 = arith.cmpi slt, %add3A_528, %lt3A_529 : vector<16xi32>
      %jit3A_531 = arith.constant -1.000000e+00 : f32
      %broadcast_in_dim3A_532 = vector.broadcast %jit3A_531 : f32 to vector<16xf32>
      %select_n3A_533 = arith.select %lt3A_530, %gather3A_525, %broadcast_in_dim3A_532 : vector<16xi1>, vector<16xf32>
      %swap3A_534 = arith.constant 480 : index
      %swap3A_535 = tpu.vector_load %arg20[%swap3A_534] {strides = array<i32>} : memref<512xf32, #tpu.memory_space<vmem>>, vector<16xf32>,
      tpu.vector_store %arg20[%swap3A_534], %select_n3A_533 {strides = array<i32>} : memref<512xf32, #tpu.memory_space<vmem>>, vector<16xf32>,
      %get3A_536 = arith.constant 496 : index
      %get3A_537 = tpu.vector_load %arg19[%get3A_536] {strides = array<i32>} : memref<512xi32, #tpu.memory_space<vmem>>, vector<16xi32>,
      %gather3A_538 = tpu.vector_load_idx %arg15[%get3A_537] : memref<5120xf32, #tpu.memory_space<vmem>>[vector<16xi32>], vector<16xf32>,
      %add3A_539 = arith.constant 496 : i32
      %add3A_540 = vector.broadcast %add3A_539 : i32 to vector<16xi32>
      %add3A_541 = arith.addi %add3A_540, %iota3A : vector<16xi32>
      %lt3A_542 = vector.broadcast %scan3A_134 : i32 to vector<16xi32>
      %lt3A_543 = arith.cmpi slt, %add3A_541, %lt3A_542 : vector<16xi32>
      %jit3A_544 = arith.constant -1.000000e+00 : f32
      %broadcast_in_dim3A_545 = vector.broadcast %jit3A_544 : f32 to vector<16xf32>
      %select_n3A_546 = arith.select %lt3A_543, %gather3A_538, %broadcast_in_dim3A_545 : vector<16xi1>, vector<16xf32>
      %swap3A_547 = arith.constant 496 : index
      %swap3A_548 = tpu.vector_load %arg20[%swap3A_547] {strides = array<i32>} : memref<512xf32, #tpu.memory_space<vmem>>, vector<16xf32>,
      tpu.vector_store %arg20[%swap3A_547], %select_n3A_546 {strides = array<i32>} : memref<512xf32, #tpu.memory_space<vmem>>, vector<16xf32>,
      "tpu.region"() ({
        %run_scoped3A = tpu.sem_alloc : memref<!tpu.dma_semaphore, #tpu.memory_space<semaphore_mem>>
        %dma_start3A = arith.constant 0 : i32
        %dma_start3A_1349 = tpu.memref_slice %arg9[%add3A, %dma_start3A] : memref<8x512xf32, #tpu.memory_space<hbm>> -> memref<1x512xf32, #tpu.memory_space<hbm>>
        %dma_start3A_1350 = tpu.memref_squeeze %dma_start3A_1349 : memref<1x512xf32, #tpu.memory_space<hbm>> -> memref<512xf32, #tpu.memory_space<hbm>>
        %dma_start3A_1351 = arith.constant 0 : i32
        %dma_start3A_1352 = tpu.memref_slice %arg9[%add3A, %dma_start3A_1351] : memref<8x512xf32, #tpu.memory_space<hbm>> -> memref<1x512xf32, #tpu.memory_space<hbm>>
        %dma_start3A_1353 = tpu.memref_squeeze %dma_start3A_1352 : memref<1x512xf32, #tpu.memory_space<hbm>> -> memref<512xf32, #tpu.memory_space<hbm>>
        tpu.enqueue_dma source(%arg20 : memref<512xf32, #tpu.memory_space<vmem>>) target(%dma_start3A_1353 : memref<512xf32, #tpu.memory_space<hbm>>) target_semaphore(%run_scoped3A : memref<!tpu.dma_semaphore, #tpu.memory_space<semaphore_mem>>)
        %dma_wait3A = arith.constant 0 : i32
        %dma_wait3A_1354 = tpu.memref_slice %arg9[%add3A, %dma_wait3A] : memref<8x512xf32, #tpu.memory_space<hbm>> -> memref<1x512xf32, #tpu.memory_space<hbm>>
        %dma_wait3A_1355 = tpu.memref_squeeze %dma_wait3A_1354 : memref<1x512xf32, #tpu.memory_space<hbm>> -> memref<512xf32, #tpu.memory_space<hbm>>
        %dma_wait3A_1356 = arith.constant 0 : i32
        %dma_wait3A_1357 = tpu.memref_slice %arg9[%add3A, %dma_wait3A_1356] : memref<8x512xf32, #tpu.memory_space<hbm>> -> memref<1x512xf32, #tpu.memory_space<hbm>>
        %dma_wait3A_1358 = tpu.memref_squeeze %dma_wait3A_1357 : memref<1x512xf32, #tpu.memory_space<hbm>> -> memref<512xf32, #tpu.memory_space<hbm>>
        tpu.wait_dma2 semaphore(%run_scoped3A : memref<!tpu.dma_semaphore, #tpu.memory_space<semaphore_mem>>) src(%arg20 : memref<512xf32, #tpu.memory_space<vmem>>) dst(%dma_wait3A_1358 : memref<512xf32, #tpu.memory_space<hbm>>)
        tpu.yield
      }) : () -> ()
      "tpu.region"() ({
        %run_scoped3A = tpu.sem_alloc : memref<!tpu.dma_semaphore, #tpu.memory_space<semaphore_mem>>
        %dma_start3A = arith.constant 0 : i32
        %dma_start3A_1349 = tpu.memref_slice %arg4[%add3A, %dma_start3A] : memref<8x5120xi32, #tpu.memory_space<hbm>> -> memref<1x5120xi32, #tpu.memory_space<hbm>>
        %dma_start3A_1350 = tpu.memref_squeeze %dma_start3A_1349 : memref<1x5120xi32, #tpu.memory_space<hbm>> -> memref<5120xi32, #tpu.memory_space<hbm>>
        %dma_start3A_1351 = arith.constant 0 : i32
        %dma_start3A_1352 = tpu.memref_slice %arg4[%add3A, %dma_start3A_1351] : memref<8x5120xi32, #tpu.memory_space<hbm>> -> memref<1x5120xi32, #tpu.memory_space<hbm>>
        %dma_start3A_1353 = tpu.memref_squeeze %dma_start3A_1352 : memref<1x5120xi32, #tpu.memory_space<hbm>> -> memref<5120xi32, #tpu.memory_space<hbm>>
        tpu.enqueue_dma source(%dma_start3A_1353 : memref<5120xi32, #tpu.memory_space<hbm>>) target(%arg17 : memref<5120xi32, #tpu.memory_space<vmem>>) target_semaphore(%run_scoped3A : memref<!tpu.dma_semaphore, #tpu.memory_space<semaphore_mem>>)
        %dma_wait3A = arith.constant 0 : i32
        %dma_wait3A_1354 = tpu.memref_slice %arg4[%add3A, %dma_wait3A] : memref<8x5120xi32, #tpu.memory_space<hbm>> -> memref<1x5120xi32, #tpu.memory_space<hbm>>
        %dma_wait3A_1355 = tpu.memref_squeeze %dma_wait3A_1354 : memref<1x5120xi32, #tpu.memory_space<hbm>> -> memref<5120xi32, #tpu.memory_space<hbm>>
        %dma_wait3A_1356 = arith.constant 0 : i32
        %dma_wait3A_1357 = tpu.memref_slice %arg4[%add3A, %dma_wait3A_1356] : memref<8x5120xi32, #tpu.memory_space<hbm>> -> memref<1x5120xi32, #tpu.memory_space<hbm>>
        %dma_wait3A_1358 = tpu.memref_squeeze %dma_wait3A_1357 : memref<1x5120xi32, #tpu.memory_space<hbm>> -> memref<5120xi32, #tpu.memory_space<hbm>>
        tpu.wait_dma2 semaphore(%run_scoped3A : memref<!tpu.dma_semaphore, #tpu.memory_space<semaphore_mem>>) src(%dma_wait3A_1358 : memref<5120xi32, #tpu.memory_space<hbm>>) dst(%arg17 : memref<5120xi32, #tpu.memory_space<vmem>>)
        tpu.yield
      }) : () -> ()
      %get3A_549 = arith.constant 0 : index
      %get3A_550 = tpu.vector_load %arg19[%get3A_549] {strides = array<i32>} : memref<512xi32, #tpu.memory_space<vmem>>, vector<16xi32>,
      %gather3A_551 = tpu.vector_load_idx %arg17[%get3A_550] : memref<5120xi32, #tpu.memory_space<vmem>>[vector<16xi32>], vector<16xi32>,
      %swap3A_552 = arith.constant 0 : index
      %swap3A_553 = tpu.vector_load %arg21[%swap3A_552] {strides = array<i32>} : memref<512xi32, #tpu.memory_space<vmem>>, vector<16xi32>,
      tpu.vector_store %arg21[%swap3A_552], %gather3A_551 {strides = array<i32>} : memref<512xi32, #tpu.memory_space<vmem>>, vector<16xi32>,
      %get3A_554 = arith.constant 16 : index
      %get3A_555 = tpu.vector_load %arg19[%get3A_554] {strides = array<i32>} : memref<512xi32, #tpu.memory_space<vmem>>, vector<16xi32>,
      %gather3A_556 = tpu.vector_load_idx %arg17[%get3A_555] : memref<5120xi32, #tpu.memory_space<vmem>>[vector<16xi32>], vector<16xi32>,
      %swap3A_557 = arith.constant 16 : index
      %swap3A_558 = tpu.vector_load %arg21[%swap3A_557] {strides = array<i32>} : memref<512xi32, #tpu.memory_space<vmem>>, vector<16xi32>,
      tpu.vector_store %arg21[%swap3A_557], %gather3A_556 {strides = array<i32>} : memref<512xi32, #tpu.memory_space<vmem>>, vector<16xi32>,
      %get3A_559 = arith.constant 32 : index
      %get3A_560 = tpu.vector_load %arg19[%get3A_559] {strides = array<i32>} : memref<512xi32, #tpu.memory_space<vmem>>, vector<16xi32>,
      %gather3A_561 = tpu.vector_load_idx %arg17[%get3A_560] : memref<5120xi32, #tpu.memory_space<vmem>>[vector<16xi32>], vector<16xi32>,
      %swap3A_562 = arith.constant 32 : index
      %swap3A_563 = tpu.vector_load %arg21[%swap3A_562] {strides = array<i32>} : memref<512xi32, #tpu.memory_space<vmem>>, vector<16xi32>,
      tpu.vector_store %arg21[%swap3A_562], %gather3A_561 {strides = array<i32>} : memref<512xi32, #tpu.memory_space<vmem>>, vector<16xi32>,
      %get3A_564 = arith.constant 48 : index
      %get3A_565 = tpu.vector_load %arg19[%get3A_564] {strides = array<i32>} : memref<512xi32, #tpu.memory_space<vmem>>, vector<16xi32>,
      %gather3A_566 = tpu.vector_load_idx %arg17[%get3A_565] : memref<5120xi32, #tpu.memory_space<vmem>>[vector<16xi32>], vector<16xi32>,
      %swap3A_567 = arith.constant 48 : index
      %swap3A_568 = tpu.vector_load %arg21[%swap3A_567] {strides = array<i32>} : memref<512xi32, #tpu.memory_space<vmem>>, vector<16xi32>,
      tpu.vector_store %arg21[%swap3A_567], %gather3A_566 {strides = array<i32>} : memref<512xi32, #tpu.memory_space<vmem>>, vector<16xi32>,
      %get3A_569 = arith.constant 64 : index
      %get3A_570 = tpu.vector_load %arg19[%get3A_569] {strides = array<i32>} : memref<512xi32, #tpu.memory_space<vmem>>, vector<16xi32>,
      %gather3A_571 = tpu.vector_load_idx %arg17[%get3A_570] : memref<5120xi32, #tpu.memory_space<vmem>>[vector<16xi32>], vector<16xi32>,
      %swap3A_572 = arith.constant 64 : index
      %swap3A_573 = tpu.vector_load %arg21[%swap3A_572] {strides = array<i32>} : memref<512xi32, #tpu.memory_space<vmem>>, vector<16xi32>,
      tpu.vector_store %arg21[%swap3A_572], %gather3A_571 {strides = array<i32>} : memref<512xi32, #tpu.memory_space<vmem>>, vector<16xi32>,
      %get3A_574 = arith.constant 80 : index
      %get3A_575 = tpu.vector_load %arg19[%get3A_574] {strides = array<i32>} : memref<512xi32, #tpu.memory_space<vmem>>, vector<16xi32>,
      %gather3A_576 = tpu.vector_load_idx %arg17[%get3A_575] : memref<5120xi32, #tpu.memory_space<vmem>>[vector<16xi32>], vector<16xi32>,
      %swap3A_577 = arith.constant 80 : index
      %swap3A_578 = tpu.vector_load %arg21[%swap3A_577] {strides = array<i32>} : memref<512xi32, #tpu.memory_space<vmem>>, vector<16xi32>,
      tpu.vector_store %arg21[%swap3A_577], %gather3A_576 {strides = array<i32>} : memref<512xi32, #tpu.memory_space<vmem>>, vector<16xi32>,
      %get3A_579 = arith.constant 96 : index
      %get3A_580 = tpu.vector_load %arg19[%get3A_579] {strides = array<i32>} : memref<512xi32, #tpu.memory_space<vmem>>, vector<16xi32>,
      %gather3A_581 = tpu.vector_load_idx %arg17[%get3A_580] : memref<5120xi32, #tpu.memory_space<vmem>>[vector<16xi32>], vector<16xi32>,
      %swap3A_582 = arith.constant 96 : index
      %swap3A_583 = tpu.vector_load %arg21[%swap3A_582] {strides = array<i32>} : memref<512xi32, #tpu.memory_space<vmem>>, vector<16xi32>,
      tpu.vector_store %arg21[%swap3A_582], %gather3A_581 {strides = array<i32>} : memref<512xi32, #tpu.memory_space<vmem>>, vector<16xi32>,
      %get3A_584 = arith.constant 112 : index
      %get3A_585 = tpu.vector_load %arg19[%get3A_584] {strides = array<i32>} : memref<512xi32, #tpu.memory_space<vmem>>, vector<16xi32>,
      %gather3A_586 = tpu.vector_load_idx %arg17[%get3A_585] : memref<5120xi32, #tpu.memory_space<vmem>>[vector<16xi32>], vector<16xi32>,
      %swap3A_587 = arith.constant 112 : index
      %swap3A_588 = tpu.vector_load %arg21[%swap3A_587] {strides = array<i32>} : memref<512xi32, #tpu.memory_space<vmem>>, vector<16xi32>,
      tpu.vector_store %arg21[%swap3A_587], %gather3A_586 {strides = array<i32>} : memref<512xi32, #tpu.memory_space<vmem>>, vector<16xi32>,
      %get3A_589 = arith.constant 128 : index
      %get3A_590 = tpu.vector_load %arg19[%get3A_589] {strides = array<i32>} : memref<512xi32, #tpu.memory_space<vmem>>, vector<16xi32>,
      %gather3A_591 = tpu.vector_load_idx %arg17[%get3A_590] : memref<5120xi32, #tpu.memory_space<vmem>>[vector<16xi32>], vector<16xi32>,
      %swap3A_592 = arith.constant 128 : index
      %swap3A_593 = tpu.vector_load %arg21[%swap3A_592] {strides = array<i32>} : memref<512xi32, #tpu.memory_space<vmem>>, vector<16xi32>,
      tpu.vector_store %arg21[%swap3A_592], %gather3A_591 {strides = array<i32>} : memref<512xi32, #tpu.memory_space<vmem>>, vector<16xi32>,
      %get3A_594 = arith.constant 144 : index
      %get3A_595 = tpu.vector_load %arg19[%get3A_594] {strides = array<i32>} : memref<512xi32, #tpu.memory_space<vmem>>, vector<16xi32>,
      %gather3A_596 = tpu.vector_load_idx %arg17[%get3A_595] : memref<5120xi32, #tpu.memory_space<vmem>>[vector<16xi32>], vector<16xi32>,
      %swap3A_597 = arith.constant 144 : index
      %swap3A_598 = tpu.vector_load %arg21[%swap3A_597] {strides = array<i32>} : memref<512xi32, #tpu.memory_space<vmem>>, vector<16xi32>,
      tpu.vector_store %arg21[%swap3A_597], %gather3A_596 {strides = array<i32>} : memref<512xi32, #tpu.memory_space<vmem>>, vector<16xi32>,
      %get3A_599 = arith.constant 160 : index
      %get3A_600 = tpu.vector_load %arg19[%get3A_599] {strides = array<i32>} : memref<512xi32, #tpu.memory_space<vmem>>, vector<16xi32>,
      %gather3A_601 = tpu.vector_load_idx %arg17[%get3A_600] : memref<5120xi32, #tpu.memory_space<vmem>>[vector<16xi32>], vector<16xi32>,
      %swap3A_602 = arith.constant 160 : index
      %swap3A_603 = tpu.vector_load %arg21[%swap3A_602] {strides = array<i32>} : memref<512xi32, #tpu.memory_space<vmem>>, vector<16xi32>,
      tpu.vector_store %arg21[%swap3A_602], %gather3A_601 {strides = array<i32>} : memref<512xi32, #tpu.memory_space<vmem>>, vector<16xi32>,
      %get3A_604 = arith.constant 176 : index
      %get3A_605 = tpu.vector_load %arg19[%get3A_604] {strides = array<i32>} : memref<512xi32, #tpu.memory_space<vmem>>, vector<16xi32>,
      %gather3A_606 = tpu.vector_load_idx %arg17[%get3A_605] : memref<5120xi32, #tpu.memory_space<vmem>>[vector<16xi32>], vector<16xi32>,
      %swap3A_607 = arith.constant 176 : index
      %swap3A_608 = tpu.vector_load %arg21[%swap3A_607] {strides = array<i32>} : memref<512xi32, #tpu.memory_space<vmem>>, vector<16xi32>,
      tpu.vector_store %arg21[%swap3A_607], %gather3A_606 {strides = array<i32>} : memref<512xi32, #tpu.memory_space<vmem>>, vector<16xi32>,
      %get3A_609 = arith.constant 192 : index
      %get3A_610 = tpu.vector_load %arg19[%get3A_609] {strides = array<i32>} : memref<512xi32, #tpu.memory_space<vmem>>, vector<16xi32>,
      %gather3A_611 = tpu.vector_load_idx %arg17[%get3A_610] : memref<5120xi32, #tpu.memory_space<vmem>>[vector<16xi32>], vector<16xi32>,
      %swap3A_612 = arith.constant 192 : index
      %swap3A_613 = tpu.vector_load %arg21[%swap3A_612] {strides = array<i32>} : memref<512xi32, #tpu.memory_space<vmem>>, vector<16xi32>,
      tpu.vector_store %arg21[%swap3A_612], %gather3A_611 {strides = array<i32>} : memref<512xi32, #tpu.memory_space<vmem>>, vector<16xi32>,
      %get3A_614 = arith.constant 208 : index
      %get3A_615 = tpu.vector_load %arg19[%get3A_614] {strides = array<i32>} : memref<512xi32, #tpu.memory_space<vmem>>, vector<16xi32>,
      %gather3A_616 = tpu.vector_load_idx %arg17[%get3A_615] : memref<5120xi32, #tpu.memory_space<vmem>>[vector<16xi32>], vector<16xi32>,
      %swap3A_617 = arith.constant 208 : index
      %swap3A_618 = tpu.vector_load %arg21[%swap3A_617] {strides = array<i32>} : memref<512xi32, #tpu.memory_space<vmem>>, vector<16xi32>,
      tpu.vector_store %arg21[%swap3A_617], %gather3A_616 {strides = array<i32>} : memref<512xi32, #tpu.memory_space<vmem>>, vector<16xi32>,
      %get3A_619 = arith.constant 224 : index
      %get3A_620 = tpu.vector_load %arg19[%get3A_619] {strides = array<i32>} : memref<512xi32, #tpu.memory_space<vmem>>, vector<16xi32>,
      %gather3A_621 = tpu.vector_load_idx %arg17[%get3A_620] : memref<5120xi32, #tpu.memory_space<vmem>>[vector<16xi32>], vector<16xi32>,
      %swap3A_622 = arith.constant 224 : index
      %swap3A_623 = tpu.vector_load %arg21[%swap3A_622] {strides = array<i32>} : memref<512xi32, #tpu.memory_space<vmem>>, vector<16xi32>,
      tpu.vector_store %arg21[%swap3A_622], %gather3A_621 {strides = array<i32>} : memref<512xi32, #tpu.memory_space<vmem>>, vector<16xi32>,
      %get3A_624 = arith.constant 240 : index
      %get3A_625 = tpu.vector_load %arg19[%get3A_624] {strides = array<i32>} : memref<512xi32, #tpu.memory_space<vmem>>, vector<16xi32>,
      %gather3A_626 = tpu.vector_load_idx %arg17[%get3A_625] : memref<5120xi32, #tpu.memory_space<vmem>>[vector<16xi32>], vector<16xi32>,
      %swap3A_627 = arith.constant 240 : index
      %swap3A_628 = tpu.vector_load %arg21[%swap3A_627] {strides = array<i32>} : memref<512xi32, #tpu.memory_space<vmem>>, vector<16xi32>,
      tpu.vector_store %arg21[%swap3A_627], %gather3A_626 {strides = array<i32>} : memref<512xi32, #tpu.memory_space<vmem>>, vector<16xi32>,
      %get3A_629 = arith.constant 256 : index
      %get3A_630 = tpu.vector_load %arg19[%get3A_629] {strides = array<i32>} : memref<512xi32, #tpu.memory_space<vmem>>, vector<16xi32>,
      %gather3A_631 = tpu.vector_load_idx %arg17[%get3A_630] : memref<5120xi32, #tpu.memory_space<vmem>>[vector<16xi32>], vector<16xi32>,
      %swap3A_632 = arith.constant 256 : index
      %swap3A_633 = tpu.vector_load %arg21[%swap3A_632] {strides = array<i32>} : memref<512xi32, #tpu.memory_space<vmem>>, vector<16xi32>,
      tpu.vector_store %arg21[%swap3A_632], %gather3A_631 {strides = array<i32>} : memref<512xi32, #tpu.memory_space<vmem>>, vector<16xi32>,
      %get3A_634 = arith.constant 272 : index
      %get3A_635 = tpu.vector_load %arg19[%get3A_634] {strides = array<i32>} : memref<512xi32, #tpu.memory_space<vmem>>, vector<16xi32>,
      %gather3A_636 = tpu.vector_load_idx %arg17[%get3A_635] : memref<5120xi32, #tpu.memory_space<vmem>>[vector<16xi32>], vector<16xi32>,
      %swap3A_637 = arith.constant 272 : index
      %swap3A_638 = tpu.vector_load %arg21[%swap3A_637] {strides = array<i32>} : memref<512xi32, #tpu.memory_space<vmem>>, vector<16xi32>,
      tpu.vector_store %arg21[%swap3A_637], %gather3A_636 {strides = array<i32>} : memref<512xi32, #tpu.memory_space<vmem>>, vector<16xi32>,
      %get3A_639 = arith.constant 288 : index
      %get3A_640 = tpu.vector_load %arg19[%get3A_639] {strides = array<i32>} : memref<512xi32, #tpu.memory_space<vmem>>, vector<16xi32>,
      %gather3A_641 = tpu.vector_load_idx %arg17[%get3A_640] : memref<5120xi32, #tpu.memory_space<vmem>>[vector<16xi32>], vector<16xi32>,
      %swap3A_642 = arith.constant 288 : index
      %swap3A_643 = tpu.vector_load %arg21[%swap3A_642] {strides = array<i32>} : memref<512xi32, #tpu.memory_space<vmem>>, vector<16xi32>,
      tpu.vector_store %arg21[%swap3A_642], %gather3A_641 {strides = array<i32>} : memref<512xi32, #tpu.memory_space<vmem>>, vector<16xi32>,
      %get3A_644 = arith.constant 304 : index
      %get3A_645 = tpu.vector_load %arg19[%get3A_644] {strides = array<i32>} : memref<512xi32, #tpu.memory_space<vmem>>, vector<16xi32>,
      %gather3A_646 = tpu.vector_load_idx %arg17[%get3A_645] : memref<5120xi32, #tpu.memory_space<vmem>>[vector<16xi32>], vector<16xi32>,
      %swap3A_647 = arith.constant 304 : index
      %swap3A_648 = tpu.vector_load %arg21[%swap3A_647] {strides = array<i32>} : memref<512xi32, #tpu.memory_space<vmem>>, vector<16xi32>,
      tpu.vector_store %arg21[%swap3A_647], %gather3A_646 {strides = array<i32>} : memref<512xi32, #tpu.memory_space<vmem>>, vector<16xi32>,
      %get3A_649 = arith.constant 320 : index
      %get3A_650 = tpu.vector_load %arg19[%get3A_649] {strides = array<i32>} : memref<512xi32, #tpu.memory_space<vmem>>, vector<16xi32>,
      %gather3A_651 = tpu.vector_load_idx %arg17[%get3A_650] : memref<5120xi32, #tpu.memory_space<vmem>>[vector<16xi32>], vector<16xi32>,
      %swap3A_652 = arith.constant 320 : index
      %swap3A_653 = tpu.vector_load %arg21[%swap3A_652] {strides = array<i32>} : memref<512xi32, #tpu.memory_space<vmem>>, vector<16xi32>,
      tpu.vector_store %arg21[%swap3A_652], %gather3A_651 {strides = array<i32>} : memref<512xi32, #tpu.memory_space<vmem>>, vector<16xi32>,
      %get3A_654 = arith.constant 336 : index
      %get3A_655 = tpu.vector_load %arg19[%get3A_654] {strides = array<i32>} : memref<512xi32, #tpu.memory_space<vmem>>, vector<16xi32>,
      %gather3A_656 = tpu.vector_load_idx %arg17[%get3A_655] : memref<5120xi32, #tpu.memory_space<vmem>>[vector<16xi32>], vector<16xi32>,
      %swap3A_657 = arith.constant 336 : index
      %swap3A_658 = tpu.vector_load %arg21[%swap3A_657] {strides = array<i32>} : memref<512xi32, #tpu.memory_space<vmem>>, vector<16xi32>,
      tpu.vector_store %arg21[%swap3A_657], %gather3A_656 {strides = array<i32>} : memref<512xi32, #tpu.memory_space<vmem>>, vector<16xi32>,
      %get3A_659 = arith.constant 352 : index
      %get3A_660 = tpu.vector_load %arg19[%get3A_659] {strides = array<i32>} : memref<512xi32, #tpu.memory_space<vmem>>, vector<16xi32>,
      %gather3A_661 = tpu.vector_load_idx %arg17[%get3A_660] : memref<5120xi32, #tpu.memory_space<vmem>>[vector<16xi32>], vector<16xi32>,
      %swap3A_662 = arith.constant 352 : index
      %swap3A_663 = tpu.vector_load %arg21[%swap3A_662] {strides = array<i32>} : memref<512xi32, #tpu.memory_space<vmem>>, vector<16xi32>,
      tpu.vector_store %arg21[%swap3A_662], %gather3A_661 {strides = array<i32>} : memref<512xi32, #tpu.memory_space<vmem>>, vector<16xi32>,
      %get3A_664 = arith.constant 368 : index
      %get3A_665 = tpu.vector_load %arg19[%get3A_664] {strides = array<i32>} : memref<512xi32, #tpu.memory_space<vmem>>, vector<16xi32>,
      %gather3A_666 = tpu.vector_load_idx %arg17[%get3A_665] : memref<5120xi32, #tpu.memory_space<vmem>>[vector<16xi32>], vector<16xi32>,
      %swap3A_667 = arith.constant 368 : index
      %swap3A_668 = tpu.vector_load %arg21[%swap3A_667] {strides = array<i32>} : memref<512xi32, #tpu.memory_space<vmem>>, vector<16xi32>,
      tpu.vector_store %arg21[%swap3A_667], %gather3A_666 {strides = array<i32>} : memref<512xi32, #tpu.memory_space<vmem>>, vector<16xi32>,
      %get3A_669 = arith.constant 384 : index
      %get3A_670 = tpu.vector_load %arg19[%get3A_669] {strides = array<i32>} : memref<512xi32, #tpu.memory_space<vmem>>, vector<16xi32>,
      %gather3A_671 = tpu.vector_load_idx %arg17[%get3A_670] : memref<5120xi32, #tpu.memory_space<vmem>>[vector<16xi32>], vector<16xi32>,
      %swap3A_672 = arith.constant 384 : index
      %swap3A_673 = tpu.vector_load %arg21[%swap3A_672] {strides = array<i32>} : memref<512xi32, #tpu.memory_space<vmem>>, vector<16xi32>,
      tpu.vector_store %arg21[%swap3A_672], %gather3A_671 {strides = array<i32>} : memref<512xi32, #tpu.memory_space<vmem>>, vector<16xi32>,
      %get3A_674 = arith.constant 400 : index
      %get3A_675 = tpu.vector_load %arg19[%get3A_674] {strides = array<i32>} : memref<512xi32, #tpu.memory_space<vmem>>, vector<16xi32>,
      %gather3A_676 = tpu.vector_load_idx %arg17[%get3A_675] : memref<5120xi32, #tpu.memory_space<vmem>>[vector<16xi32>], vector<16xi32>,
      %swap3A_677 = arith.constant 400 : index
      %swap3A_678 = tpu.vector_load %arg21[%swap3A_677] {strides = array<i32>} : memref<512xi32, #tpu.memory_space<vmem>>, vector<16xi32>,
      tpu.vector_store %arg21[%swap3A_677], %gather3A_676 {strides = array<i32>} : memref<512xi32, #tpu.memory_space<vmem>>, vector<16xi32>,
      %get3A_679 = arith.constant 416 : index
      %get3A_680 = tpu.vector_load %arg19[%get3A_679] {strides = array<i32>} : memref<512xi32, #tpu.memory_space<vmem>>, vector<16xi32>,
      %gather3A_681 = tpu.vector_load_idx %arg17[%get3A_680] : memref<5120xi32, #tpu.memory_space<vmem>>[vector<16xi32>], vector<16xi32>,
      %swap3A_682 = arith.constant 416 : index
      %swap3A_683 = tpu.vector_load %arg21[%swap3A_682] {strides = array<i32>} : memref<512xi32, #tpu.memory_space<vmem>>, vector<16xi32>,
      tpu.vector_store %arg21[%swap3A_682], %gather3A_681 {strides = array<i32>} : memref<512xi32, #tpu.memory_space<vmem>>, vector<16xi32>,
      %get3A_684 = arith.constant 432 : index
      %get3A_685 = tpu.vector_load %arg19[%get3A_684] {strides = array<i32>} : memref<512xi32, #tpu.memory_space<vmem>>, vector<16xi32>,
      %gather3A_686 = tpu.vector_load_idx %arg17[%get3A_685] : memref<5120xi32, #tpu.memory_space<vmem>>[vector<16xi32>], vector<16xi32>,
      %swap3A_687 = arith.constant 432 : index
      %swap3A_688 = tpu.vector_load %arg21[%swap3A_687] {strides = array<i32>} : memref<512xi32, #tpu.memory_space<vmem>>, vector<16xi32>,
      tpu.vector_store %arg21[%swap3A_687], %gather3A_686 {strides = array<i32>} : memref<512xi32, #tpu.memory_space<vmem>>, vector<16xi32>,
      %get3A_689 = arith.constant 448 : index
      %get3A_690 = tpu.vector_load %arg19[%get3A_689] {strides = array<i32>} : memref<512xi32, #tpu.memory_space<vmem>>, vector<16xi32>,
      %gather3A_691 = tpu.vector_load_idx %arg17[%get3A_690] : memref<5120xi32, #tpu.memory_space<vmem>>[vector<16xi32>], vector<16xi32>,
      %swap3A_692 = arith.constant 448 : index
      %swap3A_693 = tpu.vector_load %arg21[%swap3A_692] {strides = array<i32>} : memref<512xi32, #tpu.memory_space<vmem>>, vector<16xi32>,
      tpu.vector_store %arg21[%swap3A_692], %gather3A_691 {strides = array<i32>} : memref<512xi32, #tpu.memory_space<vmem>>, vector<16xi32>,
      %get3A_694 = arith.constant 464 : index
      %get3A_695 = tpu.vector_load %arg19[%get3A_694] {strides = array<i32>} : memref<512xi32, #tpu.memory_space<vmem>>, vector<16xi32>,
      %gather3A_696 = tpu.vector_load_idx %arg17[%get3A_695] : memref<5120xi32, #tpu.memory_space<vmem>>[vector<16xi32>], vector<16xi32>,
      %swap3A_697 = arith.constant 464 : index
      %swap3A_698 = tpu.vector_load %arg21[%swap3A_697] {strides = array<i32>} : memref<512xi32, #tpu.memory_space<vmem>>, vector<16xi32>,
      tpu.vector_store %arg21[%swap3A_697], %gather3A_696 {strides = array<i32>} : memref<512xi32, #tpu.memory_space<vmem>>, vector<16xi32>,
      %get3A_699 = arith.constant 480 : index
      %get3A_700 = tpu.vector_load %arg19[%get3A_699] {strides = array<i32>} : memref<512xi32, #tpu.memory_space<vmem>>, vector<16xi32>,
      %gather3A_701 = tpu.vector_load_idx %arg17[%get3A_700] : memref<5120xi32, #tpu.memory_space<vmem>>[vector<16xi32>], vector<16xi32>,
      %swap3A_702 = arith.constant 480 : index
      %swap3A_703 = tpu.vector_load %arg21[%swap3A_702] {strides = array<i32>} : memref<512xi32, #tpu.memory_space<vmem>>, vector<16xi32>,
      tpu.vector_store %arg21[%swap3A_702], %gather3A_701 {strides = array<i32>} : memref<512xi32, #tpu.memory_space<vmem>>, vector<16xi32>,
      %get3A_704 = arith.constant 496 : index
      %get3A_705 = tpu.vector_load %arg19[%get3A_704] {strides = array<i32>} : memref<512xi32, #tpu.memory_space<vmem>>, vector<16xi32>,
      %gather3A_706 = tpu.vector_load_idx %arg17[%get3A_705] : memref<5120xi32, #tpu.memory_space<vmem>>[vector<16xi32>], vector<16xi32>,
      %swap3A_707 = arith.constant 496 : index
      %swap3A_708 = tpu.vector_load %arg21[%swap3A_707] {strides = array<i32>} : memref<512xi32, #tpu.memory_space<vmem>>, vector<16xi32>,
      tpu.vector_store %arg21[%swap3A_707], %gather3A_706 {strides = array<i32>} : memref<512xi32, #tpu.memory_space<vmem>>, vector<16xi32>,
      "tpu.region"() ({
        %run_scoped3A = tpu.sem_alloc : memref<!tpu.dma_semaphore, #tpu.memory_space<semaphore_mem>>
        %dma_start3A = arith.constant 0 : i32
        %dma_start3A_1349 = tpu.memref_slice %arg10[%add3A, %dma_start3A] : memref<8x512xi32, #tpu.memory_space<hbm>> -> memref<1x512xi32, #tpu.memory_space<hbm>>
        %dma_start3A_1350 = tpu.memref_squeeze %dma_start3A_1349 : memref<1x512xi32, #tpu.memory_space<hbm>> -> memref<512xi32, #tpu.memory_space<hbm>>
        %dma_start3A_1351 = arith.constant 0 : i32
        %dma_start3A_1352 = tpu.memref_slice %arg10[%add3A, %dma_start3A_1351] : memref<8x512xi32, #tpu.memory_space<hbm>> -> memref<1x512xi32, #tpu.memory_space<hbm>>
        %dma_start3A_1353 = tpu.memref_squeeze %dma_start3A_1352 : memref<1x512xi32, #tpu.memory_space<hbm>> -> memref<512xi32, #tpu.memory_space<hbm>>
        tpu.enqueue_dma source(%arg21 : memref<512xi32, #tpu.memory_space<vmem>>) target(%dma_start3A_1353 : memref<512xi32, #tpu.memory_space<hbm>>) target_semaphore(%run_scoped3A : memref<!tpu.dma_semaphore, #tpu.memory_space<semaphore_mem>>)
        %dma_wait3A = arith.constant 0 : i32
        %dma_wait3A_1354 = tpu.memref_slice %arg10[%add3A, %dma_wait3A] : memref<8x512xi32, #tpu.memory_space<hbm>> -> memref<1x512xi32, #tpu.memory_space<hbm>>
        %dma_wait3A_1355 = tpu.memref_squeeze %dma_wait3A_1354 : memref<1x512xi32, #tpu.memory_space<hbm>> -> memref<512xi32, #tpu.memory_space<hbm>>
        %dma_wait3A_1356 = arith.constant 0 : i32
        %dma_wait3A_1357 = tpu.memref_slice %arg10[%add3A, %dma_wait3A_1356] : memref<8x512xi32, #tpu.memory_space<hbm>> -> memref<1x512xi32, #tpu.memory_space<hbm>>
        %dma_wait3A_1358 = tpu.memref_squeeze %dma_wait3A_1357 : memref<1x512xi32, #tpu.memory_space<hbm>> -> memref<512xi32, #tpu.memory_space<hbm>>
        tpu.wait_dma2 semaphore(%run_scoped3A : memref<!tpu.dma_semaphore, #tpu.memory_space<semaphore_mem>>) src(%arg21 : memref<512xi32, #tpu.memory_space<vmem>>) dst(%dma_wait3A_1358 : memref<512xi32, #tpu.memory_space<hbm>>)
        tpu.yield
      }) : () -> ()
      "tpu.region"() ({
        %run_scoped3A = tpu.sem_alloc : memref<!tpu.dma_semaphore, #tpu.memory_space<semaphore_mem>>
        %dma_start3A = arith.constant 0 : i32
        %dma_start3A_1349 = tpu.memref_slice %arg5[%add3A, %dma_start3A] : memref<8x5120xf32, #tpu.memory_space<hbm>> -> memref<1x5120xf32, #tpu.memory_space<hbm>>
        %dma_start3A_1350 = tpu.memref_squeeze %dma_start3A_1349 : memref<1x5120xf32, #tpu.memory_space<hbm>> -> memref<5120xf32, #tpu.memory_space<hbm>>
        %dma_start3A_1351 = arith.constant 0 : i32
        %dma_start3A_1352 = tpu.memref_slice %arg5[%add3A, %dma_start3A_1351] : memref<8x5120xf32, #tpu.memory_space<hbm>> -> memref<1x5120xf32, #tpu.memory_space<hbm>>
        %dma_start3A_1353 = tpu.memref_squeeze %dma_start3A_1352 : memref<1x5120xf32, #tpu.memory_space<hbm>> -> memref<5120xf32, #tpu.memory_space<hbm>>
        tpu.enqueue_dma source(%dma_start3A_1353 : memref<5120xf32, #tpu.memory_space<hbm>>) target(%arg16 : memref<5120xf32, #tpu.memory_space<vmem>>) target_semaphore(%run_scoped3A : memref<!tpu.dma_semaphore, #tpu.memory_space<semaphore_mem>>)
        %dma_wait3A = arith.constant 0 : i32
        %dma_wait3A_1354 = tpu.memref_slice %arg5[%add3A, %dma_wait3A] : memref<8x5120xf32, #tpu.memory_space<hbm>> -> memref<1x5120xf32, #tpu.memory_space<hbm>>
        %dma_wait3A_1355 = tpu.memref_squeeze %dma_wait3A_1354 : memref<1x5120xf32, #tpu.memory_space<hbm>> -> memref<5120xf32, #tpu.memory_space<hbm>>
        %dma_wait3A_1356 = arith.constant 0 : i32
        %dma_wait3A_1357 = tpu.memref_slice %arg5[%add3A, %dma_wait3A_1356] : memref<8x5120xf32, #tpu.memory_space<hbm>> -> memref<1x5120xf32, #tpu.memory_space<hbm>>
        %dma_wait3A_1358 = tpu.memref_squeeze %dma_wait3A_1357 : memref<1x5120xf32, #tpu.memory_space<hbm>> -> memref<5120xf32, #tpu.memory_space<hbm>>
        tpu.wait_dma2 semaphore(%run_scoped3A : memref<!tpu.dma_semaphore, #tpu.memory_space<semaphore_mem>>) src(%dma_wait3A_1358 : memref<5120xf32, #tpu.memory_space<hbm>>) dst(%arg16 : memref<5120xf32, #tpu.memory_space<vmem>>)
        tpu.yield
      }) : () -> ()
      %get3A_709 = arith.constant 0 : index
      %get3A_710 = tpu.vector_load %arg19[%get3A_709] {strides = array<i32>} : memref<512xi32, #tpu.memory_space<vmem>>, vector<16xi32>,
      %gather3A_711 = tpu.vector_load_idx %arg16[%get3A_710] : memref<5120xf32, #tpu.memory_space<vmem>>[vector<16xi32>], vector<16xf32>,
      %swap3A_712 = arith.constant 0 : index
      %swap3A_713 = tpu.vector_load %arg20[%swap3A_712] {strides = array<i32>} : memref<512xf32, #tpu.memory_space<vmem>>, vector<16xf32>,
      tpu.vector_store %arg20[%swap3A_712], %gather3A_711 {strides = array<i32>} : memref<512xf32, #tpu.memory_space<vmem>>, vector<16xf32>,
      %get3A_714 = arith.constant 16 : index
      %get3A_715 = tpu.vector_load %arg19[%get3A_714] {strides = array<i32>} : memref<512xi32, #tpu.memory_space<vmem>>, vector<16xi32>,
      %gather3A_716 = tpu.vector_load_idx %arg16[%get3A_715] : memref<5120xf32, #tpu.memory_space<vmem>>[vector<16xi32>], vector<16xf32>,
      %swap3A_717 = arith.constant 16 : index
      %swap3A_718 = tpu.vector_load %arg20[%swap3A_717] {strides = array<i32>} : memref<512xf32, #tpu.memory_space<vmem>>, vector<16xf32>,
      tpu.vector_store %arg20[%swap3A_717], %gather3A_716 {strides = array<i32>} : memref<512xf32, #tpu.memory_space<vmem>>, vector<16xf32>,
      %get3A_719 = arith.constant 32 : index
      %get3A_720 = tpu.vector_load %arg19[%get3A_719] {strides = array<i32>} : memref<512xi32, #tpu.memory_space<vmem>>, vector<16xi32>,
      %gather3A_721 = tpu.vector_load_idx %arg16[%get3A_720] : memref<5120xf32, #tpu.memory_space<vmem>>[vector<16xi32>], vector<16xf32>,
      %swap3A_722 = arith.constant 32 : index
      %swap3A_723 = tpu.vector_load %arg20[%swap3A_722] {strides = array<i32>} : memref<512xf32, #tpu.memory_space<vmem>>, vector<16xf32>,
      tpu.vector_store %arg20[%swap3A_722], %gather3A_721 {strides = array<i32>} : memref<512xf32, #tpu.memory_space<vmem>>, vector<16xf32>,
      %get3A_724 = arith.constant 48 : index
      %get3A_725 = tpu.vector_load %arg19[%get3A_724] {strides = array<i32>} : memref<512xi32, #tpu.memory_space<vmem>>, vector<16xi32>,
      %gather3A_726 = tpu.vector_load_idx %arg16[%get3A_725] : memref<5120xf32, #tpu.memory_space<vmem>>[vector<16xi32>], vector<16xf32>,
      %swap3A_727 = arith.constant 48 : index
      %swap3A_728 = tpu.vector_load %arg20[%swap3A_727] {strides = array<i32>} : memref<512xf32, #tpu.memory_space<vmem>>, vector<16xf32>,
      tpu.vector_store %arg20[%swap3A_727], %gather3A_726 {strides = array<i32>} : memref<512xf32, #tpu.memory_space<vmem>>, vector<16xf32>,
      %get3A_729 = arith.constant 64 : index
      %get3A_730 = tpu.vector_load %arg19[%get3A_729] {strides = array<i32>} : memref<512xi32, #tpu.memory_space<vmem>>, vector<16xi32>,
      %gather3A_731 = tpu.vector_load_idx %arg16[%get3A_730] : memref<5120xf32, #tpu.memory_space<vmem>>[vector<16xi32>], vector<16xf32>,
      %swap3A_732 = arith.constant 64 : index
      %swap3A_733 = tpu.vector_load %arg20[%swap3A_732] {strides = array<i32>} : memref<512xf32, #tpu.memory_space<vmem>>, vector<16xf32>,
      tpu.vector_store %arg20[%swap3A_732], %gather3A_731 {strides = array<i32>} : memref<512xf32, #tpu.memory_space<vmem>>, vector<16xf32>,
      %get3A_734 = arith.constant 80 : index
      %get3A_735 = tpu.vector_load %arg19[%get3A_734] {strides = array<i32>} : memref<512xi32, #tpu.memory_space<vmem>>, vector<16xi32>,
      %gather3A_736 = tpu.vector_load_idx %arg16[%get3A_735] : memref<5120xf32, #tpu.memory_space<vmem>>[vector<16xi32>], vector<16xf32>,
      %swap3A_737 = arith.constant 80 : index
      %swap3A_738 = tpu.vector_load %arg20[%swap3A_737] {strides = array<i32>} : memref<512xf32, #tpu.memory_space<vmem>>, vector<16xf32>,
      tpu.vector_store %arg20[%swap3A_737], %gather3A_736 {strides = array<i32>} : memref<512xf32, #tpu.memory_space<vmem>>, vector<16xf32>,
      %get3A_739 = arith.constant 96 : index
      %get3A_740 = tpu.vector_load %arg19[%get3A_739] {strides = array<i32>} : memref<512xi32, #tpu.memory_space<vmem>>, vector<16xi32>,
      %gather3A_741 = tpu.vector_load_idx %arg16[%get3A_740] : memref<5120xf32, #tpu.memory_space<vmem>>[vector<16xi32>], vector<16xf32>,
      %swap3A_742 = arith.constant 96 : index
      %swap3A_743 = tpu.vector_load %arg20[%swap3A_742] {strides = array<i32>} : memref<512xf32, #tpu.memory_space<vmem>>, vector<16xf32>,
      tpu.vector_store %arg20[%swap3A_742], %gather3A_741 {strides = array<i32>} : memref<512xf32, #tpu.memory_space<vmem>>, vector<16xf32>,
      %get3A_744 = arith.constant 112 : index
      %get3A_745 = tpu.vector_load %arg19[%get3A_744] {strides = array<i32>} : memref<512xi32, #tpu.memory_space<vmem>>, vector<16xi32>,
      %gather3A_746 = tpu.vector_load_idx %arg16[%get3A_745] : memref<5120xf32, #tpu.memory_space<vmem>>[vector<16xi32>], vector<16xf32>,
      %swap3A_747 = arith.constant 112 : index
      %swap3A_748 = tpu.vector_load %arg20[%swap3A_747] {strides = array<i32>} : memref<512xf32, #tpu.memory_space<vmem>>, vector<16xf32>,
      tpu.vector_store %arg20[%swap3A_747], %gather3A_746 {strides = array<i32>} : memref<512xf32, #tpu.memory_space<vmem>>, vector<16xf32>,
      %get3A_749 = arith.constant 128 : index
      %get3A_750 = tpu.vector_load %arg19[%get3A_749] {strides = array<i32>} : memref<512xi32, #tpu.memory_space<vmem>>, vector<16xi32>,
      %gather3A_751 = tpu.vector_load_idx %arg16[%get3A_750] : memref<5120xf32, #tpu.memory_space<vmem>>[vector<16xi32>], vector<16xf32>,
      %swap3A_752 = arith.constant 128 : index
      %swap3A_753 = tpu.vector_load %arg20[%swap3A_752] {strides = array<i32>} : memref<512xf32, #tpu.memory_space<vmem>>, vector<16xf32>,
      tpu.vector_store %arg20[%swap3A_752], %gather3A_751 {strides = array<i32>} : memref<512xf32, #tpu.memory_space<vmem>>, vector<16xf32>,
      %get3A_754 = arith.constant 144 : index
      %get3A_755 = tpu.vector_load %arg19[%get3A_754] {strides = array<i32>} : memref<512xi32, #tpu.memory_space<vmem>>, vector<16xi32>,
      %gather3A_756 = tpu.vector_load_idx %arg16[%get3A_755] : memref<5120xf32, #tpu.memory_space<vmem>>[vector<16xi32>], vector<16xf32>,
      %swap3A_757 = arith.constant 144 : index
      %swap3A_758 = tpu.vector_load %arg20[%swap3A_757] {strides = array<i32>} : memref<512xf32, #tpu.memory_space<vmem>>, vector<16xf32>,
      tpu.vector_store %arg20[%swap3A_757], %gather3A_756 {strides = array<i32>} : memref<512xf32, #tpu.memory_space<vmem>>, vector<16xf32>,
      %get3A_759 = arith.constant 160 : index
      %get3A_760 = tpu.vector_load %arg19[%get3A_759] {strides = array<i32>} : memref<512xi32, #tpu.memory_space<vmem>>, vector<16xi32>,
      %gather3A_761 = tpu.vector_load_idx %arg16[%get3A_760] : memref<5120xf32, #tpu.memory_space<vmem>>[vector<16xi32>], vector<16xf32>,
      %swap3A_762 = arith.constant 160 : index
      %swap3A_763 = tpu.vector_load %arg20[%swap3A_762] {strides = array<i32>} : memref<512xf32, #tpu.memory_space<vmem>>, vector<16xf32>,
      tpu.vector_store %arg20[%swap3A_762], %gather3A_761 {strides = array<i32>} : memref<512xf32, #tpu.memory_space<vmem>>, vector<16xf32>,
      %get3A_764 = arith.constant 176 : index
      %get3A_765 = tpu.vector_load %arg19[%get3A_764] {strides = array<i32>} : memref<512xi32, #tpu.memory_space<vmem>>, vector<16xi32>,
      %gather3A_766 = tpu.vector_load_idx %arg16[%get3A_765] : memref<5120xf32, #tpu.memory_space<vmem>>[vector<16xi32>], vector<16xf32>,
      %swap3A_767 = arith.constant 176 : index
      %swap3A_768 = tpu.vector_load %arg20[%swap3A_767] {strides = array<i32>} : memref<512xf32, #tpu.memory_space<vmem>>, vector<16xf32>,
      tpu.vector_store %arg20[%swap3A_767], %gather3A_766 {strides = array<i32>} : memref<512xf32, #tpu.memory_space<vmem>>, vector<16xf32>,
      %get3A_769 = arith.constant 192 : index
      %get3A_770 = tpu.vector_load %arg19[%get3A_769] {strides = array<i32>} : memref<512xi32, #tpu.memory_space<vmem>>, vector<16xi32>,
      %gather3A_771 = tpu.vector_load_idx %arg16[%get3A_770] : memref<5120xf32, #tpu.memory_space<vmem>>[vector<16xi32>], vector<16xf32>,
      %swap3A_772 = arith.constant 192 : index
      %swap3A_773 = tpu.vector_load %arg20[%swap3A_772] {strides = array<i32>} : memref<512xf32, #tpu.memory_space<vmem>>, vector<16xf32>,
      tpu.vector_store %arg20[%swap3A_772], %gather3A_771 {strides = array<i32>} : memref<512xf32, #tpu.memory_space<vmem>>, vector<16xf32>,
      %get3A_774 = arith.constant 208 : index
      %get3A_775 = tpu.vector_load %arg19[%get3A_774] {strides = array<i32>} : memref<512xi32, #tpu.memory_space<vmem>>, vector<16xi32>,
      %gather3A_776 = tpu.vector_load_idx %arg16[%get3A_775] : memref<5120xf32, #tpu.memory_space<vmem>>[vector<16xi32>], vector<16xf32>,
      %swap3A_777 = arith.constant 208 : index
      %swap3A_778 = tpu.vector_load %arg20[%swap3A_777] {strides = array<i32>} : memref<512xf32, #tpu.memory_space<vmem>>, vector<16xf32>,
      tpu.vector_store %arg20[%swap3A_777], %gather3A_776 {strides = array<i32>} : memref<512xf32, #tpu.memory_space<vmem>>, vector<16xf32>,
      %get3A_779 = arith.constant 224 : index
      %get3A_780 = tpu.vector_load %arg19[%get3A_779] {strides = array<i32>} : memref<512xi32, #tpu.memory_space<vmem>>, vector<16xi32>,
      %gather3A_781 = tpu.vector_load_idx %arg16[%get3A_780] : memref<5120xf32, #tpu.memory_space<vmem>>[vector<16xi32>], vector<16xf32>,
      %swap3A_782 = arith.constant 224 : index
      %swap3A_783 = tpu.vector_load %arg20[%swap3A_782] {strides = array<i32>} : memref<512xf32, #tpu.memory_space<vmem>>, vector<16xf32>,
      tpu.vector_store %arg20[%swap3A_782], %gather3A_781 {strides = array<i32>} : memref<512xf32, #tpu.memory_space<vmem>>, vector<16xf32>,
      %get3A_784 = arith.constant 240 : index
      %get3A_785 = tpu.vector_load %arg19[%get3A_784] {strides = array<i32>} : memref<512xi32, #tpu.memory_space<vmem>>, vector<16xi32>,
      %gather3A_786 = tpu.vector_load_idx %arg16[%get3A_785] : memref<5120xf32, #tpu.memory_space<vmem>>[vector<16xi32>], vector<16xf32>,
      %swap3A_787 = arith.constant 240 : index
      %swap3A_788 = tpu.vector_load %arg20[%swap3A_787] {strides = array<i32>} : memref<512xf32, #tpu.memory_space<vmem>>, vector<16xf32>,
      tpu.vector_store %arg20[%swap3A_787], %gather3A_786 {strides = array<i32>} : memref<512xf32, #tpu.memory_space<vmem>>, vector<16xf32>,
      %get3A_789 = arith.constant 256 : index
      %get3A_790 = tpu.vector_load %arg19[%get3A_789] {strides = array<i32>} : memref<512xi32, #tpu.memory_space<vmem>>, vector<16xi32>,
      %gather3A_791 = tpu.vector_load_idx %arg16[%get3A_790] : memref<5120xf32, #tpu.memory_space<vmem>>[vector<16xi32>], vector<16xf32>,
      %swap3A_792 = arith.constant 256 : index
      %swap3A_793 = tpu.vector_load %arg20[%swap3A_792] {strides = array<i32>} : memref<512xf32, #tpu.memory_space<vmem>>, vector<16xf32>,
      tpu.vector_store %arg20[%swap3A_792], %gather3A_791 {strides = array<i32>} : memref<512xf32, #tpu.memory_space<vmem>>, vector<16xf32>,
      %get3A_794 = arith.constant 272 : index
      %get3A_795 = tpu.vector_load %arg19[%get3A_794] {strides = array<i32>} : memref<512xi32, #tpu.memory_space<vmem>>, vector<16xi32>,
      %gather3A_796 = tpu.vector_load_idx %arg16[%get3A_795] : memref<5120xf32, #tpu.memory_space<vmem>>[vector<16xi32>], vector<16xf32>,
      %swap3A_797 = arith.constant 272 : index
      %swap3A_798 = tpu.vector_load %arg20[%swap3A_797] {strides = array<i32>} : memref<512xf32, #tpu.memory_space<vmem>>, vector<16xf32>,
      tpu.vector_store %arg20[%swap3A_797], %gather3A_796 {strides = array<i32>} : memref<512xf32, #tpu.memory_space<vmem>>, vector<16xf32>,
      %get3A_799 = arith.constant 288 : index
      %get3A_800 = tpu.vector_load %arg19[%get3A_799] {strides = array<i32>} : memref<512xi32, #tpu.memory_space<vmem>>, vector<16xi32>,
      %gather3A_801 = tpu.vector_load_idx %arg16[%get3A_800] : memref<5120xf32, #tpu.memory_space<vmem>>[vector<16xi32>], vector<16xf32>,
      %swap3A_802 = arith.constant 288 : index
      %swap3A_803 = tpu.vector_load %arg20[%swap3A_802] {strides = array<i32>} : memref<512xf32, #tpu.memory_space<vmem>>, vector<16xf32>,
      tpu.vector_store %arg20[%swap3A_802], %gather3A_801 {strides = array<i32>} : memref<512xf32, #tpu.memory_space<vmem>>, vector<16xf32>,
      %get3A_804 = arith.constant 304 : index
      %get3A_805 = tpu.vector_load %arg19[%get3A_804] {strides = array<i32>} : memref<512xi32, #tpu.memory_space<vmem>>, vector<16xi32>,
      %gather3A_806 = tpu.vector_load_idx %arg16[%get3A_805] : memref<5120xf32, #tpu.memory_space<vmem>>[vector<16xi32>], vector<16xf32>,
      %swap3A_807 = arith.constant 304 : index
      %swap3A_808 = tpu.vector_load %arg20[%swap3A_807] {strides = array<i32>} : memref<512xf32, #tpu.memory_space<vmem>>, vector<16xf32>,
      tpu.vector_store %arg20[%swap3A_807], %gather3A_806 {strides = array<i32>} : memref<512xf32, #tpu.memory_space<vmem>>, vector<16xf32>,
      %get3A_809 = arith.constant 320 : index
      %get3A_810 = tpu.vector_load %arg19[%get3A_809] {strides = array<i32>} : memref<512xi32, #tpu.memory_space<vmem>>, vector<16xi32>,
      %gather3A_811 = tpu.vector_load_idx %arg16[%get3A_810] : memref<5120xf32, #tpu.memory_space<vmem>>[vector<16xi32>], vector<16xf32>,
      %swap3A_812 = arith.constant 320 : index
      %swap3A_813 = tpu.vector_load %arg20[%swap3A_812] {strides = array<i32>} : memref<512xf32, #tpu.memory_space<vmem>>, vector<16xf32>,
      tpu.vector_store %arg20[%swap3A_812], %gather3A_811 {strides = array<i32>} : memref<512xf32, #tpu.memory_space<vmem>>, vector<16xf32>,
      %get3A_814 = arith.constant 336 : index
      %get3A_815 = tpu.vector_load %arg19[%get3A_814] {strides = array<i32>} : memref<512xi32, #tpu.memory_space<vmem>>, vector<16xi32>,
      %gather3A_816 = tpu.vector_load_idx %arg16[%get3A_815] : memref<5120xf32, #tpu.memory_space<vmem>>[vector<16xi32>], vector<16xf32>,
      %swap3A_817 = arith.constant 336 : index
      %swap3A_818 = tpu.vector_load %arg20[%swap3A_817] {strides = array<i32>} : memref<512xf32, #tpu.memory_space<vmem>>, vector<16xf32>,
      tpu.vector_store %arg20[%swap3A_817], %gather3A_816 {strides = array<i32>} : memref<512xf32, #tpu.memory_space<vmem>>, vector<16xf32>,
      %get3A_819 = arith.constant 352 : index
      %get3A_820 = tpu.vector_load %arg19[%get3A_819] {strides = array<i32>} : memref<512xi32, #tpu.memory_space<vmem>>, vector<16xi32>,
      %gather3A_821 = tpu.vector_load_idx %arg16[%get3A_820] : memref<5120xf32, #tpu.memory_space<vmem>>[vector<16xi32>], vector<16xf32>,
      %swap3A_822 = arith.constant 352 : index
      %swap3A_823 = tpu.vector_load %arg20[%swap3A_822] {strides = array<i32>} : memref<512xf32, #tpu.memory_space<vmem>>, vector<16xf32>,
      tpu.vector_store %arg20[%swap3A_822], %gather3A_821 {strides = array<i32>} : memref<512xf32, #tpu.memory_space<vmem>>, vector<16xf32>,
      %get3A_824 = arith.constant 368 : index
      %get3A_825 = tpu.vector_load %arg19[%get3A_824] {strides = array<i32>} : memref<512xi32, #tpu.memory_space<vmem>>, vector<16xi32>,
      %gather3A_826 = tpu.vector_load_idx %arg16[%get3A_825] : memref<5120xf32, #tpu.memory_space<vmem>>[vector<16xi32>], vector<16xf32>,
      %swap3A_827 = arith.constant 368 : index
      %swap3A_828 = tpu.vector_load %arg20[%swap3A_827] {strides = array<i32>} : memref<512xf32, #tpu.memory_space<vmem>>, vector<16xf32>,
      tpu.vector_store %arg20[%swap3A_827], %gather3A_826 {strides = array<i32>} : memref<512xf32, #tpu.memory_space<vmem>>, vector<16xf32>,
      %get3A_829 = arith.constant 384 : index
      %get3A_830 = tpu.vector_load %arg19[%get3A_829] {strides = array<i32>} : memref<512xi32, #tpu.memory_space<vmem>>, vector<16xi32>,
      %gather3A_831 = tpu.vector_load_idx %arg16[%get3A_830] : memref<5120xf32, #tpu.memory_space<vmem>>[vector<16xi32>], vector<16xf32>,
      %swap3A_832 = arith.constant 384 : index
      %swap3A_833 = tpu.vector_load %arg20[%swap3A_832] {strides = array<i32>} : memref<512xf32, #tpu.memory_space<vmem>>, vector<16xf32>,
      tpu.vector_store %arg20[%swap3A_832], %gather3A_831 {strides = array<i32>} : memref<512xf32, #tpu.memory_space<vmem>>, vector<16xf32>,
      %get3A_834 = arith.constant 400 : index
      %get3A_835 = tpu.vector_load %arg19[%get3A_834] {strides = array<i32>} : memref<512xi32, #tpu.memory_space<vmem>>, vector<16xi32>,
      %gather3A_836 = tpu.vector_load_idx %arg16[%get3A_835] : memref<5120xf32, #tpu.memory_space<vmem>>[vector<16xi32>], vector<16xf32>,
      %swap3A_837 = arith.constant 400 : index
      %swap3A_838 = tpu.vector_load %arg20[%swap3A_837] {strides = array<i32>} : memref<512xf32, #tpu.memory_space<vmem>>, vector<16xf32>,
      tpu.vector_store %arg20[%swap3A_837], %gather3A_836 {strides = array<i32>} : memref<512xf32, #tpu.memory_space<vmem>>, vector<16xf32>,
      %get3A_839 = arith.constant 416 : index
      %get3A_840 = tpu.vector_load %arg19[%get3A_839] {strides = array<i32>} : memref<512xi32, #tpu.memory_space<vmem>>, vector<16xi32>,
      %gather3A_841 = tpu.vector_load_idx %arg16[%get3A_840] : memref<5120xf32, #tpu.memory_space<vmem>>[vector<16xi32>], vector<16xf32>,
      %swap3A_842 = arith.constant 416 : index
      %swap3A_843 = tpu.vector_load %arg20[%swap3A_842] {strides = array<i32>} : memref<512xf32, #tpu.memory_space<vmem>>, vector<16xf32>,
      tpu.vector_store %arg20[%swap3A_842], %gather3A_841 {strides = array<i32>} : memref<512xf32, #tpu.memory_space<vmem>>, vector<16xf32>,
      %get3A_844 = arith.constant 432 : index
      %get3A_845 = tpu.vector_load %arg19[%get3A_844] {strides = array<i32>} : memref<512xi32, #tpu.memory_space<vmem>>, vector<16xi32>,
      %gather3A_846 = tpu.vector_load_idx %arg16[%get3A_845] : memref<5120xf32, #tpu.memory_space<vmem>>[vector<16xi32>], vector<16xf32>,
      %swap3A_847 = arith.constant 432 : index
      %swap3A_848 = tpu.vector_load %arg20[%swap3A_847] {strides = array<i32>} : memref<512xf32, #tpu.memory_space<vmem>>, vector<16xf32>,
      tpu.vector_store %arg20[%swap3A_847], %gather3A_846 {strides = array<i32>} : memref<512xf32, #tpu.memory_space<vmem>>, vector<16xf32>,
      %get3A_849 = arith.constant 448 : index
      %get3A_850 = tpu.vector_load %arg19[%get3A_849] {strides = array<i32>} : memref<512xi32, #tpu.memory_space<vmem>>, vector<16xi32>,
      %gather3A_851 = tpu.vector_load_idx %arg16[%get3A_850] : memref<5120xf32, #tpu.memory_space<vmem>>[vector<16xi32>], vector<16xf32>,
      %swap3A_852 = arith.constant 448 : index
      %swap3A_853 = tpu.vector_load %arg20[%swap3A_852] {strides = array<i32>} : memref<512xf32, #tpu.memory_space<vmem>>, vector<16xf32>,
      tpu.vector_store %arg20[%swap3A_852], %gather3A_851 {strides = array<i32>} : memref<512xf32, #tpu.memory_space<vmem>>, vector<16xf32>,
      %get3A_854 = arith.constant 464 : index
      %get3A_855 = tpu.vector_load %arg19[%get3A_854] {strides = array<i32>} : memref<512xi32, #tpu.memory_space<vmem>>, vector<16xi32>,
      %gather3A_856 = tpu.vector_load_idx %arg16[%get3A_855] : memref<5120xf32, #tpu.memory_space<vmem>>[vector<16xi32>], vector<16xf32>,
      %swap3A_857 = arith.constant 464 : index
      %swap3A_858 = tpu.vector_load %arg20[%swap3A_857] {strides = array<i32>} : memref<512xf32, #tpu.memory_space<vmem>>, vector<16xf32>,
      tpu.vector_store %arg20[%swap3A_857], %gather3A_856 {strides = array<i32>} : memref<512xf32, #tpu.memory_space<vmem>>, vector<16xf32>,
      %get3A_859 = arith.constant 480 : index
      %get3A_860 = tpu.vector_load %arg19[%get3A_859] {strides = array<i32>} : memref<512xi32, #tpu.memory_space<vmem>>, vector<16xi32>,
      %gather3A_861 = tpu.vector_load_idx %arg16[%get3A_860] : memref<5120xf32, #tpu.memory_space<vmem>>[vector<16xi32>], vector<16xf32>,
      %swap3A_862 = arith.constant 480 : index
      %swap3A_863 = tpu.vector_load %arg20[%swap3A_862] {strides = array<i32>} : memref<512xf32, #tpu.memory_space<vmem>>, vector<16xf32>,
      tpu.vector_store %arg20[%swap3A_862], %gather3A_861 {strides = array<i32>} : memref<512xf32, #tpu.memory_space<vmem>>, vector<16xf32>,
      %get3A_864 = arith.constant 496 : index
      %get3A_865 = tpu.vector_load %arg19[%get3A_864] {strides = array<i32>} : memref<512xi32, #tpu.memory_space<vmem>>, vector<16xi32>,
      %gather3A_866 = tpu.vector_load_idx %arg16[%get3A_865] : memref<5120xf32, #tpu.memory_space<vmem>>[vector<16xi32>], vector<16xf32>,
      %swap3A_867 = arith.constant 496 : index
      %swap3A_868 = tpu.vector_load %arg20[%swap3A_867] {strides = array<i32>} : memref<512xf32, #tpu.memory_space<vmem>>, vector<16xf32>,
      tpu.vector_store %arg20[%swap3A_867], %gather3A_866 {strides = array<i32>} : memref<512xf32, #tpu.memory_space<vmem>>, vector<16xf32>,
      "tpu.region"() ({
        %run_scoped3A = tpu.sem_alloc : memref<!tpu.dma_semaphore, #tpu.memory_space<semaphore_mem>>
        %dma_start3A = arith.constant 0 : i32
        %dma_start3A_1349 = tpu.memref_slice %arg11[%add3A, %dma_start3A] : memref<8x512xf32, #tpu.memory_space<hbm>> -> memref<1x512xf32, #tpu.memory_space<hbm>>
        %dma_start3A_1350 = tpu.memref_squeeze %dma_start3A_1349 : memref<1x512xf32, #tpu.memory_space<hbm>> -> memref<512xf32, #tpu.memory_space<hbm>>
        %dma_start3A_1351 = arith.constant 0 : i32
        %dma_start3A_1352 = tpu.memref_slice %arg11[%add3A, %dma_start3A_1351] : memref<8x512xf32, #tpu.memory_space<hbm>> -> memref<1x512xf32, #tpu.memory_space<hbm>>
        %dma_start3A_1353 = tpu.memref_squeeze %dma_start3A_1352 : memref<1x512xf32, #tpu.memory_space<hbm>> -> memref<512xf32, #tpu.memory_space<hbm>>
        tpu.enqueue_dma source(%arg20 : memref<512xf32, #tpu.memory_space<vmem>>) target(%dma_start3A_1353 : memref<512xf32, #tpu.memory_space<hbm>>) target_semaphore(%run_scoped3A : memref<!tpu.dma_semaphore, #tpu.memory_space<semaphore_mem>>)
        %dma_wait3A = arith.constant 0 : i32
        %dma_wait3A_1354 = tpu.memref_slice %arg11[%add3A, %dma_wait3A] : memref<8x512xf32, #tpu.memory_space<hbm>> -> memref<1x512xf32, #tpu.memory_space<hbm>>
        %dma_wait3A_1355 = tpu.memref_squeeze %dma_wait3A_1354 : memref<1x512xf32, #tpu.memory_space<hbm>> -> memref<512xf32, #tpu.memory_space<hbm>>
        %dma_wait3A_1356 = arith.constant 0 : i32
        %dma_wait3A_1357 = tpu.memref_slice %arg11[%add3A, %dma_wait3A_1356] : memref<8x512xf32, #tpu.memory_space<hbm>> -> memref<1x512xf32, #tpu.memory_space<hbm>>
        %dma_wait3A_1358 = tpu.memref_squeeze %dma_wait3A_1357 : memref<1x512xf32, #tpu.memory_space<hbm>> -> memref<512xf32, #tpu.memory_space<hbm>>
        tpu.wait_dma2 semaphore(%run_scoped3A : memref<!tpu.dma_semaphore, #tpu.memory_space<semaphore_mem>>) src(%arg20 : memref<512xf32, #tpu.memory_space<vmem>>) dst(%dma_wait3A_1358 : memref<512xf32, #tpu.memory_space<hbm>>)
        tpu.yield
      }) : () -> ()
      "tpu.region"() ({
        %run_scoped3A = tpu.sem_alloc : memref<!tpu.dma_semaphore, #tpu.memory_space<semaphore_mem>>
        %dma_start3A = arith.constant 0 : i32
        %dma_start3A_1349 = tpu.memref_slice %arg6[%add3A, %dma_start3A] : memref<8x5120xf32, #tpu.memory_space<hbm>> -> memref<1x5120xf32, #tpu.memory_space<hbm>>
        %dma_start3A_1350 = tpu.memref_squeeze %dma_start3A_1349 : memref<1x5120xf32, #tpu.memory_space<hbm>> -> memref<5120xf32, #tpu.memory_space<hbm>>
        %dma_start3A_1351 = arith.constant 0 : i32
        %dma_start3A_1352 = tpu.memref_slice %arg6[%add3A, %dma_start3A_1351] : memref<8x5120xf32, #tpu.memory_space<hbm>> -> memref<1x5120xf32, #tpu.memory_space<hbm>>
        %dma_start3A_1353 = tpu.memref_squeeze %dma_start3A_1352 : memref<1x5120xf32, #tpu.memory_space<hbm>> -> memref<5120xf32, #tpu.memory_space<hbm>>
        tpu.enqueue_dma source(%dma_start3A_1353 : memref<5120xf32, #tpu.memory_space<hbm>>) target(%arg16 : memref<5120xf32, #tpu.memory_space<vmem>>) target_semaphore(%run_scoped3A : memref<!tpu.dma_semaphore, #tpu.memory_space<semaphore_mem>>)
        %dma_wait3A = arith.constant 0 : i32
        %dma_wait3A_1354 = tpu.memref_slice %arg6[%add3A, %dma_wait3A] : memref<8x5120xf32, #tpu.memory_space<hbm>> -> memref<1x5120xf32, #tpu.memory_space<hbm>>
        %dma_wait3A_1355 = tpu.memref_squeeze %dma_wait3A_1354 : memref<1x5120xf32, #tpu.memory_space<hbm>> -> memref<5120xf32, #tpu.memory_space<hbm>>
        %dma_wait3A_1356 = arith.constant 0 : i32
        %dma_wait3A_1357 = tpu.memref_slice %arg6[%add3A, %dma_wait3A_1356] : memref<8x5120xf32, #tpu.memory_space<hbm>> -> memref<1x5120xf32, #tpu.memory_space<hbm>>
        %dma_wait3A_1358 = tpu.memref_squeeze %dma_wait3A_1357 : memref<1x5120xf32, #tpu.memory_space<hbm>> -> memref<5120xf32, #tpu.memory_space<hbm>>
        tpu.wait_dma2 semaphore(%run_scoped3A : memref<!tpu.dma_semaphore, #tpu.memory_space<semaphore_mem>>) src(%dma_wait3A_1358 : memref<5120xf32, #tpu.memory_space<hbm>>) dst(%arg16 : memref<5120xf32, #tpu.memory_space<vmem>>)
        tpu.yield
      }) : () -> ()
      %get3A_869 = arith.constant 0 : index
      %get3A_870 = tpu.vector_load %arg19[%get3A_869] {strides = array<i32>} : memref<512xi32, #tpu.memory_space<vmem>>, vector<16xi32>,
      %gather3A_871 = tpu.vector_load_idx %arg16[%get3A_870] : memref<5120xf32, #tpu.memory_space<vmem>>[vector<16xi32>], vector<16xf32>,
      %swap3A_872 = arith.constant 0 : index
      %swap3A_873 = tpu.vector_load %arg20[%swap3A_872] {strides = array<i32>} : memref<512xf32, #tpu.memory_space<vmem>>, vector<16xf32>,
      tpu.vector_store %arg20[%swap3A_872], %gather3A_871 {strides = array<i32>} : memref<512xf32, #tpu.memory_space<vmem>>, vector<16xf32>,
      %get3A_874 = arith.constant 16 : index
      %get3A_875 = tpu.vector_load %arg19[%get3A_874] {strides = array<i32>} : memref<512xi32, #tpu.memory_space<vmem>>, vector<16xi32>,
      %gather3A_876 = tpu.vector_load_idx %arg16[%get3A_875] : memref<5120xf32, #tpu.memory_space<vmem>>[vector<16xi32>], vector<16xf32>,
      %swap3A_877 = arith.constant 16 : index
      %swap3A_878 = tpu.vector_load %arg20[%swap3A_877] {strides = array<i32>} : memref<512xf32, #tpu.memory_space<vmem>>, vector<16xf32>,
      tpu.vector_store %arg20[%swap3A_877], %gather3A_876 {strides = array<i32>} : memref<512xf32, #tpu.memory_space<vmem>>, vector<16xf32>,
      %get3A_879 = arith.constant 32 : index
      %get3A_880 = tpu.vector_load %arg19[%get3A_879] {strides = array<i32>} : memref<512xi32, #tpu.memory_space<vmem>>, vector<16xi32>,
      %gather3A_881 = tpu.vector_load_idx %arg16[%get3A_880] : memref<5120xf32, #tpu.memory_space<vmem>>[vector<16xi32>], vector<16xf32>,
      %swap3A_882 = arith.constant 32 : index
      %swap3A_883 = tpu.vector_load %arg20[%swap3A_882] {strides = array<i32>} : memref<512xf32, #tpu.memory_space<vmem>>, vector<16xf32>,
      tpu.vector_store %arg20[%swap3A_882], %gather3A_881 {strides = array<i32>} : memref<512xf32, #tpu.memory_space<vmem>>, vector<16xf32>,
      %get3A_884 = arith.constant 48 : index
      %get3A_885 = tpu.vector_load %arg19[%get3A_884] {strides = array<i32>} : memref<512xi32, #tpu.memory_space<vmem>>, vector<16xi32>,
      %gather3A_886 = tpu.vector_load_idx %arg16[%get3A_885] : memref<5120xf32, #tpu.memory_space<vmem>>[vector<16xi32>], vector<16xf32>,
      %swap3A_887 = arith.constant 48 : index
      %swap3A_888 = tpu.vector_load %arg20[%swap3A_887] {strides = array<i32>} : memref<512xf32, #tpu.memory_space<vmem>>, vector<16xf32>,
      tpu.vector_store %arg20[%swap3A_887], %gather3A_886 {strides = array<i32>} : memref<512xf32, #tpu.memory_space<vmem>>, vector<16xf32>,
      %get3A_889 = arith.constant 64 : index
      %get3A_890 = tpu.vector_load %arg19[%get3A_889] {strides = array<i32>} : memref<512xi32, #tpu.memory_space<vmem>>, vector<16xi32>,
      %gather3A_891 = tpu.vector_load_idx %arg16[%get3A_890] : memref<5120xf32, #tpu.memory_space<vmem>>[vector<16xi32>], vector<16xf32>,
      %swap3A_892 = arith.constant 64 : index
      %swap3A_893 = tpu.vector_load %arg20[%swap3A_892] {strides = array<i32>} : memref<512xf32, #tpu.memory_space<vmem>>, vector<16xf32>,
      tpu.vector_store %arg20[%swap3A_892], %gather3A_891 {strides = array<i32>} : memref<512xf32, #tpu.memory_space<vmem>>, vector<16xf32>,
      %get3A_894 = arith.constant 80 : index
      %get3A_895 = tpu.vector_load %arg19[%get3A_894] {strides = array<i32>} : memref<512xi32, #tpu.memory_space<vmem>>, vector<16xi32>,
      %gather3A_896 = tpu.vector_load_idx %arg16[%get3A_895] : memref<5120xf32, #tpu.memory_space<vmem>>[vector<16xi32>], vector<16xf32>,
      %swap3A_897 = arith.constant 80 : index
      %swap3A_898 = tpu.vector_load %arg20[%swap3A_897] {strides = array<i32>} : memref<512xf32, #tpu.memory_space<vmem>>, vector<16xf32>,
      tpu.vector_store %arg20[%swap3A_897], %gather3A_896 {strides = array<i32>} : memref<512xf32, #tpu.memory_space<vmem>>, vector<16xf32>,
      %get3A_899 = arith.constant 96 : index
      %get3A_900 = tpu.vector_load %arg19[%get3A_899] {strides = array<i32>} : memref<512xi32, #tpu.memory_space<vmem>>, vector<16xi32>,
      %gather3A_901 = tpu.vector_load_idx %arg16[%get3A_900] : memref<5120xf32, #tpu.memory_space<vmem>>[vector<16xi32>], vector<16xf32>,
      %swap3A_902 = arith.constant 96 : index
      %swap3A_903 = tpu.vector_load %arg20[%swap3A_902] {strides = array<i32>} : memref<512xf32, #tpu.memory_space<vmem>>, vector<16xf32>,
      tpu.vector_store %arg20[%swap3A_902], %gather3A_901 {strides = array<i32>} : memref<512xf32, #tpu.memory_space<vmem>>, vector<16xf32>,
      %get3A_904 = arith.constant 112 : index
      %get3A_905 = tpu.vector_load %arg19[%get3A_904] {strides = array<i32>} : memref<512xi32, #tpu.memory_space<vmem>>, vector<16xi32>,
      %gather3A_906 = tpu.vector_load_idx %arg16[%get3A_905] : memref<5120xf32, #tpu.memory_space<vmem>>[vector<16xi32>], vector<16xf32>,
      %swap3A_907 = arith.constant 112 : index
      %swap3A_908 = tpu.vector_load %arg20[%swap3A_907] {strides = array<i32>} : memref<512xf32, #tpu.memory_space<vmem>>, vector<16xf32>,
      tpu.vector_store %arg20[%swap3A_907], %gather3A_906 {strides = array<i32>} : memref<512xf32, #tpu.memory_space<vmem>>, vector<16xf32>,
      %get3A_909 = arith.constant 128 : index
      %get3A_910 = tpu.vector_load %arg19[%get3A_909] {strides = array<i32>} : memref<512xi32, #tpu.memory_space<vmem>>, vector<16xi32>,
      %gather3A_911 = tpu.vector_load_idx %arg16[%get3A_910] : memref<5120xf32, #tpu.memory_space<vmem>>[vector<16xi32>], vector<16xf32>,
      %swap3A_912 = arith.constant 128 : index
      %swap3A_913 = tpu.vector_load %arg20[%swap3A_912] {strides = array<i32>} : memref<512xf32, #tpu.memory_space<vmem>>, vector<16xf32>,
      tpu.vector_store %arg20[%swap3A_912], %gather3A_911 {strides = array<i32>} : memref<512xf32, #tpu.memory_space<vmem>>, vector<16xf32>,
      %get3A_914 = arith.constant 144 : index
      %get3A_915 = tpu.vector_load %arg19[%get3A_914] {strides = array<i32>} : memref<512xi32, #tpu.memory_space<vmem>>, vector<16xi32>,
      %gather3A_916 = tpu.vector_load_idx %arg16[%get3A_915] : memref<5120xf32, #tpu.memory_space<vmem>>[vector<16xi32>], vector<16xf32>,
      %swap3A_917 = arith.constant 144 : index
      %swap3A_918 = tpu.vector_load %arg20[%swap3A_917] {strides = array<i32>} : memref<512xf32, #tpu.memory_space<vmem>>, vector<16xf32>,
      tpu.vector_store %arg20[%swap3A_917], %gather3A_916 {strides = array<i32>} : memref<512xf32, #tpu.memory_space<vmem>>, vector<16xf32>,
      %get3A_919 = arith.constant 160 : index
      %get3A_920 = tpu.vector_load %arg19[%get3A_919] {strides = array<i32>} : memref<512xi32, #tpu.memory_space<vmem>>, vector<16xi32>,
      %gather3A_921 = tpu.vector_load_idx %arg16[%get3A_920] : memref<5120xf32, #tpu.memory_space<vmem>>[vector<16xi32>], vector<16xf32>,
      %swap3A_922 = arith.constant 160 : index
      %swap3A_923 = tpu.vector_load %arg20[%swap3A_922] {strides = array<i32>} : memref<512xf32, #tpu.memory_space<vmem>>, vector<16xf32>,
      tpu.vector_store %arg20[%swap3A_922], %gather3A_921 {strides = array<i32>} : memref<512xf32, #tpu.memory_space<vmem>>, vector<16xf32>,
      %get3A_924 = arith.constant 176 : index
      %get3A_925 = tpu.vector_load %arg19[%get3A_924] {strides = array<i32>} : memref<512xi32, #tpu.memory_space<vmem>>, vector<16xi32>,
      %gather3A_926 = tpu.vector_load_idx %arg16[%get3A_925] : memref<5120xf32, #tpu.memory_space<vmem>>[vector<16xi32>], vector<16xf32>,
      %swap3A_927 = arith.constant 176 : index
      %swap3A_928 = tpu.vector_load %arg20[%swap3A_927] {strides = array<i32>} : memref<512xf32, #tpu.memory_space<vmem>>, vector<16xf32>,
      tpu.vector_store %arg20[%swap3A_927], %gather3A_926 {strides = array<i32>} : memref<512xf32, #tpu.memory_space<vmem>>, vector<16xf32>,
      %get3A_929 = arith.constant 192 : index
      %get3A_930 = tpu.vector_load %arg19[%get3A_929] {strides = array<i32>} : memref<512xi32, #tpu.memory_space<vmem>>, vector<16xi32>,
      %gather3A_931 = tpu.vector_load_idx %arg16[%get3A_930] : memref<5120xf32, #tpu.memory_space<vmem>>[vector<16xi32>], vector<16xf32>,
      %swap3A_932 = arith.constant 192 : index
      %swap3A_933 = tpu.vector_load %arg20[%swap3A_932] {strides = array<i32>} : memref<512xf32, #tpu.memory_space<vmem>>, vector<16xf32>,
      tpu.vector_store %arg20[%swap3A_932], %gather3A_931 {strides = array<i32>} : memref<512xf32, #tpu.memory_space<vmem>>, vector<16xf32>,
      %get3A_934 = arith.constant 208 : index
      %get3A_935 = tpu.vector_load %arg19[%get3A_934] {strides = array<i32>} : memref<512xi32, #tpu.memory_space<vmem>>, vector<16xi32>,
      %gather3A_936 = tpu.vector_load_idx %arg16[%get3A_935] : memref<5120xf32, #tpu.memory_space<vmem>>[vector<16xi32>], vector<16xf32>,
      %swap3A_937 = arith.constant 208 : index
      %swap3A_938 = tpu.vector_load %arg20[%swap3A_937] {strides = array<i32>} : memref<512xf32, #tpu.memory_space<vmem>>, vector<16xf32>,
      tpu.vector_store %arg20[%swap3A_937], %gather3A_936 {strides = array<i32>} : memref<512xf32, #tpu.memory_space<vmem>>, vector<16xf32>,
      %get3A_939 = arith.constant 224 : index
      %get3A_940 = tpu.vector_load %arg19[%get3A_939] {strides = array<i32>} : memref<512xi32, #tpu.memory_space<vmem>>, vector<16xi32>,
      %gather3A_941 = tpu.vector_load_idx %arg16[%get3A_940] : memref<5120xf32, #tpu.memory_space<vmem>>[vector<16xi32>], vector<16xf32>,
      %swap3A_942 = arith.constant 224 : index
      %swap3A_943 = tpu.vector_load %arg20[%swap3A_942] {strides = array<i32>} : memref<512xf32, #tpu.memory_space<vmem>>, vector<16xf32>,
      tpu.vector_store %arg20[%swap3A_942], %gather3A_941 {strides = array<i32>} : memref<512xf32, #tpu.memory_space<vmem>>, vector<16xf32>,
      %get3A_944 = arith.constant 240 : index
      %get3A_945 = tpu.vector_load %arg19[%get3A_944] {strides = array<i32>} : memref<512xi32, #tpu.memory_space<vmem>>, vector<16xi32>,
      %gather3A_946 = tpu.vector_load_idx %arg16[%get3A_945] : memref<5120xf32, #tpu.memory_space<vmem>>[vector<16xi32>], vector<16xf32>,
      %swap3A_947 = arith.constant 240 : index
      %swap3A_948 = tpu.vector_load %arg20[%swap3A_947] {strides = array<i32>} : memref<512xf32, #tpu.memory_space<vmem>>, vector<16xf32>,
      tpu.vector_store %arg20[%swap3A_947], %gather3A_946 {strides = array<i32>} : memref<512xf32, #tpu.memory_space<vmem>>, vector<16xf32>,
      %get3A_949 = arith.constant 256 : index
      %get3A_950 = tpu.vector_load %arg19[%get3A_949] {strides = array<i32>} : memref<512xi32, #tpu.memory_space<vmem>>, vector<16xi32>,
      %gather3A_951 = tpu.vector_load_idx %arg16[%get3A_950] : memref<5120xf32, #tpu.memory_space<vmem>>[vector<16xi32>], vector<16xf32>,
      %swap3A_952 = arith.constant 256 : index
      %swap3A_953 = tpu.vector_load %arg20[%swap3A_952] {strides = array<i32>} : memref<512xf32, #tpu.memory_space<vmem>>, vector<16xf32>,
      tpu.vector_store %arg20[%swap3A_952], %gather3A_951 {strides = array<i32>} : memref<512xf32, #tpu.memory_space<vmem>>, vector<16xf32>,
      %get3A_954 = arith.constant 272 : index
      %get3A_955 = tpu.vector_load %arg19[%get3A_954] {strides = array<i32>} : memref<512xi32, #tpu.memory_space<vmem>>, vector<16xi32>,
      %gather3A_956 = tpu.vector_load_idx %arg16[%get3A_955] : memref<5120xf32, #tpu.memory_space<vmem>>[vector<16xi32>], vector<16xf32>,
      %swap3A_957 = arith.constant 272 : index
      %swap3A_958 = tpu.vector_load %arg20[%swap3A_957] {strides = array<i32>} : memref<512xf32, #tpu.memory_space<vmem>>, vector<16xf32>,
      tpu.vector_store %arg20[%swap3A_957], %gather3A_956 {strides = array<i32>} : memref<512xf32, #tpu.memory_space<vmem>>, vector<16xf32>,
      %get3A_959 = arith.constant 288 : index
      %get3A_960 = tpu.vector_load %arg19[%get3A_959] {strides = array<i32>} : memref<512xi32, #tpu.memory_space<vmem>>, vector<16xi32>,
      %gather3A_961 = tpu.vector_load_idx %arg16[%get3A_960] : memref<5120xf32, #tpu.memory_space<vmem>>[vector<16xi32>], vector<16xf32>,
      %swap3A_962 = arith.constant 288 : index
      %swap3A_963 = tpu.vector_load %arg20[%swap3A_962] {strides = array<i32>} : memref<512xf32, #tpu.memory_space<vmem>>, vector<16xf32>,
      tpu.vector_store %arg20[%swap3A_962], %gather3A_961 {strides = array<i32>} : memref<512xf32, #tpu.memory_space<vmem>>, vector<16xf32>,
      %get3A_964 = arith.constant 304 : index
      %get3A_965 = tpu.vector_load %arg19[%get3A_964] {strides = array<i32>} : memref<512xi32, #tpu.memory_space<vmem>>, vector<16xi32>,
      %gather3A_966 = tpu.vector_load_idx %arg16[%get3A_965] : memref<5120xf32, #tpu.memory_space<vmem>>[vector<16xi32>], vector<16xf32>,
      %swap3A_967 = arith.constant 304 : index
      %swap3A_968 = tpu.vector_load %arg20[%swap3A_967] {strides = array<i32>} : memref<512xf32, #tpu.memory_space<vmem>>, vector<16xf32>,
      tpu.vector_store %arg20[%swap3A_967], %gather3A_966 {strides = array<i32>} : memref<512xf32, #tpu.memory_space<vmem>>, vector<16xf32>,
      %get3A_969 = arith.constant 320 : index
      %get3A_970 = tpu.vector_load %arg19[%get3A_969] {strides = array<i32>} : memref<512xi32, #tpu.memory_space<vmem>>, vector<16xi32>,
      %gather3A_971 = tpu.vector_load_idx %arg16[%get3A_970] : memref<5120xf32, #tpu.memory_space<vmem>>[vector<16xi32>], vector<16xf32>,
      %swap3A_972 = arith.constant 320 : index
      %swap3A_973 = tpu.vector_load %arg20[%swap3A_972] {strides = array<i32>} : memref<512xf32, #tpu.memory_space<vmem>>, vector<16xf32>,
      tpu.vector_store %arg20[%swap3A_972], %gather3A_971 {strides = array<i32>} : memref<512xf32, #tpu.memory_space<vmem>>, vector<16xf32>,
      %get3A_974 = arith.constant 336 : index
      %get3A_975 = tpu.vector_load %arg19[%get3A_974] {strides = array<i32>} : memref<512xi32, #tpu.memory_space<vmem>>, vector<16xi32>,
      %gather3A_976 = tpu.vector_load_idx %arg16[%get3A_975] : memref<5120xf32, #tpu.memory_space<vmem>>[vector<16xi32>], vector<16xf32>,
      %swap3A_977 = arith.constant 336 : index
      %swap3A_978 = tpu.vector_load %arg20[%swap3A_977] {strides = array<i32>} : memref<512xf32, #tpu.memory_space<vmem>>, vector<16xf32>,
      tpu.vector_store %arg20[%swap3A_977], %gather3A_976 {strides = array<i32>} : memref<512xf32, #tpu.memory_space<vmem>>, vector<16xf32>,
      %get3A_979 = arith.constant 352 : index
      %get3A_980 = tpu.vector_load %arg19[%get3A_979] {strides = array<i32>} : memref<512xi32, #tpu.memory_space<vmem>>, vector<16xi32>,
      %gather3A_981 = tpu.vector_load_idx %arg16[%get3A_980] : memref<5120xf32, #tpu.memory_space<vmem>>[vector<16xi32>], vector<16xf32>,
      %swap3A_982 = arith.constant 352 : index
      %swap3A_983 = tpu.vector_load %arg20[%swap3A_982] {strides = array<i32>} : memref<512xf32, #tpu.memory_space<vmem>>, vector<16xf32>,
      tpu.vector_store %arg20[%swap3A_982], %gather3A_981 {strides = array<i32>} : memref<512xf32, #tpu.memory_space<vmem>>, vector<16xf32>,
      %get3A_984 = arith.constant 368 : index
      %get3A_985 = tpu.vector_load %arg19[%get3A_984] {strides = array<i32>} : memref<512xi32, #tpu.memory_space<vmem>>, vector<16xi32>,
      %gather3A_986 = tpu.vector_load_idx %arg16[%get3A_985] : memref<5120xf32, #tpu.memory_space<vmem>>[vector<16xi32>], vector<16xf32>,
      %swap3A_987 = arith.constant 368 : index
      %swap3A_988 = tpu.vector_load %arg20[%swap3A_987] {strides = array<i32>} : memref<512xf32, #tpu.memory_space<vmem>>, vector<16xf32>,
      tpu.vector_store %arg20[%swap3A_987], %gather3A_986 {strides = array<i32>} : memref<512xf32, #tpu.memory_space<vmem>>, vector<16xf32>,
      %get3A_989 = arith.constant 384 : index
      %get3A_990 = tpu.vector_load %arg19[%get3A_989] {strides = array<i32>} : memref<512xi32, #tpu.memory_space<vmem>>, vector<16xi32>,
      %gather3A_991 = tpu.vector_load_idx %arg16[%get3A_990] : memref<5120xf32, #tpu.memory_space<vmem>>[vector<16xi32>], vector<16xf32>,
      %swap3A_992 = arith.constant 384 : index
      %swap3A_993 = tpu.vector_load %arg20[%swap3A_992] {strides = array<i32>} : memref<512xf32, #tpu.memory_space<vmem>>, vector<16xf32>,
      tpu.vector_store %arg20[%swap3A_992], %gather3A_991 {strides = array<i32>} : memref<512xf32, #tpu.memory_space<vmem>>, vector<16xf32>,
      %get3A_994 = arith.constant 400 : index
      %get3A_995 = tpu.vector_load %arg19[%get3A_994] {strides = array<i32>} : memref<512xi32, #tpu.memory_space<vmem>>, vector<16xi32>,
      %gather3A_996 = tpu.vector_load_idx %arg16[%get3A_995] : memref<5120xf32, #tpu.memory_space<vmem>>[vector<16xi32>], vector<16xf32>,
      %swap3A_997 = arith.constant 400 : index
      %swap3A_998 = tpu.vector_load %arg20[%swap3A_997] {strides = array<i32>} : memref<512xf32, #tpu.memory_space<vmem>>, vector<16xf32>,
      tpu.vector_store %arg20[%swap3A_997], %gather3A_996 {strides = array<i32>} : memref<512xf32, #tpu.memory_space<vmem>>, vector<16xf32>,
      %get3A_999 = arith.constant 416 : index
      %get3A_1000 = tpu.vector_load %arg19[%get3A_999] {strides = array<i32>} : memref<512xi32, #tpu.memory_space<vmem>>, vector<16xi32>,
      %gather3A_1001 = tpu.vector_load_idx %arg16[%get3A_1000] : memref<5120xf32, #tpu.memory_space<vmem>>[vector<16xi32>], vector<16xf32>,
      %swap3A_1002 = arith.constant 416 : index
      %swap3A_1003 = tpu.vector_load %arg20[%swap3A_1002] {strides = array<i32>} : memref<512xf32, #tpu.memory_space<vmem>>, vector<16xf32>,
      tpu.vector_store %arg20[%swap3A_1002], %gather3A_1001 {strides = array<i32>} : memref<512xf32, #tpu.memory_space<vmem>>, vector<16xf32>,
      %get3A_1004 = arith.constant 432 : index
      %get3A_1005 = tpu.vector_load %arg19[%get3A_1004] {strides = array<i32>} : memref<512xi32, #tpu.memory_space<vmem>>, vector<16xi32>,
      %gather3A_1006 = tpu.vector_load_idx %arg16[%get3A_1005] : memref<5120xf32, #tpu.memory_space<vmem>>[vector<16xi32>], vector<16xf32>,
      %swap3A_1007 = arith.constant 432 : index
      %swap3A_1008 = tpu.vector_load %arg20[%swap3A_1007] {strides = array<i32>} : memref<512xf32, #tpu.memory_space<vmem>>, vector<16xf32>,
      tpu.vector_store %arg20[%swap3A_1007], %gather3A_1006 {strides = array<i32>} : memref<512xf32, #tpu.memory_space<vmem>>, vector<16xf32>,
      %get3A_1009 = arith.constant 448 : index
      %get3A_1010 = tpu.vector_load %arg19[%get3A_1009] {strides = array<i32>} : memref<512xi32, #tpu.memory_space<vmem>>, vector<16xi32>,
      %gather3A_1011 = tpu.vector_load_idx %arg16[%get3A_1010] : memref<5120xf32, #tpu.memory_space<vmem>>[vector<16xi32>], vector<16xf32>,
      %swap3A_1012 = arith.constant 448 : index
      %swap3A_1013 = tpu.vector_load %arg20[%swap3A_1012] {strides = array<i32>} : memref<512xf32, #tpu.memory_space<vmem>>, vector<16xf32>,
      tpu.vector_store %arg20[%swap3A_1012], %gather3A_1011 {strides = array<i32>} : memref<512xf32, #tpu.memory_space<vmem>>, vector<16xf32>,
      %get3A_1014 = arith.constant 464 : index
      %get3A_1015 = tpu.vector_load %arg19[%get3A_1014] {strides = array<i32>} : memref<512xi32, #tpu.memory_space<vmem>>, vector<16xi32>,
      %gather3A_1016 = tpu.vector_load_idx %arg16[%get3A_1015] : memref<5120xf32, #tpu.memory_space<vmem>>[vector<16xi32>], vector<16xf32>,
      %swap3A_1017 = arith.constant 464 : index
      %swap3A_1018 = tpu.vector_load %arg20[%swap3A_1017] {strides = array<i32>} : memref<512xf32, #tpu.memory_space<vmem>>, vector<16xf32>,
      tpu.vector_store %arg20[%swap3A_1017], %gather3A_1016 {strides = array<i32>} : memref<512xf32, #tpu.memory_space<vmem>>, vector<16xf32>,
      %get3A_1019 = arith.constant 480 : index
      %get3A_1020 = tpu.vector_load %arg19[%get3A_1019] {strides = array<i32>} : memref<512xi32, #tpu.memory_space<vmem>>, vector<16xi32>,
      %gather3A_1021 = tpu.vector_load_idx %arg16[%get3A_1020] : memref<5120xf32, #tpu.memory_space<vmem>>[vector<16xi32>], vector<16xf32>,
      %swap3A_1022 = arith.constant 480 : index
      %swap3A_1023 = tpu.vector_load %arg20[%swap3A_1022] {strides = array<i32>} : memref<512xf32, #tpu.memory_space<vmem>>, vector<16xf32>,
      tpu.vector_store %arg20[%swap3A_1022], %gather3A_1021 {strides = array<i32>} : memref<512xf32, #tpu.memory_space<vmem>>, vector<16xf32>,
      %get3A_1024 = arith.constant 496 : index
      %get3A_1025 = tpu.vector_load %arg19[%get3A_1024] {strides = array<i32>} : memref<512xi32, #tpu.memory_space<vmem>>, vector<16xi32>,
      %gather3A_1026 = tpu.vector_load_idx %arg16[%get3A_1025] : memref<5120xf32, #tpu.memory_space<vmem>>[vector<16xi32>], vector<16xf32>,
      %swap3A_1027 = arith.constant 496 : index
      %swap3A_1028 = tpu.vector_load %arg20[%swap3A_1027] {strides = array<i32>} : memref<512xf32, #tpu.memory_space<vmem>>, vector<16xf32>,
      tpu.vector_store %arg20[%swap3A_1027], %gather3A_1026 {strides = array<i32>} : memref<512xf32, #tpu.memory_space<vmem>>, vector<16xf32>,
      "tpu.region"() ({
        %run_scoped3A = tpu.sem_alloc : memref<!tpu.dma_semaphore, #tpu.memory_space<semaphore_mem>>
        %dma_start3A = arith.constant 0 : i32
        %dma_start3A_1349 = tpu.memref_slice %arg12[%add3A, %dma_start3A] : memref<8x512xf32, #tpu.memory_space<hbm>> -> memref<1x512xf32, #tpu.memory_space<hbm>>
        %dma_start3A_1350 = tpu.memref_squeeze %dma_start3A_1349 : memref<1x512xf32, #tpu.memory_space<hbm>> -> memref<512xf32, #tpu.memory_space<hbm>>
        %dma_start3A_1351 = arith.constant 0 : i32
        %dma_start3A_1352 = tpu.memref_slice %arg12[%add3A, %dma_start3A_1351] : memref<8x512xf32, #tpu.memory_space<hbm>> -> memref<1x512xf32, #tpu.memory_space<hbm>>
        %dma_start3A_1353 = tpu.memref_squeeze %dma_start3A_1352 : memref<1x512xf32, #tpu.memory_space<hbm>> -> memref<512xf32, #tpu.memory_space<hbm>>
        tpu.enqueue_dma source(%arg20 : memref<512xf32, #tpu.memory_space<vmem>>) target(%dma_start3A_1353 : memref<512xf32, #tpu.memory_space<hbm>>) target_semaphore(%run_scoped3A : memref<!tpu.dma_semaphore, #tpu.memory_space<semaphore_mem>>)
        %dma_wait3A = arith.constant 0 : i32
        %dma_wait3A_1354 = tpu.memref_slice %arg12[%add3A, %dma_wait3A] : memref<8x512xf32, #tpu.memory_space<hbm>> -> memref<1x512xf32, #tpu.memory_space<hbm>>
        %dma_wait3A_1355 = tpu.memref_squeeze %dma_wait3A_1354 : memref<1x512xf32, #tpu.memory_space<hbm>> -> memref<512xf32, #tpu.memory_space<hbm>>
        %dma_wait3A_1356 = arith.constant 0 : i32
        %dma_wait3A_1357 = tpu.memref_slice %arg12[%add3A, %dma_wait3A_1356] : memref<8x512xf32, #tpu.memory_space<hbm>> -> memref<1x512xf32, #tpu.memory_space<hbm>>
        %dma_wait3A_1358 = tpu.memref_squeeze %dma_wait3A_1357 : memref<1x512xf32, #tpu.memory_space<hbm>> -> memref<512xf32, #tpu.memory_space<hbm>>
        tpu.wait_dma2 semaphore(%run_scoped3A : memref<!tpu.dma_semaphore, #tpu.memory_space<semaphore_mem>>) src(%arg20 : memref<512xf32, #tpu.memory_space<vmem>>) dst(%dma_wait3A_1358 : memref<512xf32, #tpu.memory_space<hbm>>)
        tpu.yield
      }) : () -> ()
      "tpu.region"() ({
        %run_scoped3A = tpu.sem_alloc : memref<!tpu.dma_semaphore, #tpu.memory_space<semaphore_mem>>
        %dma_start3A = arith.constant 0 : i32
        %dma_start3A_1349 = tpu.memref_slice %arg7[%add3A, %dma_start3A] : memref<8x5120xf32, #tpu.memory_space<hbm>> -> memref<1x5120xf32, #tpu.memory_space<hbm>>
        %dma_start3A_1350 = tpu.memref_squeeze %dma_start3A_1349 : memref<1x5120xf32, #tpu.memory_space<hbm>> -> memref<5120xf32, #tpu.memory_space<hbm>>
        %dma_start3A_1351 = arith.constant 0 : i32
        %dma_start3A_1352 = tpu.memref_slice %arg7[%add3A, %dma_start3A_1351] : memref<8x5120xf32, #tpu.memory_space<hbm>> -> memref<1x5120xf32, #tpu.memory_space<hbm>>
        %dma_start3A_1353 = tpu.memref_squeeze %dma_start3A_1352 : memref<1x5120xf32, #tpu.memory_space<hbm>> -> memref<5120xf32, #tpu.memory_space<hbm>>
        tpu.enqueue_dma source(%dma_start3A_1353 : memref<5120xf32, #tpu.memory_space<hbm>>) target(%arg16 : memref<5120xf32, #tpu.memory_space<vmem>>) target_semaphore(%run_scoped3A : memref<!tpu.dma_semaphore, #tpu.memory_space<semaphore_mem>>)
        %dma_wait3A = arith.constant 0 : i32
        %dma_wait3A_1354 = tpu.memref_slice %arg7[%add3A, %dma_wait3A] : memref<8x5120xf32, #tpu.memory_space<hbm>> -> memref<1x5120xf32, #tpu.memory_space<hbm>>
        %dma_wait3A_1355 = tpu.memref_squeeze %dma_wait3A_1354 : memref<1x5120xf32, #tpu.memory_space<hbm>> -> memref<5120xf32, #tpu.memory_space<hbm>>
        %dma_wait3A_1356 = arith.constant 0 : i32
        %dma_wait3A_1357 = tpu.memref_slice %arg7[%add3A, %dma_wait3A_1356] : memref<8x5120xf32, #tpu.memory_space<hbm>> -> memref<1x5120xf32, #tpu.memory_space<hbm>>
        %dma_wait3A_1358 = tpu.memref_squeeze %dma_wait3A_1357 : memref<1x5120xf32, #tpu.memory_space<hbm>> -> memref<5120xf32, #tpu.memory_space<hbm>>
        tpu.wait_dma2 semaphore(%run_scoped3A : memref<!tpu.dma_semaphore, #tpu.memory_space<semaphore_mem>>) src(%dma_wait3A_1358 : memref<5120xf32, #tpu.memory_space<hbm>>) dst(%arg16 : memref<5120xf32, #tpu.memory_space<vmem>>)
        tpu.yield
      }) : () -> ()
      %get3A_1029 = arith.constant 0 : index
      %get3A_1030 = tpu.vector_load %arg19[%get3A_1029] {strides = array<i32>} : memref<512xi32, #tpu.memory_space<vmem>>, vector<16xi32>,
      %gather3A_1031 = tpu.vector_load_idx %arg16[%get3A_1030] : memref<5120xf32, #tpu.memory_space<vmem>>[vector<16xi32>], vector<16xf32>,
      %swap3A_1032 = arith.constant 0 : index
      %swap3A_1033 = tpu.vector_load %arg20[%swap3A_1032] {strides = array<i32>} : memref<512xf32, #tpu.memory_space<vmem>>, vector<16xf32>,
      tpu.vector_store %arg20[%swap3A_1032], %gather3A_1031 {strides = array<i32>} : memref<512xf32, #tpu.memory_space<vmem>>, vector<16xf32>,
      %get3A_1034 = arith.constant 16 : index
      %get3A_1035 = tpu.vector_load %arg19[%get3A_1034] {strides = array<i32>} : memref<512xi32, #tpu.memory_space<vmem>>, vector<16xi32>,
      %gather3A_1036 = tpu.vector_load_idx %arg16[%get3A_1035] : memref<5120xf32, #tpu.memory_space<vmem>>[vector<16xi32>], vector<16xf32>,
      %swap3A_1037 = arith.constant 16 : index
      %swap3A_1038 = tpu.vector_load %arg20[%swap3A_1037] {strides = array<i32>} : memref<512xf32, #tpu.memory_space<vmem>>, vector<16xf32>,
      tpu.vector_store %arg20[%swap3A_1037], %gather3A_1036 {strides = array<i32>} : memref<512xf32, #tpu.memory_space<vmem>>, vector<16xf32>,
      %get3A_1039 = arith.constant 32 : index
      %get3A_1040 = tpu.vector_load %arg19[%get3A_1039] {strides = array<i32>} : memref<512xi32, #tpu.memory_space<vmem>>, vector<16xi32>,
      %gather3A_1041 = tpu.vector_load_idx %arg16[%get3A_1040] : memref<5120xf32, #tpu.memory_space<vmem>>[vector<16xi32>], vector<16xf32>,
      %swap3A_1042 = arith.constant 32 : index
      %swap3A_1043 = tpu.vector_load %arg20[%swap3A_1042] {strides = array<i32>} : memref<512xf32, #tpu.memory_space<vmem>>, vector<16xf32>,
      tpu.vector_store %arg20[%swap3A_1042], %gather3A_1041 {strides = array<i32>} : memref<512xf32, #tpu.memory_space<vmem>>, vector<16xf32>,
      %get3A_1044 = arith.constant 48 : index
      %get3A_1045 = tpu.vector_load %arg19[%get3A_1044] {strides = array<i32>} : memref<512xi32, #tpu.memory_space<vmem>>, vector<16xi32>,
      %gather3A_1046 = tpu.vector_load_idx %arg16[%get3A_1045] : memref<5120xf32, #tpu.memory_space<vmem>>[vector<16xi32>], vector<16xf32>,
      %swap3A_1047 = arith.constant 48 : index
      %swap3A_1048 = tpu.vector_load %arg20[%swap3A_1047] {strides = array<i32>} : memref<512xf32, #tpu.memory_space<vmem>>, vector<16xf32>,
      tpu.vector_store %arg20[%swap3A_1047], %gather3A_1046 {strides = array<i32>} : memref<512xf32, #tpu.memory_space<vmem>>, vector<16xf32>,
      %get3A_1049 = arith.constant 64 : index
      %get3A_1050 = tpu.vector_load %arg19[%get3A_1049] {strides = array<i32>} : memref<512xi32, #tpu.memory_space<vmem>>, vector<16xi32>,
      %gather3A_1051 = tpu.vector_load_idx %arg16[%get3A_1050] : memref<5120xf32, #tpu.memory_space<vmem>>[vector<16xi32>], vector<16xf32>,
      %swap3A_1052 = arith.constant 64 : index
      %swap3A_1053 = tpu.vector_load %arg20[%swap3A_1052] {strides = array<i32>} : memref<512xf32, #tpu.memory_space<vmem>>, vector<16xf32>,
      tpu.vector_store %arg20[%swap3A_1052], %gather3A_1051 {strides = array<i32>} : memref<512xf32, #tpu.memory_space<vmem>>, vector<16xf32>,
      %get3A_1054 = arith.constant 80 : index
      %get3A_1055 = tpu.vector_load %arg19[%get3A_1054] {strides = array<i32>} : memref<512xi32, #tpu.memory_space<vmem>>, vector<16xi32>,
      %gather3A_1056 = tpu.vector_load_idx %arg16[%get3A_1055] : memref<5120xf32, #tpu.memory_space<vmem>>[vector<16xi32>], vector<16xf32>,
      %swap3A_1057 = arith.constant 80 : index
      %swap3A_1058 = tpu.vector_load %arg20[%swap3A_1057] {strides = array<i32>} : memref<512xf32, #tpu.memory_space<vmem>>, vector<16xf32>,
      tpu.vector_store %arg20[%swap3A_1057], %gather3A_1056 {strides = array<i32>} : memref<512xf32, #tpu.memory_space<vmem>>, vector<16xf32>,
      %get3A_1059 = arith.constant 96 : index
      %get3A_1060 = tpu.vector_load %arg19[%get3A_1059] {strides = array<i32>} : memref<512xi32, #tpu.memory_space<vmem>>, vector<16xi32>,
      %gather3A_1061 = tpu.vector_load_idx %arg16[%get3A_1060] : memref<5120xf32, #tpu.memory_space<vmem>>[vector<16xi32>], vector<16xf32>,
      %swap3A_1062 = arith.constant 96 : index
      %swap3A_1063 = tpu.vector_load %arg20[%swap3A_1062] {strides = array<i32>} : memref<512xf32, #tpu.memory_space<vmem>>, vector<16xf32>,
      tpu.vector_store %arg20[%swap3A_1062], %gather3A_1061 {strides = array<i32>} : memref<512xf32, #tpu.memory_space<vmem>>, vector<16xf32>,
      %get3A_1064 = arith.constant 112 : index
      %get3A_1065 = tpu.vector_load %arg19[%get3A_1064] {strides = array<i32>} : memref<512xi32, #tpu.memory_space<vmem>>, vector<16xi32>,
      %gather3A_1066 = tpu.vector_load_idx %arg16[%get3A_1065] : memref<5120xf32, #tpu.memory_space<vmem>>[vector<16xi32>], vector<16xf32>,
      %swap3A_1067 = arith.constant 112 : index
      %swap3A_1068 = tpu.vector_load %arg20[%swap3A_1067] {strides = array<i32>} : memref<512xf32, #tpu.memory_space<vmem>>, vector<16xf32>,
      tpu.vector_store %arg20[%swap3A_1067], %gather3A_1066 {strides = array<i32>} : memref<512xf32, #tpu.memory_space<vmem>>, vector<16xf32>,
      %get3A_1069 = arith.constant 128 : index
      %get3A_1070 = tpu.vector_load %arg19[%get3A_1069] {strides = array<i32>} : memref<512xi32, #tpu.memory_space<vmem>>, vector<16xi32>,
      %gather3A_1071 = tpu.vector_load_idx %arg16[%get3A_1070] : memref<5120xf32, #tpu.memory_space<vmem>>[vector<16xi32>], vector<16xf32>,
      %swap3A_1072 = arith.constant 128 : index
      %swap3A_1073 = tpu.vector_load %arg20[%swap3A_1072] {strides = array<i32>} : memref<512xf32, #tpu.memory_space<vmem>>, vector<16xf32>,
      tpu.vector_store %arg20[%swap3A_1072], %gather3A_1071 {strides = array<i32>} : memref<512xf32, #tpu.memory_space<vmem>>, vector<16xf32>,
      %get3A_1074 = arith.constant 144 : index
      %get3A_1075 = tpu.vector_load %arg19[%get3A_1074] {strides = array<i32>} : memref<512xi32, #tpu.memory_space<vmem>>, vector<16xi32>,
      %gather3A_1076 = tpu.vector_load_idx %arg16[%get3A_1075] : memref<5120xf32, #tpu.memory_space<vmem>>[vector<16xi32>], vector<16xf32>,
      %swap3A_1077 = arith.constant 144 : index
      %swap3A_1078 = tpu.vector_load %arg20[%swap3A_1077] {strides = array<i32>} : memref<512xf32, #tpu.memory_space<vmem>>, vector<16xf32>,
      tpu.vector_store %arg20[%swap3A_1077], %gather3A_1076 {strides = array<i32>} : memref<512xf32, #tpu.memory_space<vmem>>, vector<16xf32>,
      %get3A_1079 = arith.constant 160 : index
      %get3A_1080 = tpu.vector_load %arg19[%get3A_1079] {strides = array<i32>} : memref<512xi32, #tpu.memory_space<vmem>>, vector<16xi32>,
      %gather3A_1081 = tpu.vector_load_idx %arg16[%get3A_1080] : memref<5120xf32, #tpu.memory_space<vmem>>[vector<16xi32>], vector<16xf32>,
      %swap3A_1082 = arith.constant 160 : index
      %swap3A_1083 = tpu.vector_load %arg20[%swap3A_1082] {strides = array<i32>} : memref<512xf32, #tpu.memory_space<vmem>>, vector<16xf32>,
      tpu.vector_store %arg20[%swap3A_1082], %gather3A_1081 {strides = array<i32>} : memref<512xf32, #tpu.memory_space<vmem>>, vector<16xf32>,
      %get3A_1084 = arith.constant 176 : index
      %get3A_1085 = tpu.vector_load %arg19[%get3A_1084] {strides = array<i32>} : memref<512xi32, #tpu.memory_space<vmem>>, vector<16xi32>,
      %gather3A_1086 = tpu.vector_load_idx %arg16[%get3A_1085] : memref<5120xf32, #tpu.memory_space<vmem>>[vector<16xi32>], vector<16xf32>,
      %swap3A_1087 = arith.constant 176 : index
      %swap3A_1088 = tpu.vector_load %arg20[%swap3A_1087] {strides = array<i32>} : memref<512xf32, #tpu.memory_space<vmem>>, vector<16xf32>,
      tpu.vector_store %arg20[%swap3A_1087], %gather3A_1086 {strides = array<i32>} : memref<512xf32, #tpu.memory_space<vmem>>, vector<16xf32>,
      %get3A_1089 = arith.constant 192 : index
      %get3A_1090 = tpu.vector_load %arg19[%get3A_1089] {strides = array<i32>} : memref<512xi32, #tpu.memory_space<vmem>>, vector<16xi32>,
      %gather3A_1091 = tpu.vector_load_idx %arg16[%get3A_1090] : memref<5120xf32, #tpu.memory_space<vmem>>[vector<16xi32>], vector<16xf32>,
      %swap3A_1092 = arith.constant 192 : index
      %swap3A_1093 = tpu.vector_load %arg20[%swap3A_1092] {strides = array<i32>} : memref<512xf32, #tpu.memory_space<vmem>>, vector<16xf32>,
      tpu.vector_store %arg20[%swap3A_1092], %gather3A_1091 {strides = array<i32>} : memref<512xf32, #tpu.memory_space<vmem>>, vector<16xf32>,
      %get3A_1094 = arith.constant 208 : index
      %get3A_1095 = tpu.vector_load %arg19[%get3A_1094] {strides = array<i32>} : memref<512xi32, #tpu.memory_space<vmem>>, vector<16xi32>,
      %gather3A_1096 = tpu.vector_load_idx %arg16[%get3A_1095] : memref<5120xf32, #tpu.memory_space<vmem>>[vector<16xi32>], vector<16xf32>,
      %swap3A_1097 = arith.constant 208 : index
      %swap3A_1098 = tpu.vector_load %arg20[%swap3A_1097] {strides = array<i32>} : memref<512xf32, #tpu.memory_space<vmem>>, vector<16xf32>,
      tpu.vector_store %arg20[%swap3A_1097], %gather3A_1096 {strides = array<i32>} : memref<512xf32, #tpu.memory_space<vmem>>, vector<16xf32>,
      %get3A_1099 = arith.constant 224 : index
      %get3A_1100 = tpu.vector_load %arg19[%get3A_1099] {strides = array<i32>} : memref<512xi32, #tpu.memory_space<vmem>>, vector<16xi32>,
      %gather3A_1101 = tpu.vector_load_idx %arg16[%get3A_1100] : memref<5120xf32, #tpu.memory_space<vmem>>[vector<16xi32>], vector<16xf32>,
      %swap3A_1102 = arith.constant 224 : index
      %swap3A_1103 = tpu.vector_load %arg20[%swap3A_1102] {strides = array<i32>} : memref<512xf32, #tpu.memory_space<vmem>>, vector<16xf32>,
      tpu.vector_store %arg20[%swap3A_1102], %gather3A_1101 {strides = array<i32>} : memref<512xf32, #tpu.memory_space<vmem>>, vector<16xf32>,
      %get3A_1104 = arith.constant 240 : index
      %get3A_1105 = tpu.vector_load %arg19[%get3A_1104] {strides = array<i32>} : memref<512xi32, #tpu.memory_space<vmem>>, vector<16xi32>,
      %gather3A_1106 = tpu.vector_load_idx %arg16[%get3A_1105] : memref<5120xf32, #tpu.memory_space<vmem>>[vector<16xi32>], vector<16xf32>,
      %swap3A_1107 = arith.constant 240 : index
      %swap3A_1108 = tpu.vector_load %arg20[%swap3A_1107] {strides = array<i32>} : memref<512xf32, #tpu.memory_space<vmem>>, vector<16xf32>,
      tpu.vector_store %arg20[%swap3A_1107], %gather3A_1106 {strides = array<i32>} : memref<512xf32, #tpu.memory_space<vmem>>, vector<16xf32>,
      %get3A_1109 = arith.constant 256 : index
      %get3A_1110 = tpu.vector_load %arg19[%get3A_1109] {strides = array<i32>} : memref<512xi32, #tpu.memory_space<vmem>>, vector<16xi32>,
      %gather3A_1111 = tpu.vector_load_idx %arg16[%get3A_1110] : memref<5120xf32, #tpu.memory_space<vmem>>[vector<16xi32>], vector<16xf32>,
      %swap3A_1112 = arith.constant 256 : index
      %swap3A_1113 = tpu.vector_load %arg20[%swap3A_1112] {strides = array<i32>} : memref<512xf32, #tpu.memory_space<vmem>>, vector<16xf32>,
      tpu.vector_store %arg20[%swap3A_1112], %gather3A_1111 {strides = array<i32>} : memref<512xf32, #tpu.memory_space<vmem>>, vector<16xf32>,
      %get3A_1114 = arith.constant 272 : index
      %get3A_1115 = tpu.vector_load %arg19[%get3A_1114] {strides = array<i32>} : memref<512xi32, #tpu.memory_space<vmem>>, vector<16xi32>,
      %gather3A_1116 = tpu.vector_load_idx %arg16[%get3A_1115] : memref<5120xf32, #tpu.memory_space<vmem>>[vector<16xi32>], vector<16xf32>,
      %swap3A_1117 = arith.constant 272 : index
      %swap3A_1118 = tpu.vector_load %arg20[%swap3A_1117] {strides = array<i32>} : memref<512xf32, #tpu.memory_space<vmem>>, vector<16xf32>,
      tpu.vector_store %arg20[%swap3A_1117], %gather3A_1116 {strides = array<i32>} : memref<512xf32, #tpu.memory_space<vmem>>, vector<16xf32>,
      %get3A_1119 = arith.constant 288 : index
      %get3A_1120 = tpu.vector_load %arg19[%get3A_1119] {strides = array<i32>} : memref<512xi32, #tpu.memory_space<vmem>>, vector<16xi32>,
      %gather3A_1121 = tpu.vector_load_idx %arg16[%get3A_1120] : memref<5120xf32, #tpu.memory_space<vmem>>[vector<16xi32>], vector<16xf32>,
      %swap3A_1122 = arith.constant 288 : index
      %swap3A_1123 = tpu.vector_load %arg20[%swap3A_1122] {strides = array<i32>} : memref<512xf32, #tpu.memory_space<vmem>>, vector<16xf32>,
      tpu.vector_store %arg20[%swap3A_1122], %gather3A_1121 {strides = array<i32>} : memref<512xf32, #tpu.memory_space<vmem>>, vector<16xf32>,
      %get3A_1124 = arith.constant 304 : index
      %get3A_1125 = tpu.vector_load %arg19[%get3A_1124] {strides = array<i32>} : memref<512xi32, #tpu.memory_space<vmem>>, vector<16xi32>,
      %gather3A_1126 = tpu.vector_load_idx %arg16[%get3A_1125] : memref<5120xf32, #tpu.memory_space<vmem>>[vector<16xi32>], vector<16xf32>,
      %swap3A_1127 = arith.constant 304 : index
      %swap3A_1128 = tpu.vector_load %arg20[%swap3A_1127] {strides = array<i32>} : memref<512xf32, #tpu.memory_space<vmem>>, vector<16xf32>,
      tpu.vector_store %arg20[%swap3A_1127], %gather3A_1126 {strides = array<i32>} : memref<512xf32, #tpu.memory_space<vmem>>, vector<16xf32>,
      %get3A_1129 = arith.constant 320 : index
      %get3A_1130 = tpu.vector_load %arg19[%get3A_1129] {strides = array<i32>} : memref<512xi32, #tpu.memory_space<vmem>>, vector<16xi32>,
      %gather3A_1131 = tpu.vector_load_idx %arg16[%get3A_1130] : memref<5120xf32, #tpu.memory_space<vmem>>[vector<16xi32>], vector<16xf32>,
      %swap3A_1132 = arith.constant 320 : index
      %swap3A_1133 = tpu.vector_load %arg20[%swap3A_1132] {strides = array<i32>} : memref<512xf32, #tpu.memory_space<vmem>>, vector<16xf32>,
      tpu.vector_store %arg20[%swap3A_1132], %gather3A_1131 {strides = array<i32>} : memref<512xf32, #tpu.memory_space<vmem>>, vector<16xf32>,
      %get3A_1134 = arith.constant 336 : index
      %get3A_1135 = tpu.vector_load %arg19[%get3A_1134] {strides = array<i32>} : memref<512xi32, #tpu.memory_space<vmem>>, vector<16xi32>,
      %gather3A_1136 = tpu.vector_load_idx %arg16[%get3A_1135] : memref<5120xf32, #tpu.memory_space<vmem>>[vector<16xi32>], vector<16xf32>,
      %swap3A_1137 = arith.constant 336 : index
      %swap3A_1138 = tpu.vector_load %arg20[%swap3A_1137] {strides = array<i32>} : memref<512xf32, #tpu.memory_space<vmem>>, vector<16xf32>,
      tpu.vector_store %arg20[%swap3A_1137], %gather3A_1136 {strides = array<i32>} : memref<512xf32, #tpu.memory_space<vmem>>, vector<16xf32>,
      %get3A_1139 = arith.constant 352 : index
      %get3A_1140 = tpu.vector_load %arg19[%get3A_1139] {strides = array<i32>} : memref<512xi32, #tpu.memory_space<vmem>>, vector<16xi32>,
      %gather3A_1141 = tpu.vector_load_idx %arg16[%get3A_1140] : memref<5120xf32, #tpu.memory_space<vmem>>[vector<16xi32>], vector<16xf32>,
      %swap3A_1142 = arith.constant 352 : index
      %swap3A_1143 = tpu.vector_load %arg20[%swap3A_1142] {strides = array<i32>} : memref<512xf32, #tpu.memory_space<vmem>>, vector<16xf32>,
      tpu.vector_store %arg20[%swap3A_1142], %gather3A_1141 {strides = array<i32>} : memref<512xf32, #tpu.memory_space<vmem>>, vector<16xf32>,
      %get3A_1144 = arith.constant 368 : index
      %get3A_1145 = tpu.vector_load %arg19[%get3A_1144] {strides = array<i32>} : memref<512xi32, #tpu.memory_space<vmem>>, vector<16xi32>,
      %gather3A_1146 = tpu.vector_load_idx %arg16[%get3A_1145] : memref<5120xf32, #tpu.memory_space<vmem>>[vector<16xi32>], vector<16xf32>,
      %swap3A_1147 = arith.constant 368 : index
      %swap3A_1148 = tpu.vector_load %arg20[%swap3A_1147] {strides = array<i32>} : memref<512xf32, #tpu.memory_space<vmem>>, vector<16xf32>,
      tpu.vector_store %arg20[%swap3A_1147], %gather3A_1146 {strides = array<i32>} : memref<512xf32, #tpu.memory_space<vmem>>, vector<16xf32>,
      %get3A_1149 = arith.constant 384 : index
      %get3A_1150 = tpu.vector_load %arg19[%get3A_1149] {strides = array<i32>} : memref<512xi32, #tpu.memory_space<vmem>>, vector<16xi32>,
      %gather3A_1151 = tpu.vector_load_idx %arg16[%get3A_1150] : memref<5120xf32, #tpu.memory_space<vmem>>[vector<16xi32>], vector<16xf32>,
      %swap3A_1152 = arith.constant 384 : index
      %swap3A_1153 = tpu.vector_load %arg20[%swap3A_1152] {strides = array<i32>} : memref<512xf32, #tpu.memory_space<vmem>>, vector<16xf32>,
      tpu.vector_store %arg20[%swap3A_1152], %gather3A_1151 {strides = array<i32>} : memref<512xf32, #tpu.memory_space<vmem>>, vector<16xf32>,
      %get3A_1154 = arith.constant 400 : index
      %get3A_1155 = tpu.vector_load %arg19[%get3A_1154] {strides = array<i32>} : memref<512xi32, #tpu.memory_space<vmem>>, vector<16xi32>,
      %gather3A_1156 = tpu.vector_load_idx %arg16[%get3A_1155] : memref<5120xf32, #tpu.memory_space<vmem>>[vector<16xi32>], vector<16xf32>,
      %swap3A_1157 = arith.constant 400 : index
      %swap3A_1158 = tpu.vector_load %arg20[%swap3A_1157] {strides = array<i32>} : memref<512xf32, #tpu.memory_space<vmem>>, vector<16xf32>,
      tpu.vector_store %arg20[%swap3A_1157], %gather3A_1156 {strides = array<i32>} : memref<512xf32, #tpu.memory_space<vmem>>, vector<16xf32>,
      %get3A_1159 = arith.constant 416 : index
      %get3A_1160 = tpu.vector_load %arg19[%get3A_1159] {strides = array<i32>} : memref<512xi32, #tpu.memory_space<vmem>>, vector<16xi32>,
      %gather3A_1161 = tpu.vector_load_idx %arg16[%get3A_1160] : memref<5120xf32, #tpu.memory_space<vmem>>[vector<16xi32>], vector<16xf32>,
      %swap3A_1162 = arith.constant 416 : index
      %swap3A_1163 = tpu.vector_load %arg20[%swap3A_1162] {strides = array<i32>} : memref<512xf32, #tpu.memory_space<vmem>>, vector<16xf32>,
      tpu.vector_store %arg20[%swap3A_1162], %gather3A_1161 {strides = array<i32>} : memref<512xf32, #tpu.memory_space<vmem>>, vector<16xf32>,
      %get3A_1164 = arith.constant 432 : index
      %get3A_1165 = tpu.vector_load %arg19[%get3A_1164] {strides = array<i32>} : memref<512xi32, #tpu.memory_space<vmem>>, vector<16xi32>,
      %gather3A_1166 = tpu.vector_load_idx %arg16[%get3A_1165] : memref<5120xf32, #tpu.memory_space<vmem>>[vector<16xi32>], vector<16xf32>,
      %swap3A_1167 = arith.constant 432 : index
      %swap3A_1168 = tpu.vector_load %arg20[%swap3A_1167] {strides = array<i32>} : memref<512xf32, #tpu.memory_space<vmem>>, vector<16xf32>,
      tpu.vector_store %arg20[%swap3A_1167], %gather3A_1166 {strides = array<i32>} : memref<512xf32, #tpu.memory_space<vmem>>, vector<16xf32>,
      %get3A_1169 = arith.constant 448 : index
      %get3A_1170 = tpu.vector_load %arg19[%get3A_1169] {strides = array<i32>} : memref<512xi32, #tpu.memory_space<vmem>>, vector<16xi32>,
      %gather3A_1171 = tpu.vector_load_idx %arg16[%get3A_1170] : memref<5120xf32, #tpu.memory_space<vmem>>[vector<16xi32>], vector<16xf32>,
      %swap3A_1172 = arith.constant 448 : index
      %swap3A_1173 = tpu.vector_load %arg20[%swap3A_1172] {strides = array<i32>} : memref<512xf32, #tpu.memory_space<vmem>>, vector<16xf32>,
      tpu.vector_store %arg20[%swap3A_1172], %gather3A_1171 {strides = array<i32>} : memref<512xf32, #tpu.memory_space<vmem>>, vector<16xf32>,
      %get3A_1174 = arith.constant 464 : index
      %get3A_1175 = tpu.vector_load %arg19[%get3A_1174] {strides = array<i32>} : memref<512xi32, #tpu.memory_space<vmem>>, vector<16xi32>,
      %gather3A_1176 = tpu.vector_load_idx %arg16[%get3A_1175] : memref<5120xf32, #tpu.memory_space<vmem>>[vector<16xi32>], vector<16xf32>,
      %swap3A_1177 = arith.constant 464 : index
      %swap3A_1178 = tpu.vector_load %arg20[%swap3A_1177] {strides = array<i32>} : memref<512xf32, #tpu.memory_space<vmem>>, vector<16xf32>,
      tpu.vector_store %arg20[%swap3A_1177], %gather3A_1176 {strides = array<i32>} : memref<512xf32, #tpu.memory_space<vmem>>, vector<16xf32>,
      %get3A_1179 = arith.constant 480 : index
      %get3A_1180 = tpu.vector_load %arg19[%get3A_1179] {strides = array<i32>} : memref<512xi32, #tpu.memory_space<vmem>>, vector<16xi32>,
      %gather3A_1181 = tpu.vector_load_idx %arg16[%get3A_1180] : memref<5120xf32, #tpu.memory_space<vmem>>[vector<16xi32>], vector<16xf32>,
      %swap3A_1182 = arith.constant 480 : index
      %swap3A_1183 = tpu.vector_load %arg20[%swap3A_1182] {strides = array<i32>} : memref<512xf32, #tpu.memory_space<vmem>>, vector<16xf32>,
      tpu.vector_store %arg20[%swap3A_1182], %gather3A_1181 {strides = array<i32>} : memref<512xf32, #tpu.memory_space<vmem>>, vector<16xf32>,
      %get3A_1184 = arith.constant 496 : index
      %get3A_1185 = tpu.vector_load %arg19[%get3A_1184] {strides = array<i32>} : memref<512xi32, #tpu.memory_space<vmem>>, vector<16xi32>,
      %gather3A_1186 = tpu.vector_load_idx %arg16[%get3A_1185] : memref<5120xf32, #tpu.memory_space<vmem>>[vector<16xi32>], vector<16xf32>,
      %swap3A_1187 = arith.constant 496 : index
      %swap3A_1188 = tpu.vector_load %arg20[%swap3A_1187] {strides = array<i32>} : memref<512xf32, #tpu.memory_space<vmem>>, vector<16xf32>,
      tpu.vector_store %arg20[%swap3A_1187], %gather3A_1186 {strides = array<i32>} : memref<512xf32, #tpu.memory_space<vmem>>, vector<16xf32>,
      "tpu.region"() ({
        %run_scoped3A = tpu.sem_alloc : memref<!tpu.dma_semaphore, #tpu.memory_space<semaphore_mem>>
        %dma_start3A = arith.constant 0 : i32
        %dma_start3A_1349 = tpu.memref_slice %arg13[%add3A, %dma_start3A] : memref<8x512xf32, #tpu.memory_space<hbm>> -> memref<1x512xf32, #tpu.memory_space<hbm>>
        %dma_start3A_1350 = tpu.memref_squeeze %dma_start3A_1349 : memref<1x512xf32, #tpu.memory_space<hbm>> -> memref<512xf32, #tpu.memory_space<hbm>>
        %dma_start3A_1351 = arith.constant 0 : i32
        %dma_start3A_1352 = tpu.memref_slice %arg13[%add3A, %dma_start3A_1351] : memref<8x512xf32, #tpu.memory_space<hbm>> -> memref<1x512xf32, #tpu.memory_space<hbm>>
        %dma_start3A_1353 = tpu.memref_squeeze %dma_start3A_1352 : memref<1x512xf32, #tpu.memory_space<hbm>> -> memref<512xf32, #tpu.memory_space<hbm>>
        tpu.enqueue_dma source(%arg20 : memref<512xf32, #tpu.memory_space<vmem>>) target(%dma_start3A_1353 : memref<512xf32, #tpu.memory_space<hbm>>) target_semaphore(%run_scoped3A : memref<!tpu.dma_semaphore, #tpu.memory_space<semaphore_mem>>)
        %dma_wait3A = arith.constant 0 : i32
        %dma_wait3A_1354 = tpu.memref_slice %arg13[%add3A, %dma_wait3A] : memref<8x512xf32, #tpu.memory_space<hbm>> -> memref<1x512xf32, #tpu.memory_space<hbm>>
        %dma_wait3A_1355 = tpu.memref_squeeze %dma_wait3A_1354 : memref<1x512xf32, #tpu.memory_space<hbm>> -> memref<512xf32, #tpu.memory_space<hbm>>
        %dma_wait3A_1356 = arith.constant 0 : i32
        %dma_wait3A_1357 = tpu.memref_slice %arg13[%add3A, %dma_wait3A_1356] : memref<8x512xf32, #tpu.memory_space<hbm>> -> memref<1x512xf32, #tpu.memory_space<hbm>>
        %dma_wait3A_1358 = tpu.memref_squeeze %dma_wait3A_1357 : memref<1x512xf32, #tpu.memory_space<hbm>> -> memref<512xf32, #tpu.memory_space<hbm>>
        tpu.wait_dma2 semaphore(%run_scoped3A : memref<!tpu.dma_semaphore, #tpu.memory_space<semaphore_mem>>) src(%arg20 : memref<512xf32, #tpu.memory_space<vmem>>) dst(%dma_wait3A_1358 : memref<512xf32, #tpu.memory_space<hbm>>)
        tpu.yield
      }) : () -> ()
      "tpu.region"() ({
        %run_scoped3A = tpu.sem_alloc : memref<!tpu.dma_semaphore, #tpu.memory_space<semaphore_mem>>
        %dma_start3A = arith.constant 0 : i32
        %dma_start3A_1349 = tpu.memref_slice %arg8[%add3A, %dma_start3A] : memref<8x5120xf32, #tpu.memory_space<hbm>> -> memref<1x5120xf32, #tpu.memory_space<hbm>>
        %dma_start3A_1350 = tpu.memref_squeeze %dma_start3A_1349 : memref<1x5120xf32, #tpu.memory_space<hbm>> -> memref<5120xf32, #tpu.memory_space<hbm>>
        %dma_start3A_1351 = arith.constant 0 : i32
        %dma_start3A_1352 = tpu.memref_slice %arg8[%add3A, %dma_start3A_1351] : memref<8x5120xf32, #tpu.memory_space<hbm>> -> memref<1x5120xf32, #tpu.memory_space<hbm>>
        %dma_start3A_1353 = tpu.memref_squeeze %dma_start3A_1352 : memref<1x5120xf32, #tpu.memory_space<hbm>> -> memref<5120xf32, #tpu.memory_space<hbm>>
        tpu.enqueue_dma source(%dma_start3A_1353 : memref<5120xf32, #tpu.memory_space<hbm>>) target(%arg16 : memref<5120xf32, #tpu.memory_space<vmem>>) target_semaphore(%run_scoped3A : memref<!tpu.dma_semaphore, #tpu.memory_space<semaphore_mem>>)
        %dma_wait3A = arith.constant 0 : i32
        %dma_wait3A_1354 = tpu.memref_slice %arg8[%add3A, %dma_wait3A] : memref<8x5120xf32, #tpu.memory_space<hbm>> -> memref<1x5120xf32, #tpu.memory_space<hbm>>
        %dma_wait3A_1355 = tpu.memref_squeeze %dma_wait3A_1354 : memref<1x5120xf32, #tpu.memory_space<hbm>> -> memref<5120xf32, #tpu.memory_space<hbm>>
        %dma_wait3A_1356 = arith.constant 0 : i32
        %dma_wait3A_1357 = tpu.memref_slice %arg8[%add3A, %dma_wait3A_1356] : memref<8x5120xf32, #tpu.memory_space<hbm>> -> memref<1x5120xf32, #tpu.memory_space<hbm>>
        %dma_wait3A_1358 = tpu.memref_squeeze %dma_wait3A_1357 : memref<1x5120xf32, #tpu.memory_space<hbm>> -> memref<5120xf32, #tpu.memory_space<hbm>>
        tpu.wait_dma2 semaphore(%run_scoped3A : memref<!tpu.dma_semaphore, #tpu.memory_space<semaphore_mem>>) src(%dma_wait3A_1358 : memref<5120xf32, #tpu.memory_space<hbm>>) dst(%arg16 : memref<5120xf32, #tpu.memory_space<vmem>>)
        tpu.yield
      }) : () -> ()
      %get3A_1189 = arith.constant 0 : index
      %get3A_1190 = tpu.vector_load %arg19[%get3A_1189] {strides = array<i32>} : memref<512xi32, #tpu.memory_space<vmem>>, vector<16xi32>,
      %gather3A_1191 = tpu.vector_load_idx %arg16[%get3A_1190] : memref<5120xf32, #tpu.memory_space<vmem>>[vector<16xi32>], vector<16xf32>,
      %swap3A_1192 = arith.constant 0 : index
      %swap3A_1193 = tpu.vector_load %arg20[%swap3A_1192] {strides = array<i32>} : memref<512xf32, #tpu.memory_space<vmem>>, vector<16xf32>,
      tpu.vector_store %arg20[%swap3A_1192], %gather3A_1191 {strides = array<i32>} : memref<512xf32, #tpu.memory_space<vmem>>, vector<16xf32>,
      %get3A_1194 = arith.constant 16 : index
      %get3A_1195 = tpu.vector_load %arg19[%get3A_1194] {strides = array<i32>} : memref<512xi32, #tpu.memory_space<vmem>>, vector<16xi32>,
      %gather3A_1196 = tpu.vector_load_idx %arg16[%get3A_1195] : memref<5120xf32, #tpu.memory_space<vmem>>[vector<16xi32>], vector<16xf32>,
      %swap3A_1197 = arith.constant 16 : index
      %swap3A_1198 = tpu.vector_load %arg20[%swap3A_1197] {strides = array<i32>} : memref<512xf32, #tpu.memory_space<vmem>>, vector<16xf32>,
      tpu.vector_store %arg20[%swap3A_1197], %gather3A_1196 {strides = array<i32>} : memref<512xf32, #tpu.memory_space<vmem>>, vector<16xf32>,
      %get3A_1199 = arith.constant 32 : index
      %get3A_1200 = tpu.vector_load %arg19[%get3A_1199] {strides = array<i32>} : memref<512xi32, #tpu.memory_space<vmem>>, vector<16xi32>,
      %gather3A_1201 = tpu.vector_load_idx %arg16[%get3A_1200] : memref<5120xf32, #tpu.memory_space<vmem>>[vector<16xi32>], vector<16xf32>,
      %swap3A_1202 = arith.constant 32 : index
      %swap3A_1203 = tpu.vector_load %arg20[%swap3A_1202] {strides = array<i32>} : memref<512xf32, #tpu.memory_space<vmem>>, vector<16xf32>,
      tpu.vector_store %arg20[%swap3A_1202], %gather3A_1201 {strides = array<i32>} : memref<512xf32, #tpu.memory_space<vmem>>, vector<16xf32>,
      %get3A_1204 = arith.constant 48 : index
      %get3A_1205 = tpu.vector_load %arg19[%get3A_1204] {strides = array<i32>} : memref<512xi32, #tpu.memory_space<vmem>>, vector<16xi32>,
      %gather3A_1206 = tpu.vector_load_idx %arg16[%get3A_1205] : memref<5120xf32, #tpu.memory_space<vmem>>[vector<16xi32>], vector<16xf32>,
      %swap3A_1207 = arith.constant 48 : index
      %swap3A_1208 = tpu.vector_load %arg20[%swap3A_1207] {strides = array<i32>} : memref<512xf32, #tpu.memory_space<vmem>>, vector<16xf32>,
      tpu.vector_store %arg20[%swap3A_1207], %gather3A_1206 {strides = array<i32>} : memref<512xf32, #tpu.memory_space<vmem>>, vector<16xf32>,
      %get3A_1209 = arith.constant 64 : index
      %get3A_1210 = tpu.vector_load %arg19[%get3A_1209] {strides = array<i32>} : memref<512xi32, #tpu.memory_space<vmem>>, vector<16xi32>,
      %gather3A_1211 = tpu.vector_load_idx %arg16[%get3A_1210] : memref<5120xf32, #tpu.memory_space<vmem>>[vector<16xi32>], vector<16xf32>,
      %swap3A_1212 = arith.constant 64 : index
      %swap3A_1213 = tpu.vector_load %arg20[%swap3A_1212] {strides = array<i32>} : memref<512xf32, #tpu.memory_space<vmem>>, vector<16xf32>,
      tpu.vector_store %arg20[%swap3A_1212], %gather3A_1211 {strides = array<i32>} : memref<512xf32, #tpu.memory_space<vmem>>, vector<16xf32>,
      %get3A_1214 = arith.constant 80 : index
      %get3A_1215 = tpu.vector_load %arg19[%get3A_1214] {strides = array<i32>} : memref<512xi32, #tpu.memory_space<vmem>>, vector<16xi32>,
      %gather3A_1216 = tpu.vector_load_idx %arg16[%get3A_1215] : memref<5120xf32, #tpu.memory_space<vmem>>[vector<16xi32>], vector<16xf32>,
      %swap3A_1217 = arith.constant 80 : index
      %swap3A_1218 = tpu.vector_load %arg20[%swap3A_1217] {strides = array<i32>} : memref<512xf32, #tpu.memory_space<vmem>>, vector<16xf32>,
      tpu.vector_store %arg20[%swap3A_1217], %gather3A_1216 {strides = array<i32>} : memref<512xf32, #tpu.memory_space<vmem>>, vector<16xf32>,
      %get3A_1219 = arith.constant 96 : index
      %get3A_1220 = tpu.vector_load %arg19[%get3A_1219] {strides = array<i32>} : memref<512xi32, #tpu.memory_space<vmem>>, vector<16xi32>,
      %gather3A_1221 = tpu.vector_load_idx %arg16[%get3A_1220] : memref<5120xf32, #tpu.memory_space<vmem>>[vector<16xi32>], vector<16xf32>,
      %swap3A_1222 = arith.constant 96 : index
      %swap3A_1223 = tpu.vector_load %arg20[%swap3A_1222] {strides = array<i32>} : memref<512xf32, #tpu.memory_space<vmem>>, vector<16xf32>,
      tpu.vector_store %arg20[%swap3A_1222], %gather3A_1221 {strides = array<i32>} : memref<512xf32, #tpu.memory_space<vmem>>, vector<16xf32>,
      %get3A_1224 = arith.constant 112 : index
      %get3A_1225 = tpu.vector_load %arg19[%get3A_1224] {strides = array<i32>} : memref<512xi32, #tpu.memory_space<vmem>>, vector<16xi32>,
      %gather3A_1226 = tpu.vector_load_idx %arg16[%get3A_1225] : memref<5120xf32, #tpu.memory_space<vmem>>[vector<16xi32>], vector<16xf32>,
      %swap3A_1227 = arith.constant 112 : index
      %swap3A_1228 = tpu.vector_load %arg20[%swap3A_1227] {strides = array<i32>} : memref<512xf32, #tpu.memory_space<vmem>>, vector<16xf32>,
      tpu.vector_store %arg20[%swap3A_1227], %gather3A_1226 {strides = array<i32>} : memref<512xf32, #tpu.memory_space<vmem>>, vector<16xf32>,
      %get3A_1229 = arith.constant 128 : index
      %get3A_1230 = tpu.vector_load %arg19[%get3A_1229] {strides = array<i32>} : memref<512xi32, #tpu.memory_space<vmem>>, vector<16xi32>,
      %gather3A_1231 = tpu.vector_load_idx %arg16[%get3A_1230] : memref<5120xf32, #tpu.memory_space<vmem>>[vector<16xi32>], vector<16xf32>,
      %swap3A_1232 = arith.constant 128 : index
      %swap3A_1233 = tpu.vector_load %arg20[%swap3A_1232] {strides = array<i32>} : memref<512xf32, #tpu.memory_space<vmem>>, vector<16xf32>,
      tpu.vector_store %arg20[%swap3A_1232], %gather3A_1231 {strides = array<i32>} : memref<512xf32, #tpu.memory_space<vmem>>, vector<16xf32>,
      %get3A_1234 = arith.constant 144 : index
      %get3A_1235 = tpu.vector_load %arg19[%get3A_1234] {strides = array<i32>} : memref<512xi32, #tpu.memory_space<vmem>>, vector<16xi32>,
      %gather3A_1236 = tpu.vector_load_idx %arg16[%get3A_1235] : memref<5120xf32, #tpu.memory_space<vmem>>[vector<16xi32>], vector<16xf32>,
      %swap3A_1237 = arith.constant 144 : index
      %swap3A_1238 = tpu.vector_load %arg20[%swap3A_1237] {strides = array<i32>} : memref<512xf32, #tpu.memory_space<vmem>>, vector<16xf32>,
      tpu.vector_store %arg20[%swap3A_1237], %gather3A_1236 {strides = array<i32>} : memref<512xf32, #tpu.memory_space<vmem>>, vector<16xf32>,
      %get3A_1239 = arith.constant 160 : index
      %get3A_1240 = tpu.vector_load %arg19[%get3A_1239] {strides = array<i32>} : memref<512xi32, #tpu.memory_space<vmem>>, vector<16xi32>,
      %gather3A_1241 = tpu.vector_load_idx %arg16[%get3A_1240] : memref<5120xf32, #tpu.memory_space<vmem>>[vector<16xi32>], vector<16xf32>,
      %swap3A_1242 = arith.constant 160 : index
      %swap3A_1243 = tpu.vector_load %arg20[%swap3A_1242] {strides = array<i32>} : memref<512xf32, #tpu.memory_space<vmem>>, vector<16xf32>,
      tpu.vector_store %arg20[%swap3A_1242], %gather3A_1241 {strides = array<i32>} : memref<512xf32, #tpu.memory_space<vmem>>, vector<16xf32>,
      %get3A_1244 = arith.constant 176 : index
      %get3A_1245 = tpu.vector_load %arg19[%get3A_1244] {strides = array<i32>} : memref<512xi32, #tpu.memory_space<vmem>>, vector<16xi32>,
      %gather3A_1246 = tpu.vector_load_idx %arg16[%get3A_1245] : memref<5120xf32, #tpu.memory_space<vmem>>[vector<16xi32>], vector<16xf32>,
      %swap3A_1247 = arith.constant 176 : index
      %swap3A_1248 = tpu.vector_load %arg20[%swap3A_1247] {strides = array<i32>} : memref<512xf32, #tpu.memory_space<vmem>>, vector<16xf32>,
      tpu.vector_store %arg20[%swap3A_1247], %gather3A_1246 {strides = array<i32>} : memref<512xf32, #tpu.memory_space<vmem>>, vector<16xf32>,
      %get3A_1249 = arith.constant 192 : index
      %get3A_1250 = tpu.vector_load %arg19[%get3A_1249] {strides = array<i32>} : memref<512xi32, #tpu.memory_space<vmem>>, vector<16xi32>,
      %gather3A_1251 = tpu.vector_load_idx %arg16[%get3A_1250] : memref<5120xf32, #tpu.memory_space<vmem>>[vector<16xi32>], vector<16xf32>,
      %swap3A_1252 = arith.constant 192 : index
      %swap3A_1253 = tpu.vector_load %arg20[%swap3A_1252] {strides = array<i32>} : memref<512xf32, #tpu.memory_space<vmem>>, vector<16xf32>,
      tpu.vector_store %arg20[%swap3A_1252], %gather3A_1251 {strides = array<i32>} : memref<512xf32, #tpu.memory_space<vmem>>, vector<16xf32>,
      %get3A_1254 = arith.constant 208 : index
      %get3A_1255 = tpu.vector_load %arg19[%get3A_1254] {strides = array<i32>} : memref<512xi32, #tpu.memory_space<vmem>>, vector<16xi32>,
      %gather3A_1256 = tpu.vector_load_idx %arg16[%get3A_1255] : memref<5120xf32, #tpu.memory_space<vmem>>[vector<16xi32>], vector<16xf32>,
      %swap3A_1257 = arith.constant 208 : index
      %swap3A_1258 = tpu.vector_load %arg20[%swap3A_1257] {strides = array<i32>} : memref<512xf32, #tpu.memory_space<vmem>>, vector<16xf32>,
      tpu.vector_store %arg20[%swap3A_1257], %gather3A_1256 {strides = array<i32>} : memref<512xf32, #tpu.memory_space<vmem>>, vector<16xf32>,
      %get3A_1259 = arith.constant 224 : index
      %get3A_1260 = tpu.vector_load %arg19[%get3A_1259] {strides = array<i32>} : memref<512xi32, #tpu.memory_space<vmem>>, vector<16xi32>,
      %gather3A_1261 = tpu.vector_load_idx %arg16[%get3A_1260] : memref<5120xf32, #tpu.memory_space<vmem>>[vector<16xi32>], vector<16xf32>,
      %swap3A_1262 = arith.constant 224 : index
      %swap3A_1263 = tpu.vector_load %arg20[%swap3A_1262] {strides = array<i32>} : memref<512xf32, #tpu.memory_space<vmem>>, vector<16xf32>,
      tpu.vector_store %arg20[%swap3A_1262], %gather3A_1261 {strides = array<i32>} : memref<512xf32, #tpu.memory_space<vmem>>, vector<16xf32>,
      %get3A_1264 = arith.constant 240 : index
      %get3A_1265 = tpu.vector_load %arg19[%get3A_1264] {strides = array<i32>} : memref<512xi32, #tpu.memory_space<vmem>>, vector<16xi32>,
      %gather3A_1266 = tpu.vector_load_idx %arg16[%get3A_1265] : memref<5120xf32, #tpu.memory_space<vmem>>[vector<16xi32>], vector<16xf32>,
      %swap3A_1267 = arith.constant 240 : index
      %swap3A_1268 = tpu.vector_load %arg20[%swap3A_1267] {strides = array<i32>} : memref<512xf32, #tpu.memory_space<vmem>>, vector<16xf32>,
      tpu.vector_store %arg20[%swap3A_1267], %gather3A_1266 {strides = array<i32>} : memref<512xf32, #tpu.memory_space<vmem>>, vector<16xf32>,
      %get3A_1269 = arith.constant 256 : index
      %get3A_1270 = tpu.vector_load %arg19[%get3A_1269] {strides = array<i32>} : memref<512xi32, #tpu.memory_space<vmem>>, vector<16xi32>,
      %gather3A_1271 = tpu.vector_load_idx %arg16[%get3A_1270] : memref<5120xf32, #tpu.memory_space<vmem>>[vector<16xi32>], vector<16xf32>,
      %swap3A_1272 = arith.constant 256 : index
      %swap3A_1273 = tpu.vector_load %arg20[%swap3A_1272] {strides = array<i32>} : memref<512xf32, #tpu.memory_space<vmem>>, vector<16xf32>,
      tpu.vector_store %arg20[%swap3A_1272], %gather3A_1271 {strides = array<i32>} : memref<512xf32, #tpu.memory_space<vmem>>, vector<16xf32>,
      %get3A_1274 = arith.constant 272 : index
      %get3A_1275 = tpu.vector_load %arg19[%get3A_1274] {strides = array<i32>} : memref<512xi32, #tpu.memory_space<vmem>>, vector<16xi32>,
      %gather3A_1276 = tpu.vector_load_idx %arg16[%get3A_1275] : memref<5120xf32, #tpu.memory_space<vmem>>[vector<16xi32>], vector<16xf32>,
      %swap3A_1277 = arith.constant 272 : index
      %swap3A_1278 = tpu.vector_load %arg20[%swap3A_1277] {strides = array<i32>} : memref<512xf32, #tpu.memory_space<vmem>>, vector<16xf32>,
      tpu.vector_store %arg20[%swap3A_1277], %gather3A_1276 {strides = array<i32>} : memref<512xf32, #tpu.memory_space<vmem>>, vector<16xf32>,
      %get3A_1279 = arith.constant 288 : index
      %get3A_1280 = tpu.vector_load %arg19[%get3A_1279] {strides = array<i32>} : memref<512xi32, #tpu.memory_space<vmem>>, vector<16xi32>,
      %gather3A_1281 = tpu.vector_load_idx %arg16[%get3A_1280] : memref<5120xf32, #tpu.memory_space<vmem>>[vector<16xi32>], vector<16xf32>,
      %swap3A_1282 = arith.constant 288 : index
      %swap3A_1283 = tpu.vector_load %arg20[%swap3A_1282] {strides = array<i32>} : memref<512xf32, #tpu.memory_space<vmem>>, vector<16xf32>,
      tpu.vector_store %arg20[%swap3A_1282], %gather3A_1281 {strides = array<i32>} : memref<512xf32, #tpu.memory_space<vmem>>, vector<16xf32>,
      %get3A_1284 = arith.constant 304 : index
      %get3A_1285 = tpu.vector_load %arg19[%get3A_1284] {strides = array<i32>} : memref<512xi32, #tpu.memory_space<vmem>>, vector<16xi32>,
      %gather3A_1286 = tpu.vector_load_idx %arg16[%get3A_1285] : memref<5120xf32, #tpu.memory_space<vmem>>[vector<16xi32>], vector<16xf32>,
      %swap3A_1287 = arith.constant 304 : index
      %swap3A_1288 = tpu.vector_load %arg20[%swap3A_1287] {strides = array<i32>} : memref<512xf32, #tpu.memory_space<vmem>>, vector<16xf32>,
      tpu.vector_store %arg20[%swap3A_1287], %gather3A_1286 {strides = array<i32>} : memref<512xf32, #tpu.memory_space<vmem>>, vector<16xf32>,
      %get3A_1289 = arith.constant 320 : index
      %get3A_1290 = tpu.vector_load %arg19[%get3A_1289] {strides = array<i32>} : memref<512xi32, #tpu.memory_space<vmem>>, vector<16xi32>,
      %gather3A_1291 = tpu.vector_load_idx %arg16[%get3A_1290] : memref<5120xf32, #tpu.memory_space<vmem>>[vector<16xi32>], vector<16xf32>,
      %swap3A_1292 = arith.constant 320 : index
      %swap3A_1293 = tpu.vector_load %arg20[%swap3A_1292] {strides = array<i32>} : memref<512xf32, #tpu.memory_space<vmem>>, vector<16xf32>,
      tpu.vector_store %arg20[%swap3A_1292], %gather3A_1291 {strides = array<i32>} : memref<512xf32, #tpu.memory_space<vmem>>, vector<16xf32>,
      %get3A_1294 = arith.constant 336 : index
      %get3A_1295 = tpu.vector_load %arg19[%get3A_1294] {strides = array<i32>} : memref<512xi32, #tpu.memory_space<vmem>>, vector<16xi32>,
      %gather3A_1296 = tpu.vector_load_idx %arg16[%get3A_1295] : memref<5120xf32, #tpu.memory_space<vmem>>[vector<16xi32>], vector<16xf32>,
      %swap3A_1297 = arith.constant 336 : index
      %swap3A_1298 = tpu.vector_load %arg20[%swap3A_1297] {strides = array<i32>} : memref<512xf32, #tpu.memory_space<vmem>>, vector<16xf32>,
      tpu.vector_store %arg20[%swap3A_1297], %gather3A_1296 {strides = array<i32>} : memref<512xf32, #tpu.memory_space<vmem>>, vector<16xf32>,
      %get3A_1299 = arith.constant 352 : index
      %get3A_1300 = tpu.vector_load %arg19[%get3A_1299] {strides = array<i32>} : memref<512xi32, #tpu.memory_space<vmem>>, vector<16xi32>,
      %gather3A_1301 = tpu.vector_load_idx %arg16[%get3A_1300] : memref<5120xf32, #tpu.memory_space<vmem>>[vector<16xi32>], vector<16xf32>,
      %swap3A_1302 = arith.constant 352 : index
      %swap3A_1303 = tpu.vector_load %arg20[%swap3A_1302] {strides = array<i32>} : memref<512xf32, #tpu.memory_space<vmem>>, vector<16xf32>,
      tpu.vector_store %arg20[%swap3A_1302], %gather3A_1301 {strides = array<i32>} : memref<512xf32, #tpu.memory_space<vmem>>, vector<16xf32>,
      %get3A_1304 = arith.constant 368 : index
      %get3A_1305 = tpu.vector_load %arg19[%get3A_1304] {strides = array<i32>} : memref<512xi32, #tpu.memory_space<vmem>>, vector<16xi32>,
      %gather3A_1306 = tpu.vector_load_idx %arg16[%get3A_1305] : memref<5120xf32, #tpu.memory_space<vmem>>[vector<16xi32>], vector<16xf32>,
      %swap3A_1307 = arith.constant 368 : index
      %swap3A_1308 = tpu.vector_load %arg20[%swap3A_1307] {strides = array<i32>} : memref<512xf32, #tpu.memory_space<vmem>>, vector<16xf32>,
      tpu.vector_store %arg20[%swap3A_1307], %gather3A_1306 {strides = array<i32>} : memref<512xf32, #tpu.memory_space<vmem>>, vector<16xf32>,
      %get3A_1309 = arith.constant 384 : index
      %get3A_1310 = tpu.vector_load %arg19[%get3A_1309] {strides = array<i32>} : memref<512xi32, #tpu.memory_space<vmem>>, vector<16xi32>,
      %gather3A_1311 = tpu.vector_load_idx %arg16[%get3A_1310] : memref<5120xf32, #tpu.memory_space<vmem>>[vector<16xi32>], vector<16xf32>,
      %swap3A_1312 = arith.constant 384 : index
      %swap3A_1313 = tpu.vector_load %arg20[%swap3A_1312] {strides = array<i32>} : memref<512xf32, #tpu.memory_space<vmem>>, vector<16xf32>,
      tpu.vector_store %arg20[%swap3A_1312], %gather3A_1311 {strides = array<i32>} : memref<512xf32, #tpu.memory_space<vmem>>, vector<16xf32>,
      %get3A_1314 = arith.constant 400 : index
      %get3A_1315 = tpu.vector_load %arg19[%get3A_1314] {strides = array<i32>} : memref<512xi32, #tpu.memory_space<vmem>>, vector<16xi32>,
      %gather3A_1316 = tpu.vector_load_idx %arg16[%get3A_1315] : memref<5120xf32, #tpu.memory_space<vmem>>[vector<16xi32>], vector<16xf32>,
      %swap3A_1317 = arith.constant 400 : index
      %swap3A_1318 = tpu.vector_load %arg20[%swap3A_1317] {strides = array<i32>} : memref<512xf32, #tpu.memory_space<vmem>>, vector<16xf32>,
      tpu.vector_store %arg20[%swap3A_1317], %gather3A_1316 {strides = array<i32>} : memref<512xf32, #tpu.memory_space<vmem>>, vector<16xf32>,
      %get3A_1319 = arith.constant 416 : index
      %get3A_1320 = tpu.vector_load %arg19[%get3A_1319] {strides = array<i32>} : memref<512xi32, #tpu.memory_space<vmem>>, vector<16xi32>,
      %gather3A_1321 = tpu.vector_load_idx %arg16[%get3A_1320] : memref<5120xf32, #tpu.memory_space<vmem>>[vector<16xi32>], vector<16xf32>,
      %swap3A_1322 = arith.constant 416 : index
      %swap3A_1323 = tpu.vector_load %arg20[%swap3A_1322] {strides = array<i32>} : memref<512xf32, #tpu.memory_space<vmem>>, vector<16xf32>,
      tpu.vector_store %arg20[%swap3A_1322], %gather3A_1321 {strides = array<i32>} : memref<512xf32, #tpu.memory_space<vmem>>, vector<16xf32>,
      %get3A_1324 = arith.constant 432 : index
      %get3A_1325 = tpu.vector_load %arg19[%get3A_1324] {strides = array<i32>} : memref<512xi32, #tpu.memory_space<vmem>>, vector<16xi32>,
      %gather3A_1326 = tpu.vector_load_idx %arg16[%get3A_1325] : memref<5120xf32, #tpu.memory_space<vmem>>[vector<16xi32>], vector<16xf32>,
      %swap3A_1327 = arith.constant 432 : index
      %swap3A_1328 = tpu.vector_load %arg20[%swap3A_1327] {strides = array<i32>} : memref<512xf32, #tpu.memory_space<vmem>>, vector<16xf32>,
      tpu.vector_store %arg20[%swap3A_1327], %gather3A_1326 {strides = array<i32>} : memref<512xf32, #tpu.memory_space<vmem>>, vector<16xf32>,
      %get3A_1329 = arith.constant 448 : index
      %get3A_1330 = tpu.vector_load %arg19[%get3A_1329] {strides = array<i32>} : memref<512xi32, #tpu.memory_space<vmem>>, vector<16xi32>,
      %gather3A_1331 = tpu.vector_load_idx %arg16[%get3A_1330] : memref<5120xf32, #tpu.memory_space<vmem>>[vector<16xi32>], vector<16xf32>,
      %swap3A_1332 = arith.constant 448 : index
      %swap3A_1333 = tpu.vector_load %arg20[%swap3A_1332] {strides = array<i32>} : memref<512xf32, #tpu.memory_space<vmem>>, vector<16xf32>,
      tpu.vector_store %arg20[%swap3A_1332], %gather3A_1331 {strides = array<i32>} : memref<512xf32, #tpu.memory_space<vmem>>, vector<16xf32>,
      %get3A_1334 = arith.constant 464 : index
      %get3A_1335 = tpu.vector_load %arg19[%get3A_1334] {strides = array<i32>} : memref<512xi32, #tpu.memory_space<vmem>>, vector<16xi32>,
      %gather3A_1336 = tpu.vector_load_idx %arg16[%get3A_1335] : memref<5120xf32, #tpu.memory_space<vmem>>[vector<16xi32>], vector<16xf32>,
      %swap3A_1337 = arith.constant 464 : index
      %swap3A_1338 = tpu.vector_load %arg20[%swap3A_1337] {strides = array<i32>} : memref<512xf32, #tpu.memory_space<vmem>>, vector<16xf32>,
      tpu.vector_store %arg20[%swap3A_1337], %gather3A_1336 {strides = array<i32>} : memref<512xf32, #tpu.memory_space<vmem>>, vector<16xf32>,
      %get3A_1339 = arith.constant 480 : index
      %get3A_1340 = tpu.vector_load %arg19[%get3A_1339] {strides = array<i32>} : memref<512xi32, #tpu.memory_space<vmem>>, vector<16xi32>,
      %gather3A_1341 = tpu.vector_load_idx %arg16[%get3A_1340] : memref<5120xf32, #tpu.memory_space<vmem>>[vector<16xi32>], vector<16xf32>,
      %swap3A_1342 = arith.constant 480 : index
      %swap3A_1343 = tpu.vector_load %arg20[%swap3A_1342] {strides = array<i32>} : memref<512xf32, #tpu.memory_space<vmem>>, vector<16xf32>,
      tpu.vector_store %arg20[%swap3A_1342], %gather3A_1341 {strides = array<i32>} : memref<512xf32, #tpu.memory_space<vmem>>, vector<16xf32>,
      %get3A_1344 = arith.constant 496 : index
      %get3A_1345 = tpu.vector_load %arg19[%get3A_1344] {strides = array<i32>} : memref<512xi32, #tpu.memory_space<vmem>>, vector<16xi32>,
      %gather3A_1346 = tpu.vector_load_idx %arg16[%get3A_1345] : memref<5120xf32, #tpu.memory_space<vmem>>[vector<16xi32>], vector<16xf32>,
      %swap3A_1347 = arith.constant 496 : index
      %swap3A_1348 = tpu.vector_load %arg20[%swap3A_1347] {strides = array<i32>} : memref<512xf32, #tpu.memory_space<vmem>>, vector<16xf32>,
      tpu.vector_store %arg20[%swap3A_1347], %gather3A_1346 {strides = array<i32>} : memref<512xf32, #tpu.memory_space<vmem>>, vector<16xf32>,
      "tpu.region"() ({
        %run_scoped3A = tpu.sem_alloc : memref<!tpu.dma_semaphore, #tpu.memory_space<semaphore_mem>>
        %dma_start3A = arith.constant 0 : i32
        %dma_start3A_1349 = tpu.memref_slice %arg14[%add3A, %dma_start3A] : memref<8x512xf32, #tpu.memory_space<hbm>> -> memref<1x512xf32, #tpu.memory_space<hbm>>
        %dma_start3A_1350 = tpu.memref_squeeze %dma_start3A_1349 : memref<1x512xf32, #tpu.memory_space<hbm>> -> memref<512xf32, #tpu.memory_space<hbm>>
        %dma_start3A_1351 = arith.constant 0 : i32
        %dma_start3A_1352 = tpu.memref_slice %arg14[%add3A, %dma_start3A_1351] : memref<8x512xf32, #tpu.memory_space<hbm>> -> memref<1x512xf32, #tpu.memory_space<hbm>>
        %dma_start3A_1353 = tpu.memref_squeeze %dma_start3A_1352 : memref<1x512xf32, #tpu.memory_space<hbm>> -> memref<512xf32, #tpu.memory_space<hbm>>
        tpu.enqueue_dma source(%arg20 : memref<512xf32, #tpu.memory_space<vmem>>) target(%dma_start3A_1353 : memref<512xf32, #tpu.memory_space<hbm>>) target_semaphore(%run_scoped3A : memref<!tpu.dma_semaphore, #tpu.memory_space<semaphore_mem>>)
        %dma_wait3A = arith.constant 0 : i32
        %dma_wait3A_1354 = tpu.memref_slice %arg14[%add3A, %dma_wait3A] : memref<8x512xf32, #tpu.memory_space<hbm>> -> memref<1x512xf32, #tpu.memory_space<hbm>>
        %dma_wait3A_1355 = tpu.memref_squeeze %dma_wait3A_1354 : memref<1x512xf32, #tpu.memory_space<hbm>> -> memref<512xf32, #tpu.memory_space<hbm>>
        %dma_wait3A_1356 = arith.constant 0 : i32
        %dma_wait3A_1357 = tpu.memref_slice %arg14[%add3A, %dma_wait3A_1356] : memref<8x512xf32, #tpu.memory_space<hbm>> -> memref<1x512xf32, #tpu.memory_space<hbm>>
        %dma_wait3A_1358 = tpu.memref_squeeze %dma_wait3A_1357 : memref<1x512xf32, #tpu.memory_space<hbm>> -> memref<512xf32, #tpu.memory_space<hbm>>
        tpu.wait_dma2 semaphore(%run_scoped3A : memref<!tpu.dma_semaphore, #tpu.memory_space<semaphore_mem>>) src(%arg20 : memref<512xf32, #tpu.memory_space<vmem>>) dst(%dma_wait3A_1358 : memref<512xf32, #tpu.memory_space<hbm>>)
        tpu.yield
      }) : () -> ()
    } else {
    }
    return
  }
}

module attributes {stable_mosaic.version = 14 : i64} {
  func.func @_nms_body(%arg0: memref<8x512xf32, #tpu.memory_space<vmem>>, %arg1: memref<8x512xi32, #tpu.memory_space<vmem>>, %arg2: memref<8x512xf32, #tpu.memory_space<vmem>>, %arg3: memref<8x512xf32, #tpu.memory_space<vmem>>, %arg4: memref<8x512xf32, #tpu.memory_space<vmem>>, %arg5: memref<8x512xf32, #tpu.memory_space<vmem>>, %arg6: memref<8x128xi32, #tpu.memory_space<vmem>>, %arg7: memref<8x5120xf32, #tpu.memory_space<vmem>>, %arg8: memref<8x5120xi32, #tpu.memory_space<vmem>>, %arg9: memref<8x5120xf32, #tpu.memory_space<vmem>>, %arg10: memref<8x5120xf32, #tpu.memory_space<vmem>>, %arg11: memref<8x5120xf32, #tpu.memory_space<vmem>>, %arg12: memref<8x5120xf32, #tpu.memory_space<vmem>>, %arg13: memref<300x8x8xf32, #tpu.memory_space<vmem>>, %arg14: memref<8x5120xf32, #tpu.memory_space<vmem>>, %arg15: memref<8x5120xf32, #tpu.memory_space<vmem>>) attributes {dimension_semantics = [], scalar_prefetch = 0 : i64, scratch_operands = 2 : i64, tpu.core_type = #tpu.core_type<tc>} {
    %iota3A = tpu.iota {dimensions = array<i32: 1>} : vector<8x8xi32>
    %eq3A = arith.constant 0 : i32
    %eq3A_0 = vector.broadcast %eq3A : i32 to vector<8x8xi32>
    %eq3A_1 = arith.cmpi eq, %iota3A, %eq3A_0 : vector<8x8xi32>
    %jit3A = arith.constant -1.000000e+00 : f32
    %jit3A_2 = arith.constant 0.000000e+00 : f32
    %broadcast_in_dim3A = vector.broadcast %jit3A : f32 to vector<8x8xf32>
    %broadcast_in_dim3A_3 = vector.broadcast %jit3A_2 : f32 to vector<8x8xf32>
    %select_n3A = arith.select %eq3A_1, %broadcast_in_dim3A, %broadcast_in_dim3A_3 : vector<8x8xi1>, vector<8x8xf32>
    %broadcast_in_dim3A_4 = vector.shape_cast %select_n3A : vector<8x8xf32> to vector<1x8x8xf32>
    %broadcast_in_dim3A_5 = vector.shape_cast %broadcast_in_dim3A_4 : vector<1x8x8xf32> to vector<1x8x8xf32>
    %broadcast_in_dim3A_6 = vector.broadcast %broadcast_in_dim3A_5 : vector<1x8x8xf32> to vector<300x8x8xf32>
    %swap3A = arith.constant 0 : index
    %swap3A_7 = arith.constant 0 : index
    %swap3A_8 = arith.constant 0 : index
    %swap3A_9 = vector.load %arg13[%swap3A, %swap3A_7, %swap3A_8] : memref<300x8x8xf32, #tpu.memory_space<vmem>>, vector<300x8x8xf32>
    tpu.vector_store %arg13[%swap3A, %swap3A_7, %swap3A_8], %broadcast_in_dim3A_6 {strides = array<i32>} : memref<300x8x8xf32, #tpu.memory_space<vmem>>, vector<300x8x8xf32>,
    %get3A = arith.constant 0 : index
    %get3A_10 = arith.constant 0 : index
    %get3A_11 = vector.load %arg2[%get3A, %get3A_10] : memref<8x512xf32, #tpu.memory_space<vmem>>, vector<8x512xf32>
    %get3A_12 = arith.constant 0 : index
    %get3A_13 = arith.constant 0 : index
    %get3A_14 = vector.load %arg3[%get3A_12, %get3A_13] : memref<8x512xf32, #tpu.memory_space<vmem>>, vector<8x512xf32>
    %get3A_15 = arith.constant 0 : index
    %get3A_16 = arith.constant 0 : index
    %get3A_17 = vector.load %arg4[%get3A_15, %get3A_16] : memref<8x512xf32, #tpu.memory_space<vmem>>, vector<8x512xf32>
    %get3A_18 = arith.constant 0 : index
    %get3A_19 = arith.constant 0 : index
    %get3A_20 = vector.load %arg5[%get3A_18, %get3A_19] : memref<8x512xf32, #tpu.memory_space<vmem>>, vector<8x512xf32>
    %get3A_21 = arith.constant 0 : index
    %get3A_22 = arith.constant 0 : index
    %get3A_23 = vector.load %arg1[%get3A_21, %get3A_22] : memref<8x512xi32, #tpu.memory_space<vmem>>, vector<8x512xi32>
    %convert_element_type3A = arith.sitofp %get3A_23 : vector<8x512xi32> to vector<8x512xf32>
    %sub3A = arith.subf %get3A_17, %get3A_11 : vector<8x512xf32>
    %sub3A_24 = arith.subf %get3A_20, %get3A_14 : vector<8x512xf32>
    %mul3A = arith.mulf %sub3A, %sub3A_24 : vector<8x512xf32>
    %concatenate3A = tpu.concatenate %convert_element_type3A, %get3A_11, %get3A_14, %get3A_17, %get3A_20, %mul3A in 0 : vector<8x512xf32>, vector<8x512xf32>, vector<8x512xf32>, vector<8x512xf32>, vector<8x512xf32>, vector<8x512xf32> -> vector<48x512xf32>
    %iota3A_25 = tpu.iota {dimensions = array<i32: 1>} : vector<8x512xi32>
    %broadcast_in_dim3A_26 = arith.constant 0 : i32
    %broadcast_in_dim3A_27 = vector.broadcast %broadcast_in_dim3A_26 : i32 to vector<8x1xi32>
    %get3A_28 = arith.constant 0 : index
    %get3A_29 = arith.constant 0 : index
    %get3A_30 = vector.load %arg0[%get3A_28, %get3A_29] : memref<8x512xf32, #tpu.memory_space<vmem>>, vector<8x512xf32>
    %while3A = arith.constant 0 : i32
    %while3A_31 = arith.constant false
    %while3A_32:4 = scf.while (%while3A_81 = %while3A, %while3A_82 = %while3A_31, %while3A_83 = %broadcast_in_dim3A_27, %while3A_84 = %get3A_30) : (i32, i1, vector<8x1xi32>, vector<8x512xf32>) -> (i32, i1, vector<8x1xi32>, vector<8x512xf32>) {
      %lt3A_85 = arith.constant 300 : i32
      %lt3A_86 = arith.cmpi slt, %while3A_81, %lt3A_85 : i32
      %not3A_87 = arith.constant true
      %not3A_88 = arith.xori %while3A_82, %not3A_87 : i1
      %and3A_89 = arith.andi %lt3A_86, %not3A_88 : i1
      scf.condition(%and3A_89) %while3A_81, %while3A_82, %while3A_83, %while3A_84 : i32, i1, vector<8x1xi32>, vector<8x512xf32>
    } do {
    ^bb0(%while3A_81: i32, %while3A_82: i1, %while3A_83: vector<8x1xi32>, %while3A_84: vector<8x512xf32>):
      %reduce_max3A = arith.constant dense<0xFF800000> : vector<8xf32>
      %reduce_max3A_85 = vector.multi_reduction <maximumf>, %while3A_84, %reduce_max3A [1] : vector<8x512xf32> to vector<8xf32>
      %broadcast_in_dim3A_86 = vector.shape_cast %reduce_max3A_85 : vector<8xf32> to vector<8x1xf32>
      %gt3A_87 = arith.constant 0.00999999977 : f32
      %gt3A_88 = vector.broadcast %gt3A_87 : f32 to vector<8x1xf32>
      %gt3A_89 = arith.cmpf ogt, %broadcast_in_dim3A_86, %gt3A_88 : vector<8x1xf32>
      %eq3A_90 = vector.broadcast %broadcast_in_dim3A_86 : vector<8x1xf32> to vector<8x512xf32>
      %eq3A_91 = arith.cmpf oeq, %while3A_84, %eq3A_90 : vector<8x512xf32>
      %jit3A_92 = arith.constant 512 : i32
      %broadcast_in_dim3A_93 = vector.broadcast %jit3A_92 : i32 to vector<8x512xi32>
      %select_n3A_94 = arith.select %eq3A_91, %iota3A_25, %broadcast_in_dim3A_93 : vector<8x512xi1>, vector<8x512xi32>
      %reduce_min3A = arith.constant dense<2147483647> : vector<8xi32>
      %reduce_min3A_95 = vector.multi_reduction <minsi>, %select_n3A_94, %reduce_min3A [1] : vector<8x512xi32> to vector<8xi32>
      %broadcast_in_dim3A_96 = vector.shape_cast %reduce_min3A_95 : vector<8xi32> to vector<8x1xi32>
      %eq3A_97 = vector.broadcast %broadcast_in_dim3A_96 : vector<8x1xi32> to vector<8x512xi32>
      %eq3A_98 = arith.cmpi eq, %iota3A_25, %eq3A_97 : vector<8x512xi32>
      %and3A_99 = arith.andi %eq3A_91, %eq3A_98 : vector<8x512xi1>
      %concatenate3A_100 = tpu.concatenate %and3A_99, %and3A_99, %and3A_99, %and3A_99, %and3A_99, %and3A_99 in 0 : vector<8x512xi1>, vector<8x512xi1>, vector<8x512xi1>, vector<8x512xi1>, vector<8x512xi1>, vector<8x512xi1> -> vector<48x512xi1>
      %jit3A_101 = arith.constant -3.000000e+38 : f32
      %broadcast_in_dim3A_102 = vector.broadcast %jit3A_101 : f32 to vector<48x512xf32>
      %select_n3A_103 = arith.select %concatenate3A_100, %concatenate3A, %broadcast_in_dim3A_102 : vector<48x512xi1>, vector<48x512xf32>
      %reduce_max3A_104 = arith.constant dense<0xFF800000> : vector<48xf32>
      %reduce_max3A_105 = vector.multi_reduction <maximumf>, %select_n3A_103, %reduce_max3A_104 [1] : vector<48x512xf32> to vector<48xf32>
      %broadcast_in_dim3A_106 = vector.shape_cast %reduce_max3A_105 : vector<48xf32> to vector<48x1xf32>
      %slice3A = vector.extract_strided_slice %broadcast_in_dim3A_106 {offsets = [0, 0], sizes = [8, 1], strides = [1, 1]} : vector<48x1xf32> to vector<8x1xf32>
      %slice3A_107 = vector.extract_strided_slice %broadcast_in_dim3A_106 {offsets = [8, 0], sizes = [8, 1], strides = [1, 1]} : vector<48x1xf32> to vector<8x1xf32>
      %slice3A_108 = vector.extract_strided_slice %broadcast_in_dim3A_106 {offsets = [16, 0], sizes = [8, 1], strides = [1, 1]} : vector<48x1xf32> to vector<8x1xf32>
      %slice3A_109 = vector.extract_strided_slice %broadcast_in_dim3A_106 {offsets = [24, 0], sizes = [8, 1], strides = [1, 1]} : vector<48x1xf32> to vector<8x1xf32>
      %slice3A_110 = vector.extract_strided_slice %broadcast_in_dim3A_106 {offsets = [32, 0], sizes = [8, 1], strides = [1, 1]} : vector<48x1xf32> to vector<8x1xf32>
      %slice3A_111 = vector.extract_strided_slice %broadcast_in_dim3A_106 {offsets = [40, 0], sizes = [8, 1], strides = [1, 1]} : vector<48x1xf32> to vector<8x1xf32>
      %max3A = vector.broadcast %slice3A_107 : vector<8x1xf32> to vector<8x512xf32>
      %max3A_112 = arith.maximumf %max3A, %get3A_11 : vector<8x512xf32>
      %max3A_113 = vector.broadcast %slice3A_108 : vector<8x1xf32> to vector<8x512xf32>
      %max3A_114 = arith.maximumf %max3A_113, %get3A_14 : vector<8x512xf32>
      %min3A = vector.broadcast %slice3A_109 : vector<8x1xf32> to vector<8x512xf32>
      %min3A_115 = arith.minimumf %min3A, %get3A_17 : vector<8x512xf32>
      %min3A_116 = vector.broadcast %slice3A_110 : vector<8x1xf32> to vector<8x512xf32>
      %min3A_117 = arith.minimumf %min3A_116, %get3A_20 : vector<8x512xf32>
      %sub3A_118 = arith.subf %min3A_115, %max3A_112 : vector<8x512xf32>
      %max3A_119 = arith.constant 0.000000e+00 : f32
      %max3A_120 = vector.broadcast %max3A_119 : f32 to vector<8x512xf32>
      %max3A_121 = arith.maximumf %sub3A_118, %max3A_120 : vector<8x512xf32>
      %sub3A_122 = arith.subf %min3A_117, %max3A_114 : vector<8x512xf32>
      %max3A_123 = arith.constant 0.000000e+00 : f32
      %max3A_124 = vector.broadcast %max3A_123 : f32 to vector<8x512xf32>
      %max3A_125 = arith.maximumf %sub3A_122, %max3A_124 : vector<8x512xf32>
      %mul3A_126 = arith.mulf %max3A_121, %max3A_125 : vector<8x512xf32>
      %add3A = vector.broadcast %slice3A_111 : vector<8x1xf32> to vector<8x512xf32>
      %add3A_127 = arith.addf %add3A, %mul3A : vector<8x512xf32>
      %sub3A_128 = arith.subf %add3A_127, %mul3A_126 : vector<8x512xf32>
      %add3A_129 = arith.constant 9.99999996E-13 : f32
      %add3A_130 = vector.broadcast %add3A_129 : f32 to vector<8x512xf32>
      %add3A_131 = arith.addf %sub3A_128, %add3A_130 : vector<8x512xf32>
      %div3A = arith.divf %mul3A_126, %add3A_131 : vector<8x512xf32>
      %eq3A_132 = vector.broadcast %slice3A : vector<8x1xf32> to vector<8x512xf32>
      %eq3A_133 = arith.cmpf oeq, %convert_element_type3A, %eq3A_132 : vector<8x512xf32>
      %and3A_134 = vector.broadcast %gt3A_89 : vector<8x1xi1> to vector<8x512xi1>
      %and3A_135 = arith.andi %and3A_134, %eq3A_133 : vector<8x512xi1>
      %gt3A_136 = arith.constant 0.699999988 : f32
      %gt3A_137 = vector.broadcast %gt3A_136 : f32 to vector<8x512xf32>
      %gt3A_138 = arith.cmpf ogt, %div3A, %gt3A_137 : vector<8x512xf32>
      %and3A_139 = arith.andi %and3A_135, %gt3A_138 : vector<8x512xi1>
      %or3A = arith.ori %and3A_99, %and3A_139 : vector<8x512xi1>
      %jit3A_140 = arith.constant -1.000000e+00 : f32
      %broadcast_in_dim3A_141 = vector.broadcast %jit3A_140 : f32 to vector<8x512xf32>
      %select_n3A_142 = arith.select %or3A, %broadcast_in_dim3A_141, %while3A_84 : vector<8x512xi1>, vector<8x512xf32>
      %concatenate3A_143 = tpu.concatenate %slice3A, %broadcast_in_dim3A_86, %slice3A_107, %slice3A_108, %slice3A_109, %slice3A_110, %slice3A, %slice3A in 1 : vector<8x1xf32>, vector<8x1xf32>, vector<8x1xf32>, vector<8x1xf32>, vector<8x1xf32>, vector<8x1xf32>, vector<8x1xf32>, vector<8x1xf32> -> vector<8x8xf32>
      %broadcast_in_dim3A_144 = vector.shape_cast %gt3A_89 : vector<8x1xi1> to vector<8x1xi1>
      %broadcast_in_dim3A_145 = vector.broadcast %broadcast_in_dim3A_144 : vector<8x1xi1> to vector<8x8xi1>
      %select_n3A_146 = arith.select %broadcast_in_dim3A_145, %concatenate3A_143, %select_n3A : vector<8x8xi1>, vector<8x8xf32>
      %broadcast_in_dim3A_147 = vector.shape_cast %select_n3A_146 : vector<8x8xf32> to vector<1x8x8xf32>
      %swap3A_148 = arith.index_cast %while3A_81 : i32 to index
      %swap3A_149 = arith.constant 0 : index
      %swap3A_150 = arith.constant 0 : index
      %swap3A_151 = vector.load %arg13[%swap3A_148, %swap3A_149, %swap3A_150] : memref<300x8x8xf32, #tpu.memory_space<vmem>>, vector<1x8x8xf32>
      tpu.vector_store %arg13[%swap3A_148, %swap3A_149, %swap3A_150], %broadcast_in_dim3A_147 {strides = array<i32>} : memref<300x8x8xf32, #tpu.memory_space<vmem>>, vector<1x8x8xf32>,
      %reduce_or3A_152 = arith.constant 1.000000e+00 : f32
      %reduce_or3A_153 = arith.constant 0.000000e+00 : f32
      %reduce_or3A_154 = vector.broadcast %reduce_or3A_152 : f32 to vector<8x1xf32>
      %reduce_or3A_155 = vector.broadcast %reduce_or3A_153 : f32 to vector<8x1xf32>
      %reduce_or3A_156 = arith.select %gt3A_89, %reduce_or3A_154, %reduce_or3A_155 : vector<8x1xi1>, vector<8x1xf32>
      %reduce_or3A_157 = vector.shape_cast %reduce_or3A_156 : vector<8x1xf32> to vector<1x8x1xf32>
      %reduce_or3A_158 = arith.constant dense<0xFF800000> : vector<1xf32>
      %reduce_or3A_159 = vector.multi_reduction <maximumf>, %reduce_or3A_157, %reduce_or3A_158 [1, 2] : vector<1x8x1xf32> to vector<1xf32>
      %reduce_or3A_160 = vector.shape_cast %reduce_or3A_159 : vector<1xf32> to vector<1x1x1xf32>
      %reduce_or3A_161 = vector.extract %reduce_or3A_160[0, 0, 0] : f32 from vector<1x1x1xf32>
      %reduce_or3A_162 = arith.constant 0.000000e+00 : f32
      %reduce_or3A_163 = arith.cmpf ogt, %reduce_or3A_161, %reduce_or3A_162 : f32
      %not3A_164 = arith.constant true
      %not3A_165 = arith.xori %reduce_or3A_163, %not3A_164 : i1
      %add3A_166 = arith.constant 1 : i32
      %add3A_167 = arith.addi %while3A_81, %add3A_166 : i32
      %convert_element_type3A_168 = arith.extui %gt3A_89 : vector<8x1xi1> to vector<8x1xi32>
      %add3A_169 = arith.addi %while3A_83, %convert_element_type3A_168 : vector<8x1xi32>
      scf.yield %add3A_167, %not3A_165, %add3A_169, %select_n3A_142 : i32, i1, vector<8x1xi32>, vector<8x512xf32>
    }
    %get3A_33 = arith.constant 0 : index
    %get3A_34 = arith.constant 0 : index
    %get3A_35 = vector.load %arg6[%get3A_33, %get3A_34] : memref<8x128xi32, #tpu.memory_space<vmem>>, vector<8x1xi32>
    %gt3A = arith.constant 0 : i32
    %gt3A_36 = vector.broadcast %gt3A : i32 to vector<8x1xi32>
    %gt3A_37 = arith.cmpi sgt, %get3A_35, %gt3A_36 : vector<8x1xi32>
    %lt3A = arith.constant 300 : i32
    %lt3A_38 = vector.broadcast %lt3A : i32 to vector<8x1xi32>
    %lt3A_39 = arith.cmpi slt, %while3A_32#2, %lt3A_38 : vector<8x1xi32>
    %not3A = arith.constant dense<true> : vector<8x1xi1>
    %not3A_40 = arith.xori %gt3A_37, %not3A : vector<8x1xi1>
    %and3A = arith.andi %lt3A_39, %not3A_40 : vector<8x1xi1>
    %get3A_41 = arith.constant 0 : index
    %get3A_42 = arith.constant 0 : index
    %get3A_43 = vector.load %arg7[%get3A_41, %get3A_42] : memref<8x5120xf32, #tpu.memory_space<vmem>>, vector<8x5120xf32>
    %swap3A_44 = arith.constant 0 : index
    %swap3A_45 = arith.constant 0 : index
    %swap3A_46 = vector.load %arg14[%swap3A_44, %swap3A_45] : memref<8x5120xf32, #tpu.memory_space<vmem>>, vector<8x5120xf32>
    tpu.vector_store %arg14[%swap3A_44, %swap3A_45], %get3A_43 {strides = array<i32>} : memref<8x5120xf32, #tpu.memory_space<vmem>>, vector<8x5120xf32>,
    %get3A_47 = arith.constant 0 : index
    %get3A_48 = arith.constant 0 : index
    %get3A_49 = vector.load %arg11[%get3A_47, %get3A_48] : memref<8x5120xf32, #tpu.memory_space<vmem>>, vector<8x5120xf32>
    %get3A_50 = arith.constant 0 : index
    %get3A_51 = arith.constant 0 : index
    %get3A_52 = vector.load %arg9[%get3A_50, %get3A_51] : memref<8x5120xf32, #tpu.memory_space<vmem>>, vector<8x5120xf32>
    %sub3A_53 = arith.subf %get3A_49, %get3A_52 : vector<8x5120xf32>
    %get3A_54 = arith.constant 0 : index
    %get3A_55 = arith.constant 0 : index
    %get3A_56 = vector.load %arg12[%get3A_54, %get3A_55] : memref<8x5120xf32, #tpu.memory_space<vmem>>, vector<8x5120xf32>
    %get3A_57 = arith.constant 0 : index
    %get3A_58 = arith.constant 0 : index
    %get3A_59 = vector.load %arg10[%get3A_57, %get3A_58] : memref<8x5120xf32, #tpu.memory_space<vmem>>, vector<8x5120xf32>
    %sub3A_60 = arith.subf %get3A_56, %get3A_59 : vector<8x5120xf32>
    %mul3A_61 = arith.mulf %sub3A_53, %sub3A_60 : vector<8x5120xf32>
    %swap3A_62 = arith.constant 0 : index
    %swap3A_63 = arith.constant 0 : index
    %swap3A_64 = vector.load %arg15[%swap3A_62, %swap3A_63] : memref<8x5120xf32, #tpu.memory_space<vmem>>, vector<8x5120xf32>
    tpu.vector_store %arg15[%swap3A_62, %swap3A_63], %mul3A_61 {strides = array<i32>} : memref<8x5120xf32, #tpu.memory_space<vmem>>, vector<8x5120xf32>,
    %iota3A_65 = tpu.iota {dimensions = array<i32: 1>} : vector<8x5120xi32>
    %reduce_or3A = arith.constant 1.000000e+00 : f32
    %reduce_or3A_66 = arith.constant 0.000000e+00 : f32
    %reduce_or3A_67 = vector.broadcast %reduce_or3A : f32 to vector<8x1xf32>
    %reduce_or3A_68 = vector.broadcast %reduce_or3A_66 : f32 to vector<8x1xf32>
    %reduce_or3A_69 = arith.select %and3A, %reduce_or3A_67, %reduce_or3A_68 : vector<8x1xi1>, vector<8x1xf32>
    %reduce_or3A_70 = vector.shape_cast %reduce_or3A_69 : vector<8x1xf32> to vector<1x8x1xf32>
    %reduce_or3A_71 = arith.constant dense<0xFF800000> : vector<1xf32>
    %reduce_or3A_72 = vector.multi_reduction <maximumf>, %reduce_or3A_70, %reduce_or3A_71 [1, 2] : vector<1x8x1xf32> to vector<1xf32>
    %reduce_or3A_73 = vector.shape_cast %reduce_or3A_72 : vector<1xf32> to vector<1x1x1xf32>
    %reduce_or3A_74 = vector.extract %reduce_or3A_73[0, 0, 0] : f32 from vector<1x1x1xf32>
    %reduce_or3A_75 = arith.constant 0.000000e+00 : f32
    %reduce_or3A_76 = arith.cmpf ogt, %reduce_or3A_74, %reduce_or3A_75 : f32
    %not3A_77 = arith.constant true
    %not3A_78 = arith.xori %reduce_or3A_76, %not3A_77 : i1
    %while3A_79 = arith.constant 0 : i32
    %while3A_80:2 = scf.while (%while3A_81 = %while3A_79, %while3A_82 = %not3A_78) : (i32, i1) -> (i32, i1) {
      %lt3A_83 = arith.constant 300 : i32
      %lt3A_84 = arith.cmpi slt, %while3A_81, %lt3A_83 : i32
      %not3A_85 = arith.constant true
      %not3A_86 = arith.xori %while3A_82, %not3A_85 : i1
      %and3A_87 = arith.andi %lt3A_84, %not3A_86 : i1
      scf.condition(%and3A_87) %while3A_81, %while3A_82 : i32, i1
    } do {
    ^bb0(%while3A_81: i32, %while3A_82: i1):
      %get3A_83 = arith.constant 0 : index
      %get3A_84 = arith.constant 0 : index
      %get3A_85 = vector.load %arg14[%get3A_83, %get3A_84] : memref<8x5120xf32, #tpu.memory_space<vmem>>, vector<8x5120xf32>
      %reduce_max3A = arith.constant dense<0xFF800000> : vector<8xf32>
      %reduce_max3A_86 = vector.multi_reduction <maximumf>, %get3A_85, %reduce_max3A [1] : vector<8x5120xf32> to vector<8xf32>
      %broadcast_in_dim3A_87 = vector.shape_cast %reduce_max3A_86 : vector<8xf32> to vector<8x1xf32>
      %gt3A_88 = arith.constant 0.00999999977 : f32
      %gt3A_89 = vector.broadcast %gt3A_88 : f32 to vector<8x1xf32>
      %gt3A_90 = arith.cmpf ogt, %broadcast_in_dim3A_87, %gt3A_89 : vector<8x1xf32>
      %and3A_91 = arith.andi %and3A, %gt3A_90 : vector<8x1xi1>
      %eq3A_92 = vector.broadcast %broadcast_in_dim3A_87 : vector<8x1xf32> to vector<8x5120xf32>
      %eq3A_93 = arith.cmpf oeq, %get3A_85, %eq3A_92 : vector<8x5120xf32>
      %jit3A_94 = arith.constant 1073741824 : i32
      %broadcast_in_dim3A_95 = vector.broadcast %jit3A_94 : i32 to vector<8x5120xi32>
      %select_n3A_96 = arith.select %eq3A_93, %iota3A_65, %broadcast_in_dim3A_95 : vector<8x5120xi1>, vector<8x5120xi32>
      %reduce_min3A = arith.constant dense<2147483647> : vector<8xi32>
      %reduce_min3A_97 = vector.multi_reduction <minsi>, %select_n3A_96, %reduce_min3A [1] : vector<8x5120xi32> to vector<8xi32>
      %broadcast_in_dim3A_98 = vector.shape_cast %reduce_min3A_97 : vector<8xi32> to vector<8x1xi32>
      %eq3A_99 = vector.broadcast %broadcast_in_dim3A_98 : vector<8x1xi32> to vector<8x5120xi32>
      %eq3A_100 = arith.cmpi eq, %iota3A_65, %eq3A_99 : vector<8x5120xi32>
      %and3A_101 = arith.andi %eq3A_93, %eq3A_100 : vector<8x5120xi1>
      %get3A_102 = arith.constant 0 : index
      %get3A_103 = arith.constant 0 : index
      %get3A_104 = vector.load %arg9[%get3A_102, %get3A_103] : memref<8x5120xf32, #tpu.memory_space<vmem>>, vector<8x5120xf32>
      %get3A_105 = arith.constant 0 : index
      %get3A_106 = arith.constant 0 : index
      %get3A_107 = vector.load %arg10[%get3A_105, %get3A_106] : memref<8x5120xf32, #tpu.memory_space<vmem>>, vector<8x5120xf32>
      %get3A_108 = arith.constant 0 : index
      %get3A_109 = arith.constant 0 : index
      %get3A_110 = vector.load %arg11[%get3A_108, %get3A_109] : memref<8x5120xf32, #tpu.memory_space<vmem>>, vector<8x5120xf32>
      %get3A_111 = arith.constant 0 : index
      %get3A_112 = arith.constant 0 : index
      %get3A_113 = vector.load %arg12[%get3A_111, %get3A_112] : memref<8x5120xf32, #tpu.memory_space<vmem>>, vector<8x5120xf32>
      %get3A_114 = arith.constant 0 : index
      %get3A_115 = arith.constant 0 : index
      %get3A_116 = vector.load %arg8[%get3A_114, %get3A_115] : memref<8x5120xi32, #tpu.memory_space<vmem>>, vector<8x5120xi32>
      %get3A_117 = arith.constant 0 : index
      %get3A_118 = arith.constant 0 : index
      %get3A_119 = vector.load %arg15[%get3A_117, %get3A_118] : memref<8x5120xf32, #tpu.memory_space<vmem>>, vector<8x5120xf32>
      %jit3A_120 = arith.constant -3.000000e+38 : f32
      %broadcast_in_dim3A_121 = vector.broadcast %jit3A_120 : f32 to vector<8x5120xf32>
      %select_n3A_122 = arith.select %and3A_101, %get3A_104, %broadcast_in_dim3A_121 : vector<8x5120xi1>, vector<8x5120xf32>
      %reduce_max3A_123 = arith.constant dense<0xFF800000> : vector<8xf32>
      %reduce_max3A_124 = vector.multi_reduction <maximumf>, %select_n3A_122, %reduce_max3A_123 [1] : vector<8x5120xf32> to vector<8xf32>
      %broadcast_in_dim3A_125 = vector.shape_cast %reduce_max3A_124 : vector<8xf32> to vector<8x1xf32>
      %jit3A_126 = arith.constant -3.000000e+38 : f32
      %broadcast_in_dim3A_127 = vector.broadcast %jit3A_126 : f32 to vector<8x5120xf32>
      %select_n3A_128 = arith.select %and3A_101, %get3A_107, %broadcast_in_dim3A_127 : vector<8x5120xi1>, vector<8x5120xf32>
      %reduce_max3A_129 = arith.constant dense<0xFF800000> : vector<8xf32>
      %reduce_max3A_130 = vector.multi_reduction <maximumf>, %select_n3A_128, %reduce_max3A_129 [1] : vector<8x5120xf32> to vector<8xf32>
      %broadcast_in_dim3A_131 = vector.shape_cast %reduce_max3A_130 : vector<8xf32> to vector<8x1xf32>
      %jit3A_132 = arith.constant -3.000000e+38 : f32
      %broadcast_in_dim3A_133 = vector.broadcast %jit3A_132 : f32 to vector<8x5120xf32>
      %select_n3A_134 = arith.select %and3A_101, %get3A_110, %broadcast_in_dim3A_133 : vector<8x5120xi1>, vector<8x5120xf32>
      %reduce_max3A_135 = arith.constant dense<0xFF800000> : vector<8xf32>
      %reduce_max3A_136 = vector.multi_reduction <maximumf>, %select_n3A_134, %reduce_max3A_135 [1] : vector<8x5120xf32> to vector<8xf32>
      %broadcast_in_dim3A_137 = vector.shape_cast %reduce_max3A_136 : vector<8xf32> to vector<8x1xf32>
      %jit3A_138 = arith.constant -3.000000e+38 : f32
      %broadcast_in_dim3A_139 = vector.broadcast %jit3A_138 : f32 to vector<8x5120xf32>
      %select_n3A_140 = arith.select %and3A_101, %get3A_113, %broadcast_in_dim3A_139 : vector<8x5120xi1>, vector<8x5120xf32>
      %reduce_max3A_141 = arith.constant dense<0xFF800000> : vector<8xf32>
      %reduce_max3A_142 = vector.multi_reduction <maximumf>, %select_n3A_140, %reduce_max3A_141 [1] : vector<8x5120xf32> to vector<8xf32>
      %broadcast_in_dim3A_143 = vector.shape_cast %reduce_max3A_142 : vector<8xf32> to vector<8x1xf32>
      %jit3A_144 = arith.constant -1 : i32
      %broadcast_in_dim3A_145 = vector.broadcast %jit3A_144 : i32 to vector<8x5120xi32>
      %select_n3A_146 = arith.select %and3A_101, %get3A_116, %broadcast_in_dim3A_145 : vector<8x5120xi1>, vector<8x5120xi32>
      %reduce_max3A_147 = arith.constant dense<-2147483648> : vector<8xi32>
      %reduce_max3A_148 = vector.multi_reduction <maxsi>, %select_n3A_146, %reduce_max3A_147 [1] : vector<8x5120xi32> to vector<8xi32>
      %broadcast_in_dim3A_149 = vector.shape_cast %reduce_max3A_148 : vector<8xi32> to vector<8x1xi32>
      %jit3A_150 = arith.constant -3.000000e+38 : f32
      %broadcast_in_dim3A_151 = vector.broadcast %jit3A_150 : f32 to vector<8x5120xf32>
      %select_n3A_152 = arith.select %and3A_101, %get3A_119, %broadcast_in_dim3A_151 : vector<8x5120xi1>, vector<8x5120xf32>
      %reduce_max3A_153 = arith.constant dense<0xFF800000> : vector<8xf32>
      %reduce_max3A_154 = vector.multi_reduction <maximumf>, %select_n3A_152, %reduce_max3A_153 [1] : vector<8x5120xf32> to vector<8xf32>
      %broadcast_in_dim3A_155 = vector.shape_cast %reduce_max3A_154 : vector<8xf32> to vector<8x1xf32>
      %max3A = vector.broadcast %broadcast_in_dim3A_125 : vector<8x1xf32> to vector<8x5120xf32>
      %max3A_156 = arith.maximumf %max3A, %get3A_104 : vector<8x5120xf32>
      %max3A_157 = vector.broadcast %broadcast_in_dim3A_131 : vector<8x1xf32> to vector<8x5120xf32>
      %max3A_158 = arith.maximumf %max3A_157, %get3A_107 : vector<8x5120xf32>
      %min3A = vector.broadcast %broadcast_in_dim3A_137 : vector<8x1xf32> to vector<8x5120xf32>
      %min3A_159 = arith.minimumf %min3A, %get3A_110 : vector<8x5120xf32>
      %min3A_160 = vector.broadcast %broadcast_in_dim3A_143 : vector<8x1xf32> to vector<8x5120xf32>
      %min3A_161 = arith.minimumf %min3A_160, %get3A_113 : vector<8x5120xf32>
      %sub3A_162 = arith.subf %min3A_159, %max3A_156 : vector<8x5120xf32>
      %max3A_163 = arith.constant 0.000000e+00 : f32
      %max3A_164 = vector.broadcast %max3A_163 : f32 to vector<8x5120xf32>
      %max3A_165 = arith.maximumf %sub3A_162, %max3A_164 : vector<8x5120xf32>
      %sub3A_166 = arith.subf %min3A_161, %max3A_158 : vector<8x5120xf32>
      %max3A_167 = arith.constant 0.000000e+00 : f32
      %max3A_168 = vector.broadcast %max3A_167 : f32 to vector<8x5120xf32>
      %max3A_169 = arith.maximumf %sub3A_166, %max3A_168 : vector<8x5120xf32>
      %mul3A_170 = arith.mulf %max3A_165, %max3A_169 : vector<8x5120xf32>
      %add3A = vector.broadcast %broadcast_in_dim3A_155 : vector<8x1xf32> to vector<8x5120xf32>
      %add3A_171 = arith.addf %add3A, %get3A_119 : vector<8x5120xf32>
      %sub3A_172 = arith.subf %add3A_171, %mul3A_170 : vector<8x5120xf32>
      %add3A_173 = arith.constant 9.99999996E-13 : f32
      %add3A_174 = vector.broadcast %add3A_173 : f32 to vector<8x5120xf32>
      %add3A_175 = arith.addf %sub3A_172, %add3A_174 : vector<8x5120xf32>
      %div3A = arith.divf %mul3A_170, %add3A_175 : vector<8x5120xf32>
      %eq3A_176 = vector.broadcast %broadcast_in_dim3A_149 : vector<8x1xi32> to vector<8x5120xi32>
      %eq3A_177 = arith.cmpi eq, %get3A_116, %eq3A_176 : vector<8x5120xi32>
      %and3A_178 = vector.broadcast %and3A_91 : vector<8x1xi1> to vector<8x5120xi1>
      %and3A_179 = arith.andi %and3A_178, %eq3A_177 : vector<8x5120xi1>
      %gt3A_180 = arith.constant 0.699999988 : f32
      %gt3A_181 = vector.broadcast %gt3A_180 : f32 to vector<8x5120xf32>
      %gt3A_182 = arith.cmpf ogt, %div3A, %gt3A_181 : vector<8x5120xf32>
      %and3A_183 = arith.andi %and3A_179, %gt3A_182 : vector<8x5120xi1>
      %or3A = arith.ori %and3A_101, %and3A_183 : vector<8x5120xi1>
      %jit3A_184 = arith.constant -1.000000e+00 : f32
      %broadcast_in_dim3A_185 = vector.broadcast %jit3A_184 : f32 to vector<8x5120xf32>
      %select_n3A_186 = arith.select %or3A, %broadcast_in_dim3A_185, %get3A_85 : vector<8x5120xi1>, vector<8x5120xf32>
      %swap3A_187 = arith.constant 0 : index
      %swap3A_188 = arith.constant 0 : index
      %swap3A_189 = vector.load %arg14[%swap3A_187, %swap3A_188] : memref<8x5120xf32, #tpu.memory_space<vmem>>, vector<8x5120xf32>
      tpu.vector_store %arg14[%swap3A_187, %swap3A_188], %select_n3A_186 {strides = array<i32>} : memref<8x5120xf32, #tpu.memory_space<vmem>>, vector<8x5120xf32>,
      %convert_element_type3A_190 = arith.sitofp %broadcast_in_dim3A_149 : vector<8x1xi32> to vector<8x1xf32>
      %concatenate3A_191 = tpu.concatenate %convert_element_type3A_190, %broadcast_in_dim3A_87, %broadcast_in_dim3A_125, %broadcast_in_dim3A_131, %broadcast_in_dim3A_137, %broadcast_in_dim3A_143, %broadcast_in_dim3A_87, %broadcast_in_dim3A_87 in 1 : vector<8x1xf32>, vector<8x1xf32>, vector<8x1xf32>, vector<8x1xf32>, vector<8x1xf32>, vector<8x1xf32>, vector<8x1xf32>, vector<8x1xf32> -> vector<8x8xf32>
      %get3A_192 = arith.index_cast %while3A_81 : i32 to index
      %get3A_193 = arith.constant 0 : index
      %get3A_194 = arith.constant 0 : index
      %get3A_195 = vector.load %arg13[%get3A_192, %get3A_193, %get3A_194] : memref<300x8x8xf32, #tpu.memory_space<vmem>>, vector<1x8x8xf32>
      %squeeze3A = vector.shape_cast %get3A_195 : vector<1x8x8xf32> to vector<8x8xf32>
      %broadcast_in_dim3A_196 = vector.shape_cast %and3A_91 : vector<8x1xi1> to vector<8x1xi1>
      %broadcast_in_dim3A_197 = vector.broadcast %broadcast_in_dim3A_196 : vector<8x1xi1> to vector<8x8xi1>
      %select_n3A_198 = arith.select %broadcast_in_dim3A_197, %concatenate3A_191, %squeeze3A : vector<8x8xi1>, vector<8x8xf32>
      %broadcast_in_dim3A_199 = vector.shape_cast %select_n3A_198 : vector<8x8xf32> to vector<1x8x8xf32>
      %swap3A_200 = arith.index_cast %while3A_81 : i32 to index
      %swap3A_201 = arith.constant 0 : index
      %swap3A_202 = arith.constant 0 : index
      %swap3A_203 = vector.load %arg13[%swap3A_200, %swap3A_201, %swap3A_202] : memref<300x8x8xf32, #tpu.memory_space<vmem>>, vector<1x8x8xf32>
      tpu.vector_store %arg13[%swap3A_200, %swap3A_201, %swap3A_202], %broadcast_in_dim3A_199 {strides = array<i32>} : memref<300x8x8xf32, #tpu.memory_space<vmem>>, vector<1x8x8xf32>,
      %reduce_or3A_204 = arith.constant 1.000000e+00 : f32
      %reduce_or3A_205 = arith.constant 0.000000e+00 : f32
      %reduce_or3A_206 = vector.broadcast %reduce_or3A_204 : f32 to vector<8x1xf32>
      %reduce_or3A_207 = vector.broadcast %reduce_or3A_205 : f32 to vector<8x1xf32>
      %reduce_or3A_208 = arith.select %and3A_91, %reduce_or3A_206, %reduce_or3A_207 : vector<8x1xi1>, vector<8x1xf32>
      %reduce_or3A_209 = vector.shape_cast %reduce_or3A_208 : vector<8x1xf32> to vector<1x8x1xf32>
      %reduce_or3A_210 = arith.constant dense<0xFF800000> : vector<1xf32>
      %reduce_or3A_211 = vector.multi_reduction <maximumf>, %reduce_or3A_209, %reduce_or3A_210 [1, 2] : vector<1x8x1xf32> to vector<1xf32>
      %reduce_or3A_212 = vector.shape_cast %reduce_or3A_211 : vector<1xf32> to vector<1x1x1xf32>
      %reduce_or3A_213 = vector.extract %reduce_or3A_212[0, 0, 0] : f32 from vector<1x1x1xf32>
      %reduce_or3A_214 = arith.constant 0.000000e+00 : f32
      %reduce_or3A_215 = arith.cmpf ogt, %reduce_or3A_213, %reduce_or3A_214 : f32
      %not3A_216 = arith.constant true
      %not3A_217 = arith.xori %reduce_or3A_215, %not3A_216 : i1
      %add3A_218 = arith.constant 1 : i32
      %add3A_219 = arith.addi %while3A_81, %add3A_218 : i32
      scf.yield %add3A_219, %not3A_217 : i32, i1
    }
    return
  }
}

module attributes {stable_mosaic.version = 14 : i64} {
  func.func @_dense_body(%arg0: i32, %arg1: i32, %arg2: memref<1x80x512xf32, #tpu.memory_space<vmem>>, %arg3: memref<1x1x512xf32, #tpu.memory_space<vmem>>, %arg4: memref<1x1x512xi32, #tpu.memory_space<vmem>>) attributes {dimension_semantics = [#tpu.dimension_semantics<arbitrary>, #tpu.dimension_semantics<arbitrary>], iteration_bounds = array<i64: 8, 10>, scalar_prefetch = 0 : i64, scratch_operands = 0 : i64, tpu.core_type = #tpu.core_type<tc>, window_params = [{transform_indices = @transform_0, window_bounds = array<i64: 1, 80, 512>}, {transform_indices = @transform_1, window_bounds = array<i64: 1, 1, 512>}, {transform_indices = @transform_2, window_bounds = array<i64: 1, 1, 512>}]} {
    %get3A = arith.constant 0 : index
    %get3A_0 = arith.constant 0 : index
    %get3A_1 = arith.constant 0 : index
    %get3A_2 = vector.load %arg2[%get3A, %get3A_0, %get3A_1] : memref<1x80x512xf32, #tpu.memory_space<vmem>>, vector<1x80x512xf32>
    %reduce_max3A = arith.constant dense<0xFF800000> : vector<1x512xf32>
    %reduce_max3A_3 = vector.multi_reduction <maximumf>, %get3A_2, %reduce_max3A [1] : vector<1x80x512xf32> to vector<1x512xf32>
    %iota3A = tpu.iota {dimensions = array<i32: 1>} : vector<1x80x512xi32>
    %broadcast_in_dim3A = vector.shape_cast %reduce_max3A_3 : vector<1x512xf32> to vector<1x1x512xf32>
    %eq3A = vector.broadcast %broadcast_in_dim3A : vector<1x1x512xf32> to vector<1x80x512xf32>
    %eq3A_4 = arith.cmpf oeq, %get3A_2, %eq3A : vector<1x80x512xf32>
    %jit3A = arith.constant 80 : i32
    %broadcast_in_dim3A_5 = vector.broadcast %jit3A : i32 to vector<1x80x512xi32>
    %select_n3A = arith.select %eq3A_4, %iota3A, %broadcast_in_dim3A_5 : vector<1x80x512xi1>, vector<1x80x512xi32>
    %reduce_min3A = arith.constant dense<2147483647> : vector<1x512xi32>
    %reduce_min3A_6 = vector.multi_reduction <minsi>, %select_n3A, %reduce_min3A [1] : vector<1x80x512xi32> to vector<1x512xi32>
    %neg3A = arith.constant 0.000000e+00 : f32
    %neg3A_7 = vector.broadcast %neg3A : f32 to vector<1x512xf32>
    %neg3A_8 = arith.subf %neg3A_7, %reduce_max3A_3 : vector<1x512xf32>
    %exp3A = math.exp %neg3A_8 : vector<1x512xf32>
    %add3A = arith.constant 1.000000e+00 : f32
    %add3A_9 = vector.broadcast %add3A : f32 to vector<1x512xf32>
    %add3A_10 = arith.addf %add3A_9, %exp3A : vector<1x512xf32>
    %div3A = arith.constant 1.000000e+00 : f32
    %div3A_11 = vector.broadcast %div3A : f32 to vector<1x512xf32>
    %div3A_12 = arith.divf %div3A_11, %add3A_10 : vector<1x512xf32>
    %iota3A_13 = tpu.iota {dimensions = array<i32: 1>} : vector<1x512xi32>
    %mul3A = arith.constant 512 : i32
    %mul3A_14 = arith.muli %arg1, %mul3A : i32
    %add3A_15 = vector.broadcast %mul3A_14 : i32 to vector<1x512xi32>
    %add3A_16 = arith.addi %iota3A_13, %add3A_15 : vector<1x512xi32>
    %lt3A = arith.constant 5000 : i32
    %lt3A_17 = vector.broadcast %lt3A : i32 to vector<1x512xi32>
    %lt3A_18 = arith.cmpi slt, %add3A_16, %lt3A_17 : vector<1x512xi32>
    %gt3A = arith.constant 0.00999999977 : f32
    %gt3A_19 = vector.broadcast %gt3A : f32 to vector<1x512xf32>
    %gt3A_20 = arith.cmpf ogt, %div3A_12, %gt3A_19 : vector<1x512xf32>
    %and3A = arith.andi %lt3A_18, %gt3A_20 : vector<1x512xi1>
    %jit3A_21 = arith.constant -1.000000e+00 : f32
    %broadcast_in_dim3A_22 = vector.broadcast %jit3A_21 : f32 to vector<1x512xf32>
    %select_n3A_23 = arith.select %and3A, %div3A_12, %broadcast_in_dim3A_22 : vector<1x512xi1>, vector<1x512xf32>
    %broadcast_in_dim3A_24 = vector.shape_cast %select_n3A_23 : vector<1x512xf32> to vector<1x1x512xf32>
    %swap3A = arith.constant 0 : index
    %swap3A_25 = arith.constant 0 : index
    %swap3A_26 = arith.constant 0 : index
    %swap3A_27 = vector.load %arg3[%swap3A, %swap3A_25, %swap3A_26] : memref<1x1x512xf32, #tpu.memory_space<vmem>>, vector<1x1x512xf32>
    tpu.vector_store %arg3[%swap3A, %swap3A_25, %swap3A_26], %broadcast_in_dim3A_24 {strides = array<i32>} : memref<1x1x512xf32, #tpu.memory_space<vmem>>, vector<1x1x512xf32>,
    %broadcast_in_dim3A_28 = vector.shape_cast %reduce_min3A_6 : vector<1x512xi32> to vector<1x1x512xi32>
    %swap3A_29 = arith.constant 0 : index
    %swap3A_30 = arith.constant 0 : index
    %swap3A_31 = arith.constant 0 : index
    %swap3A_32 = vector.load %arg4[%swap3A_29, %swap3A_30, %swap3A_31] : memref<1x1x512xi32, #tpu.memory_space<vmem>>, vector<1x1x512xi32>
    tpu.vector_store %arg4[%swap3A_29, %swap3A_30, %swap3A_31], %broadcast_in_dim3A_28 {strides = array<i32>} : memref<1x1x512xi32, #tpu.memory_space<vmem>>, vector<1x1x512xi32>,
    return
  }
  func.func @transform_0(%arg0: i32, %arg1: i32) -> (i32, i32, i32) {
    %c0_i32 = arith.constant 0 : i32
    %c0_i32_0 = arith.constant 0 : i32
    return %arg0, %c0_i32, %arg1 : i32, i32, i32
  }
  func.func @transform_1(%arg0: i32, %arg1: i32) -> (i32, i32, i32) {
    %c0_i32 = arith.constant 0 : i32
    %c0_i32_0 = arith.constant 0 : i32
    return %arg0, %c0_i32, %arg1 : i32, i32, i32
  }
  func.func @transform_2(%arg0: i32, %arg1: i32) -> (i32, i32, i32) {
    %c0_i32 = arith.constant 0 : i32
    %c0_i32_0 = arith.constant 0 : i32
    return %arg0, %c0_i32, %arg1 : i32, i32, i32
  }
}

module attributes {stable_mosaic.version = 14 : i64} {
  func.func @_bisect_body(%arg0: memref<8x5120xf32, #tpu.memory_space<vmem>>, %arg1: memref<4x8x5120xf32, #tpu.memory_space<vmem>>, %arg2: memref<8x2xi32, #tpu.memory_space<vmem>>, %arg3: memref<8x128xf32, #tpu.memory_space<vmem>>, %arg4: memref<8x128xi32, #tpu.memory_space<vmem>>, %arg5: memref<8x5120xf32, #tpu.memory_space<vmem>>, %arg6: memref<8x5120xf32, #tpu.memory_space<vmem>>, %arg7: memref<8x5120xf32, #tpu.memory_space<vmem>>, %arg8: memref<8x5120xf32, #tpu.memory_space<vmem>>) attributes {dimension_semantics = [], scalar_prefetch = 0 : i64, scratch_operands = 0 : i64, tpu.core_type = #tpu.core_type<tc>} {
    %get3A = arith.constant 0 : index
    %get3A_0 = arith.constant 0 : index
    %get3A_1 = vector.load %arg0[%get3A, %get3A_0] : memref<8x5120xf32, #tpu.memory_space<vmem>>, vector<8x5120xf32>
    %get3A_2 = arith.constant 0 : index
    %get3A_3 = arith.constant 0 : index
    %get3A_4 = vector.load %arg2[%get3A_2, %get3A_3] : memref<8x2xi32, #tpu.memory_space<vmem>>, vector<8x2xi32>
    %convert_element_type3A = arith.sitofp %get3A_4 : vector<8x2xi32> to vector<8x2xf32>
    %slice3A = vector.extract_strided_slice %convert_element_type3A {offsets = [0, 0], sizes = [8, 1], strides = [1, 1]} : vector<8x2xf32> to vector<8x1xf32>
    %slice3A_5 = vector.extract_strided_slice %convert_element_type3A {offsets = [0, 1], sizes = [8, 1], strides = [1, 1]} : vector<8x2xf32> to vector<8x1xf32>
    %get3A_6 = arith.constant 0 : index
    %get3A_7 = arith.constant 0 : index
    %get3A_8 = arith.constant 0 : index
    %get3A_9 = vector.load %arg1[%get3A_6, %get3A_7, %get3A_8] : memref<4x8x5120xf32, #tpu.memory_space<vmem>>, vector<1x8x5120xf32>
    %get3A_10 = vector.shape_cast %get3A_9 : vector<1x8x5120xf32> to vector<8x5120xf32>
    %get3A_11 = arith.constant 1 : index
    %get3A_12 = arith.constant 0 : index
    %get3A_13 = arith.constant 0 : index
    %get3A_14 = vector.load %arg1[%get3A_11, %get3A_12, %get3A_13] : memref<4x8x5120xf32, #tpu.memory_space<vmem>>, vector<1x8x5120xf32>
    %get3A_15 = vector.shape_cast %get3A_14 : vector<1x8x5120xf32> to vector<8x5120xf32>
    %get3A_16 = arith.constant 2 : index
    %get3A_17 = arith.constant 0 : index
    %get3A_18 = arith.constant 0 : index
    %get3A_19 = vector.load %arg1[%get3A_16, %get3A_17, %get3A_18] : memref<4x8x5120xf32, #tpu.memory_space<vmem>>, vector<1x8x5120xf32>
    %get3A_20 = vector.shape_cast %get3A_19 : vector<1x8x5120xf32> to vector<8x5120xf32>
    %get3A_21 = arith.constant 3 : index
    %get3A_22 = arith.constant 0 : index
    %get3A_23 = arith.constant 0 : index
    %get3A_24 = vector.load %arg1[%get3A_21, %get3A_22, %get3A_23] : memref<4x8x5120xf32, #tpu.memory_space<vmem>>, vector<1x8x5120xf32>
    %get3A_25 = vector.shape_cast %get3A_24 : vector<1x8x5120xf32> to vector<8x5120xf32>
    %mul3A = arith.constant 5.000000e-01 : f32
    %mul3A_26 = vector.broadcast %mul3A : f32 to vector<8x5120xf32>
    %mul3A_27 = arith.mulf %mul3A_26, %get3A_20 : vector<8x5120xf32>
    %sub3A = arith.subf %get3A_10, %mul3A_27 : vector<8x5120xf32>
    %mul3A_28 = vector.broadcast %slice3A : vector<8x1xf32> to vector<8x5120xf32>
    %mul3A_29 = arith.mulf %sub3A, %mul3A_28 : vector<8x5120xf32>
    %swap3A = arith.constant 0 : index
    %swap3A_30 = arith.constant 0 : index
    %swap3A_31 = vector.load %arg5[%swap3A, %swap3A_30] : memref<8x5120xf32, #tpu.memory_space<vmem>>, vector<8x5120xf32>
    tpu.vector_store %arg5[%swap3A, %swap3A_30], %mul3A_29 {strides = array<i32>} : memref<8x5120xf32, #tpu.memory_space<vmem>>, vector<8x5120xf32>,
    %mul3A_32 = arith.constant 5.000000e-01 : f32
    %mul3A_33 = vector.broadcast %mul3A_32 : f32 to vector<8x5120xf32>
    %mul3A_34 = arith.mulf %mul3A_33, %get3A_25 : vector<8x5120xf32>
    %sub3A_35 = arith.subf %get3A_15, %mul3A_34 : vector<8x5120xf32>
    %mul3A_36 = vector.broadcast %slice3A_5 : vector<8x1xf32> to vector<8x5120xf32>
    %mul3A_37 = arith.mulf %sub3A_35, %mul3A_36 : vector<8x5120xf32>
    %swap3A_38 = arith.constant 0 : index
    %swap3A_39 = arith.constant 0 : index
    %swap3A_40 = vector.load %arg6[%swap3A_38, %swap3A_39] : memref<8x5120xf32, #tpu.memory_space<vmem>>, vector<8x5120xf32>
    tpu.vector_store %arg6[%swap3A_38, %swap3A_39], %mul3A_37 {strides = array<i32>} : memref<8x5120xf32, #tpu.memory_space<vmem>>, vector<8x5120xf32>,
    %mul3A_41 = arith.constant 5.000000e-01 : f32
    %mul3A_42 = vector.broadcast %mul3A_41 : f32 to vector<8x5120xf32>
    %mul3A_43 = arith.mulf %mul3A_42, %get3A_20 : vector<8x5120xf32>
    %add3A = arith.addf %get3A_10, %mul3A_43 : vector<8x5120xf32>
    %mul3A_44 = vector.broadcast %slice3A : vector<8x1xf32> to vector<8x5120xf32>
    %mul3A_45 = arith.mulf %add3A, %mul3A_44 : vector<8x5120xf32>
    %swap3A_46 = arith.constant 0 : index
    %swap3A_47 = arith.constant 0 : index
    %swap3A_48 = vector.load %arg7[%swap3A_46, %swap3A_47] : memref<8x5120xf32, #tpu.memory_space<vmem>>, vector<8x5120xf32>
    tpu.vector_store %arg7[%swap3A_46, %swap3A_47], %mul3A_45 {strides = array<i32>} : memref<8x5120xf32, #tpu.memory_space<vmem>>, vector<8x5120xf32>,
    %mul3A_49 = arith.constant 5.000000e-01 : f32
    %mul3A_50 = vector.broadcast %mul3A_49 : f32 to vector<8x5120xf32>
    %mul3A_51 = arith.mulf %mul3A_50, %get3A_25 : vector<8x5120xf32>
    %add3A_52 = arith.addf %get3A_15, %mul3A_51 : vector<8x5120xf32>
    %mul3A_53 = vector.broadcast %slice3A_5 : vector<8x1xf32> to vector<8x5120xf32>
    %mul3A_54 = arith.mulf %add3A_52, %mul3A_53 : vector<8x5120xf32>
    %swap3A_55 = arith.constant 0 : index
    %swap3A_56 = arith.constant 0 : index
    %swap3A_57 = vector.load %arg8[%swap3A_55, %swap3A_56] : memref<8x5120xf32, #tpu.memory_space<vmem>>, vector<8x5120xf32>
    tpu.vector_store %arg8[%swap3A_55, %swap3A_56], %mul3A_54 {strides = array<i32>} : memref<8x5120xf32, #tpu.memory_space<vmem>>, vector<8x5120xf32>,
    %gt3A = arith.constant 0.00999999977 : f32
    %gt3A_58 = vector.broadcast %gt3A : f32 to vector<8x5120xf32>
    %gt3A_59 = arith.cmpf ogt, %get3A_1, %gt3A_58 : vector<8x5120xf32>
    %convert_element_type3A_60 = arith.extui %gt3A_59 : vector<8x5120xi1> to vector<8x5120xi32>
    %reduce_sum3A = arith.constant dense<0> : vector<8xi32>
    %reduce_sum3A_61 = vector.multi_reduction <add>, %convert_element_type3A_60, %reduce_sum3A [1] : vector<8x5120xi32> to vector<8xi32>
    %broadcast_in_dim3A = vector.shape_cast %reduce_sum3A_61 : vector<8xi32> to vector<8x1xi32>
    %broadcast_in_dim3A_62 = arith.constant 0.00999999977 : f32
    %broadcast_in_dim3A_63 = vector.broadcast %broadcast_in_dim3A_62 : f32 to vector<8x1xf32>
    %broadcast_in_dim3A_64 = arith.constant 1.000000e+00 : f32
    %broadcast_in_dim3A_65 = vector.broadcast %broadcast_in_dim3A_64 : f32 to vector<8x1xf32>
    %scan3A = arith.constant 0 : i32
    %scan3A_66 = arith.constant 24 : i32
    %scan3A_67 = arith.addi %scan3A, %scan3A_66 : i32
    %scan3A_68 = arith.constant 1 : i32
    %scan3A_69:2 = scf.for %scan3A_87 = %scan3A to %scan3A_67 step %scan3A_68 iter_args(%scan3A_88 = %broadcast_in_dim3A_63, %scan3A_89 = %broadcast_in_dim3A_65) -> (vector<8x1xf32>, vector<8x1xf32>)  : i32 {
      %add3A_90 = arith.addf %scan3A_88, %scan3A_89 : vector<8x1xf32>
      %mul3A_91 = arith.constant 5.000000e-01 : f32
      %mul3A_92 = vector.broadcast %mul3A_91 : f32 to vector<8x1xf32>
      %mul3A_93 = arith.mulf %mul3A_92, %add3A_90 : vector<8x1xf32>
      %ge3A_94 = vector.broadcast %mul3A_93 : vector<8x1xf32> to vector<8x5120xf32>
      %ge3A_95 = arith.cmpf oge, %get3A_1, %ge3A_94 : vector<8x5120xf32>
      %convert_element_type3A_96 = arith.extui %ge3A_95 : vector<8x5120xi1> to vector<8x5120xi32>
      %reduce_sum3A_97 = arith.constant dense<0> : vector<8xi32>
      %reduce_sum3A_98 = vector.multi_reduction <add>, %convert_element_type3A_96, %reduce_sum3A_97 [1] : vector<8x5120xi32> to vector<8xi32>
      %broadcast_in_dim3A_99 = vector.shape_cast %reduce_sum3A_98 : vector<8xi32> to vector<8x1xi32>
      %gt3A_100 = arith.constant 512 : i32
      %gt3A_101 = vector.broadcast %gt3A_100 : i32 to vector<8x1xi32>
      %gt3A_102 = arith.cmpi sgt, %broadcast_in_dim3A_99, %gt3A_101 : vector<8x1xi32>
      %select_n3A = arith.select %gt3A_102, %mul3A_93, %scan3A_88 : vector<8x1xi1>, vector<8x1xf32>
      %select_n3A_103 = arith.select %gt3A_102, %scan3A_89, %mul3A_93 : vector<8x1xi1>, vector<8x1xf32>
      scf.yield %select_n3A, %select_n3A_103 : vector<8x1xf32>, vector<8x1xf32>
    }
    %ge3A = vector.broadcast %scan3A_69#1 : vector<8x1xf32> to vector<8x5120xf32>
    %ge3A_70 = arith.cmpf oge, %get3A_1, %ge3A : vector<8x5120xf32>
    %convert_element_type3A_71 = arith.extui %ge3A_70 : vector<8x5120xi1> to vector<8x5120xi32>
    %reduce_sum3A_72 = arith.constant dense<0> : vector<8xi32>
    %reduce_sum3A_73 = vector.multi_reduction <add>, %convert_element_type3A_71, %reduce_sum3A_72 [1] : vector<8x5120xi32> to vector<8xi32>
    %broadcast_in_dim3A_74 = vector.shape_cast %reduce_sum3A_73 : vector<8xi32> to vector<8x1xi32>
    %ge3A_75 = arith.cmpi sge, %broadcast_in_dim3A_74, %broadcast_in_dim3A : vector<8x1xi32>
    %convert_element_type3A_76 = arith.extui %ge3A_75 : vector<8x1xi1> to vector<8x1xi32>
    %broadcast_in_dim3A_77 = vector.shape_cast %scan3A_69#1 : vector<8x1xf32> to vector<8x1xf32>
    %broadcast_in_dim3A_78 = vector.broadcast %broadcast_in_dim3A_77 : vector<8x1xf32> to vector<8x128xf32>
    %swap3A_79 = arith.constant 0 : index
    %swap3A_80 = arith.constant 0 : index
    %swap3A_81 = vector.load %arg3[%swap3A_79, %swap3A_80] : memref<8x128xf32, #tpu.memory_space<vmem>>, vector<8x128xf32>
    tpu.vector_store %arg3[%swap3A_79, %swap3A_80], %broadcast_in_dim3A_78 {strides = array<i32>} : memref<8x128xf32, #tpu.memory_space<vmem>>, vector<8x128xf32>,
    %broadcast_in_dim3A_82 = vector.shape_cast %convert_element_type3A_76 : vector<8x1xi32> to vector<8x1xi32>
    %broadcast_in_dim3A_83 = vector.broadcast %broadcast_in_dim3A_82 : vector<8x1xi32> to vector<8x128xi32>
    %swap3A_84 = arith.constant 0 : index
    %swap3A_85 = arith.constant 0 : index
    %swap3A_86 = vector.load %arg4[%swap3A_84, %swap3A_85] : memref<8x128xi32, #tpu.memory_space<vmem>>, vector<8x128xi32>
    tpu.vector_store %arg4[%swap3A_84, %swap3A_85], %broadcast_in_dim3A_83 {strides = array<i32>} : memref<8x128xi32, #tpu.memory_space<vmem>>, vector<8x128xi32>,
    return
  }
}

</mosaic_0001>

<sc_bundles>
// kernel: kernel.6.cloned.1.call-start
scs
__scs_entry_jumppad:
0x0: {  	(pc) =	sbr.rel $0x88, $3  }
0x1: {  	(tag) =	ssettag $0x0;
	lr =	simm.s32 $0x1  }
0x2: {  	[smem:$0x3F9E] =	sst lr;
	_ =	strace $0xD0000000  }
0x3: {  	_ = 	snop  }
0x4: {  	_ = 	snop  }
0x5: {  	_ = 	snop  }
0x6: {  	_ = 	snop  }
0x7: {  	_ = 	snop  }
__scs_overlays_trampoline_lowered:
0x8: {  	[smem:$0x3FAD] =	sst s0  }
0x9: {  	[smem:$0x3FAE] =	sst s1  }
0xa: {  	[smem:$0x3FAF] =	sst s2  }
0xb: {  	[smem:$0x3FB0] =	sst s3  }
0xc: {  	[smem:$0x3FB1] =	sst s4  }
0xd: {  	[smem:$0x3FB2] =	sst s5  }
0xe: {  	[smem:$0x3FB3] =	sst s6  }
0xf: {  	[smem:$0x3FB4] =	sst s7  }
0x10: {  	[smem:$0x3FB5] =	sst s8  }
0x11: {  	[smem:$0x3FB6] =	sst s9;
	s0 =	simm.s32 @!p0 $0x0  }
0x12: {  	s1 =	sld [smem:$0x3F9C];
	s0 =	simm.s32 @p0 $0x1  }
0x13: {  	[smem:$0x3FB7] =	sst s0;
	s0 =	simm.s32 @!p1 $0x0  }
0x14: {  	s2 =	sld [smem:$0x3F9B];
	s0 =	simm.s32 @p1 $0x1  }
0x15: {  	[smem:$0x3FB8] =	sst s0;
	s0 =	simm.s32 @!p2 $0x0  }
0x16: {  	s3 =	sld [smem:$0x3FDB];
	s0 =	simm.s32 @p2 $0x1  }
0x17: {  	s4 =	simm.s32 $0x1BF5;
	[smem:$0x3FBA] =	sst s0  }
0x18: {  	s0 =	sld [smem:$0x3F9D];
	_ =	swait.ge [sflag:s4], $0x0  }
0x19: {  	s7 =	sld [smem:$0x3F9E]  }
0x1a: {  	s8 =	sadd.s32 $0xFFFFE003, lr  }
0x1b: {  	s9 =	sadd.s32 $0xFFFFFEF7, lr;
	s5 =	simm.s32 $0xFFFFFFFF;
	p2 =	slt.u32 s8, $0xFFFFF086  }
0x1c: {  	p1 =	slt.u32 s9, $0xF7A;
	s5 =	simm.s32 @!p2 $0x0  }
0x1d: {  	s5 =	simm.s32 @p1 $0x1;
	p0 =	seq.s32 s7, s2  }
0x1e: {  	s7 =	smul.u32 @!p0 $0xF7A, s2;
	p2 =	seq.s32 @!p0 s5, $0x0  }
0x1f: {  	s9 =	smul.u32 $0xF7A, s1;
	s8 =	simm.s32 @!p0 $0x1BF5;
	p2 =	por !p2, p0  }
0x20: {  	[sflag:s8] =	ssyncset.s32 @!p0 $0xFFFFF086;
	s6 =	sadd.s32 @!p0 s3, s7;
	s7 =	simm.s32 @!p0 $0x108  }
0x21: {  	s3 =	sadd.s32 s3, s9;
	s6 =	sadd.s32 @!p0 $0x88, s6;
	s7 =	simm.s32 @p2 $0x1082  }
0x22: {  	[simem:s7], [sflag:s8] =	dma.local @!p0 [hbm:s6], $0xF7A  }
0x23: {  	s9 =	sor.u32 $0xD0000000, s2;
	s6 =	simm.s32 $0x108;
	_ =	swait.ge @!p0 [sflag:s8], $0x0  }
0x24: {  	s3 =	sadd.s32 $0x88, s3;
	s6 =	simm.s32 @!p1 $0x1082;
	[sflag:s4] =	ssyncset.s32 $0xFFFFF086  }
0x25: {  	[simem:s6], [sflag:s4] =	dma.local [hbm:s3], $0xF7A  }
0x26: {  	[smem:$0x3F9E] =	sst s1;
	(tag) =	ssettag s2;
	_ =	strace s9  }
0x27: {  	s1 =	sld [smem:$0x3FAE]  }
0x28: {  	s2 =	sld [smem:$0x3FAF]  }
0x29: {  	s4 =	sld [smem:$0x3FB1]  }
0x2a: {  	p0 =	seq.s32 s5, $0x0;
	s5 =	sld [smem:$0x3FB2]  }
0x2b: {  	s6 =	sld [smem:$0x3FB3]  }
0x2c: {  	s7 =	sld [smem:$0x3FB4]  }
0x2d: {  	s3 =	simm.s32 $0x108;
	s8 =	sld [smem:$0x3FB5]  }
0x2e: {  	s3 =	simm.s32 @!p0 $0x1082;
	s9 =	sld [smem:$0x3FB6]  }
0x2f: {  	lr =	sadd.s32 s0, s3;
	s0 =	sld [smem:$0x3FAD]  }
0x30: {  	s3 =	sld [smem:$0x3FB0]  }
0x31: {  	[smem:$0x3FB9] =	sst s10  }
0x32: {  	s10 =	sld [smem:$0x3FB7];
	_ =	sdelay $0x3  }
0x33: {  	p0 =	seq.s32 s10, $0x1;
	s10 =	sld [smem:$0x3FB9];
	_ =	sdelay $0x3  }
0x34: {  	[smem:$0x3FB9] =	sst s10  }
0x35: {  	s10 =	sld [smem:$0x3FB8];
	_ =	sdelay $0x3  }
0x36: {  	p1 =	seq.s32 s10, $0x1;
	s10 =	sld [smem:$0x3FB9];
	_ =	sdelay $0x3  }
0x37: {  	[smem:$0x3FB9] =	sst s10  }
0x38: {  	s10 =	sld [smem:$0x3FBA]  }
0x39: {  	_ = 	snop;
	(pc) =	sbr.ind lr, $3  }
0x3a: {  	_ = 	snop  }
0x3b: {  	_ = 	snop  }
0x3c: {  	p2 =	seq.s32 s10, $0x1;
	s10 =	sld [smem:$0x3FB9]  }
0x3d: {  	_ =	shalt  }
0x3e: {  	_ =	shalt  }
0x3f: {  	_ =	shalt  }
0x40: {  	_ =	shalt  }
0x41: {  	_ =	shalt  }
0x42: {  	_ =	shalt  }
0x43: {  	_ =	shalt  }
0x44: {  	_ =	shalt  }
0x45: {  	_ =	shalt  }
0x46: {  	_ =	shalt  }
0x47: {  	_ =	shalt  }
0x48: {  	_ =	shalt  }
0x49: {  	_ =	shalt  }
0x4a: {  	_ =	shalt  }
0x4b: {  	_ =	shalt  }
0x4c: {  	_ =	shalt  }
0x4d: {  	_ =	shalt  }
0x4e: {  	_ =	shalt  }
0x4f: {  	_ =	shalt  }
0x50: {  	_ =	shalt  }
0x51: {  	_ =	shalt  }
0x52: {  	_ =	shalt  }
0x53: {  	_ =	shalt  }
0x54: {  	_ =	shalt  }
0x55: {  	_ =	shalt  }
0x56: {  	_ =	shalt  }
0x57: {  	_ =	shalt  }
0x58: {  	_ =	shalt  }
0x59: {  	_ =	shalt  }
0x5a: {  	_ =	shalt  }
0x5b: {  	_ =	shalt  }
0x5c: {  	_ =	shalt  }
0x5d: {  	_ =	shalt  }
0x5e: {  	_ =	shalt  }
0x5f: {  	_ =	shalt  }
0x60: {  	_ =	shalt  }
0x61: {  	_ =	shalt  }
0x62: {  	_ =	shalt  }
0x63: {  	_ =	shalt  }
0x64: {  	_ =	shalt  }
0x65: {  	_ =	shalt  }
0x66: {  	_ =	shalt  }
0x67: {  	_ =	shalt  }
0x68: {  	_ =	shalt  }
0x69: {  	_ =	shalt  }
0x6a: {  	_ =	shalt  }
0x6b: {  	_ =	shalt  }
0x6c: {  	_ =	shalt  }
0x6d: {  	_ =	shalt  }
0x6e: {  	_ =	shalt  }
0x6f: {  	_ =	shalt  }
0x70: {  	_ =	shalt  }
0x71: {  	_ =	shalt  }
0x72: {  	_ =	shalt  }
0x73: {  	_ =	shalt  }
0x74: {  	_ =	shalt  }
0x75: {  	_ =	shalt  }
0x76: {  	_ =	shalt  }
0x77: {  	_ =	shalt  }
0x78: {  	_ =	shalt  }
0x79: {  	_ =	shalt  }
0x7a: {  	_ =	shalt  }
0x7b: {  	_ =	shalt  }
0x7c: {  	_ =	shalt  }
0x7d: {  	_ =	shalt  }
0x7e: {  	_ =	shalt  }
0x7f: {  	_ =	shalt  }
0x80: {  	_ =	shalt  }
0x81: {  	_ =	shalt  }
0x82: {  	_ =	shalt  }
0x83: {  	_ =	shalt  }
0x84: {  	_ =	shalt  }
0x85: {  	_ =	shalt  }
0x86: {  	_ =	shalt  }
0x87: {  	_ =	shalt  }
.Lfunc_end0:
.L_simem_size_0:
called_computation_lowered:
.L_overlay_start_0:
0x88: {  	s2 =	sld [smem:$0x3FD9]  }
0x89: {  	s3 =	sld [smem:$0x3FFE];
	_ =	sdelay $0x1  }
0x8a: {  	s1 =	srdreg.scid  }
0x8b: {  	s0 =	sand.u32 $0x1, s1  }
0x8c: {  	s14 =	sshll.u32 s0, $0xA;
	s2 =	sadd.s32 s3, s2  }
0x8d: {  	s2 =	sadd.s32 s2, s14  }
0x8e: {  	[smem:$0x3FC5] =	sst s2  }
0x8f: {  	_ = 	snop  }
0x90: {  	s2 =	sld [smem:$0x3FD0];
	_ =	sdelay $0x2  }
0x91: {  	s15 =	simm.s32 $0xA;
	s4 =	simm.s32 $0x10  }
0x92: {  	[smem:s4], [sflag:s15] =	dma.local [hbm:s2], $0x1  }
0x93: {  	_ =	swait.eq [sflag:s15], $0x1  }
0x94: {  	[sflag:s15] =	ssyncset.done $0x0  }
0x95: {  	s16 =	sld [smem:$0x11];
	[sflag:s15] =	ssyncadd.s32 $0xFFFFFFFF  }
0x96: {  	s17 =	sld [smem:$0x12];
	(tm) =	ssettm $0x1  }
0x97: {  	s18 =	sld [smem:$0x3FFB];
	_ =	sdelay $0x3  }
0x98: {  	_ =	strace s18  }
0x99: {  	s4 =	sld [smem:$0x3FFC];
	_ =	sdelay $0x3  }
0x9a: {  	_ =	strace s4  }
0x9b: {  	s4 =	sld [smem:$0x3FFD];
	_ =	sdelay $0x3  }
0x9c: {  	_ =	strace s4  }
0x9d: {  	_ =	strace $0x8FFFFFFF  }
0x9e: {  	s19 =	sld [smem:$0x3FDB];
	_ =	sdelay $0x1  }
0x9f: {  	s5 =	simm.s32 $_scs_section_size  }
0xa0: {  	s6 =	simm.s32 $_size__tile_overlayer_lowered;
	s7 =	simm.s32 $_tile_overlayer_lowered  }
0xa1: {  	s22 =	simm.s32 $0x1BFF;
	s21 =	sshll.u32 s7, $0x1;
	s4 =	sadd.s32 s5, s19  }
0xa2: {  	s8 =	simm.s32 $0x0;
	s20 =	sshll.u32 s6, $0x1;
	s6 =	sadd.s32 s21, s4  }
0xa3: {  	[timem:s8], [sflag:s22] =	dma.local [hbm:s6], s20  }
0xa4: {  	_ =	swait.ge [sflag:s22], s20  }
0xa5: {  	s5 =	ssub.s32 $0x0, s20;
	[sflag:s22] =	ssyncset.done $0x0  }
0xa6: {  	[sflag:s22] =	ssyncadd.s32 s5;
	_ =	sdelay $0x1  }
0xa7: {  	s23 =	simm.s32 $0x1B8B  }
0xa8: {  	_ =	swait.ge [sflag:s23], $0x1  }
0xa9: {  	[sflag:s23] =	ssyncset.done $0x0  }
0xaa: {  	s25 =	simm.s32 $0x1B8E;
	s24 =	sld [smem:$0x3FFE];
	[sflag:s23] =	ssyncadd.s32 $0xFFFFFFFF  }
0xab: {  	s26 =	simm.s32 $execute0_lowered;
	[smem:$0x3FD2] =	sst s25  }
0xac: {  	s6 =	sshll.u32 s26, $0x1;
	_ =	strace $0x80000046;
	[dreg:$0x1] =	wrdreg $0xFFFFFFFF  }
0xad: {  	s28 =	simm.s32 $_size_execute0_lowered;
	s4 =	sadd.s32 s4, s6;
	[dreg:$0x0] =	wrdreg $0x0  }
0xae: {  	s6 =	sshll.u32 s28, $0x1;
	[dreg:$0x2] =	wrdreg s4  }
0xaf: {  	[dreg:$0x3] =	wrdreg s6  }
0xb0: {  	[dreg:$0x4] =	wrdreg $0xC0  }
0xb1: {  	_ =	task [dreg:s8], $0x5FFFF  }
0xb2: {  	[dreg:$0x1] =	wrdreg $0xFFFFFFFF  }
0xb3: {  	[dreg:$0x0] =	wrdreg $0x60  }
0xb4: {  	[dreg:$0x2] =	wrdreg s24  }
0xb5: {  	[dreg:$0x3] =	wrdreg s17  }
0xb6: {  	[dreg:$0x4] =	wrdreg s16  }
0xb7: {  	[dreg:$0x5] =	wrdreg $0x9  }
0xb8: {  	_ =	task.clear_ibuf [dreg:s8], $0x6FFFF;
	_ =	strace $0x90000046  }
0xb9: {  	s29 =	simm.s32 $0x9;
	_ =	strace $0x80000048  }
0xba: {  	_ =	swait.ge [sflag:s29], $0x1  }
0xbb: {  	[sflag:s29] =	ssyncadd.s32 $0xFFFFFFFF  }
0xbc: {  	_ =	strace $0x90000048  }
0xbd: {  	_ =	sfence  }
0xbe: {  	s30 =	sld [smem:$0x0];
	_ =	sdelay $0x2  }
0xbf: {  	s31 =	sshll.u32 s1, $0xD;
	s1 =	sshrl.u32 s1, $0x2  }
0xc0: {  	s3 =	sand.u32 $0x4000, s31;
	s1 =	sadd.s32 s1, s30  }
0xc1: {  	s0 =	sor.u32 s3, s0;
	s1 =	sshll.u32 s1, $0x11  }
0xc2: {  	s0 =	sor.u32 s1, s0  }
0xc3: {  	s0 =	sadd.s32 $0x8F2B, s0  }
0xc4: {  	[sflag:s0] =	ssyncadd.remote.s32 $0x1  }
0xc5: {  	_ =	sfence.sel $0xFFFF  }
0xc6: {  	[dreg:$0x0] =	wrdreg $0xFFFFFFFF;
	(pc) =	sbr.abs _section_cstart, $3  }
0xc7: {  	[dreg:$0x1] =	wrdreg $0xFFFFFFFF  }
0xc8: {  	_ =	task.clear_ibuf [dreg:s8], $0x2FFFF;
	_ =	strace $0x9FFFFFFF  }
0xc9: {  	(tm) =	ssettm $0x7FFFFFFF  }
tec
execute0_lowered:
.L_overlay_start_1:
0x0: {  	(tag) =	ssettag $0x1  }
0x1: {  	s1 =	stileid.u32  }
0x2: {  	p0 =	sgt.u32 s1, $0x3  }
.Ltmp0:
0x3: {  	s5 =	rddreg [dreg:$0x0];
	(pc) =	sbr.rel @p0 .LBB2_5-.Ltmp0, $4  }
0x4: {  	s3 =	rddreg [dreg:$0x1]  }
0x5: {  	s4 =	rddreg [dreg:$0x2];
	s2 =	simm.s32 $0x0  }
0x6: {  	[smem:$0x7FF] =	sst s2  }
0x7: {  	s0 =	rddreg [dreg:$0x3];
	_ =	strace $0x80000047  }
0x8: {  	s6 =	srdreg.scid;
	v0 =	vlaneseq.u32  }
0x9: {  	s31 =	sshll.u32 s1, $0x5;
	v1 =	vimm.s32 $0x0;
	s16 =	sadd.s32 $0x3800, s5;
	s19 =	simm.s32 $0x1;
	v2 =	vor.u32 $0x10, v0  }
0xa: {  	s20 =	simm.s32 $0x3C00;
	s21 =	simm.s32 $0x3C80;
	s22 =	simm.s32 $0x3E80;
	v3 =	vor.u32 $0x20, v0;
	v4 =	vor.u32 $0x30, v0;
	v5 =	vor.u32 $0x40, v0  }
0xb: {  	s23 =	simm.s32 $0x2800;
	s24 =	simm.s32 $0x4080;
	s11 =	sand.u32 $0x1, s6;
	v6 =	vor.u32 $0x50, v0;
	v7 =	vor.u32 $0x60, v0;
	v8 =	vor.u32 $0x70, v0  }
0xc: {  	s25 =	simm.s32 $0x1400;
	v9 =	vor.u32 $0x80, v0;
	v10 =	vor.u32 $0x90, v0;
	v11 =	vor.u32 $0xA0, v0;
	s7 =	sshll.u32 s11, $0x4;
	s17 =	ssub.s32 $0x2, s11  }
0xd: {  	s26 =	simm.s32 $0x0;
	v12 =	vor.u32 $0xB0, v0;
	v13 =	vor.u32 $0xC0, v0;
	v14 =	vor.u32 $0xD0, v0;
	s15 =	sor.u32 s7, s31;
	s18 =	sshrl.u32 s17, $0x1  }
0xe: {  	v15 =	vor.u32 $0xE0, v0;
	v16 =	vor.u32 $0xF0, v0;
	v17 =	vor.u32 $0x100, v0;
	s14 =	sadd.s32 s15, s5;
	s3 =	sadd.s32 s3, s15;
	s4 =	sadd.s32 s4, s15  }
0xf: {  	v18 =	vor.u32 $0x110, v0;
	v19 =	vor.u32 $0x120, v0;
	v20 =	vor.u32 $0x130, v0;
	s17 =	ssub.s32 s17, s18;
	s15 =	sadd.s32 s16, s15;
	s18 =	simm.s32 $0x400  }
0x10: {  	v21 =	vor.u32 $0x140, v0;
	v22 =	vor.u32 $0x150, v0;
	v23 =	vor.u32 $0x160, v0;
	s5 =	sadd.s32 $0x4C00, s14;
	s6 =	sadd.s32 $0xB000, s14;
	s7 =	sadd.s32 $0x6000, s14  }
0x11: {  	v24 =	vor.u32 $0x170, v0;
	v25 =	vor.u32 $0x180, v0;
	v26 =	vor.u32 $0x190, v0;
	s8 =	sadd.s32 $0xB200, s14;
	s9 =	sadd.s32 $0x7400, s14;
	s10 =	sadd.s32 $0xB400, s14  }
0x12: {  	v27 =	vor.u32 $0x1A0, v0;
	v28 =	vor.u32 $0x1B0, v0;
	v29 =	vor.u32 $0x1C0, v0;
	s11 =	sadd.s32 $0x8800, s14;
	s12 =	sadd.s32 $0xB600, s14;
	s13 =	sadd.s32 $0x9C00, s14  }
0x13: {  	v30 =	vor.u32 $0x1D0, v0;
	v31 =	vor.u32 $0x1E0, v0;
	v32 =	vor.u32 $0x1F0, v0;
	s14 =	sadd.s32 $0xB800, s14;
	s16 =	smax.u32 s17, $0x1;
	s17 =	simm.s32 $0x80  }
.LBB2_2:
0x14: {  	s28 =	simm.s32 $0x0  }
0x15: {  	[tilespmem:s28], [sflag:$0x1] =	stream.strided.gather [hbm4b:s15+s17], $0x1400, s18, s17, $0x38;
	[tilespmem:$0x4280] =	vst v63  }
0x16: {  	_ =	swait.ge [sflag:s19], $0x1400  }
0x17: {  	[sflag:s19] =	ssyncset.done $0x0  }
0x18: {  	[sflag:s19] =	ssyncadd.s32 $0xFFFFEC00  }
0x19: {  	[tilespmem:s20], [sflag:$0x1] =	stream.linear.gather [hbm4b:s3+s28], $0x80, $0x38;
	[tilespmem:$0x4280] =	vst v63  }
0x1a: {  	_ =	swait.ge [sflag:s19], $0x80  }
0x1b: {  	[sflag:s19] =	ssyncset.done $0x0  }
0x1c: {  	[sflag:s19] =	ssyncadd.s32 $0xFFFFFF80  }
0x1d: {  	[tilespmem:$0x3C80] =	vst v1  }
0x1e: {  	[tilespmem:$0x3C90] =	vst v1  }
0x1f: {  	[tilespmem:$0x3CA0] =	vst v1  }
0x20: {  	[tilespmem:$0x3CB0] =	vst v1  }
0x21: {  	[tilespmem:$0x3CC0] =	vst v1  }
0x22: {  	[tilespmem:$0x3CD0] =	vst v1  }
0x23: {  	[tilespmem:$0x3CE0] =	vst v1  }
0x24: {  	[tilespmem:$0x3CF0] =	vst v1  }
0x25: {  	[tilespmem:$0x3D00] =	vst v1  }
0x26: {  	[tilespmem:$0x3D10] =	vst v1  }
0x27: {  	[tilespmem:$0x3D20] =	vst v1  }
0x28: {  	[tilespmem:$0x3D30] =	vst v1  }
0x29: {  	[tilespmem:$0x3D40] =	vst v1  }
0x2a: {  	[tilespmem:$0x3D50] =	vst v1  }
0x2b: {  	[tilespmem:$0x3D60] =	vst v1  }
0x2c: {  	[tilespmem:$0x3D70] =	vst v1  }
0x2d: {  	[tilespmem:$0x3D80] =	vst v1  }
0x2e: {  	[tilespmem:$0x3D90] =	vst v1  }
0x2f: {  	[tilespmem:$0x3DA0] =	vst v1  }
0x30: {  	[tilespmem:$0x3DB0] =	vst v1  }
0x31: {  	[tilespmem:$0x3DC0] =	vst v1  }
0x32: {  	[tilespmem:$0x3DD0] =	vst v1  }
0x33: {  	[tilespmem:$0x3DE0] =	vst v1  }
0x34: {  	[tilespmem:$0x3DF0] =	vst v1  }
0x35: {  	[tilespmem:$0x3E00] =	vst v1  }
0x36: {  	[tilespmem:$0x3E10] =	vst v1  }
0x37: {  	[tilespmem:$0x3E20] =	vst v1  }
0x38: {  	v33 =	vor.u32 s28, v0;
	[tilespmem:$0x3E30] =	vst v1  }
0x39: {  	[tilespmem:$0x3E40] =	vst v1  }
0x3a: {  	[tilespmem:$0x3E50] =	vst v1  }
0x3b: {  	[tilespmem:$0x3E60] =	vst v1  }
0x3c: {  	v34 =	vld [tilespmem:$0x3C00];
	[tilespmem:$0x3E70] =	vst v1  }
0x3d: {  	v35 =	vld.idx.msk [tilespmem:v33+s2+$0x0], $0xffff;
	_ =	sdelay $0x4  }
0x3e: {  	vm0 =	vge.f32 v35, v34  }
0x3f: {  	v35 =	vsel vm0, $0x1, v1  }
0x40: {  	(xrf0) =	vadd.scan.msk.s32 $0xffff, v35;
	_ =	sdelay $0x4  }
0x41: {  	v63 =	vsel vm0, $0xFFFFFFFF, v1  }
0x42: {  	v35 =	vadd.s32 s28, v63;
	v37, _, _ =	vpop (xrf0)  }
0x43: {  	s29 =	simm.s32 $0x10;
	v36 =	vadd.s32 v37, v35;
	(v2sf) =	vpush v37, $0xF  }
0x44: {  	v35 =	vor.u32 s29, v0;
	s29 =	simm.s32 $0x20  }
.LBB2_3:
0x45: {  	p0 =	sne.s32 s29, $0x13F0;
	_ =	sdelay $0x2  }
0x46: {  	[tilespmem:v36+s21+$0x0] =	vst.idx.msk vm0, v33;
	v33 =	vmov v35  }
0x47: {  	v35 =	vld.idx.msk [tilespmem:v35+s2+$0x0], $0xffff;
	_ =	sdelay $0x5  }
0x48: {  	vm0 =	vge.f32 v35, v34  }
0x49: {  	v35 =	vsel vm0, $0xFFFFFFFF, v1;
	v36 =	vsel vm0, $0x1, v1  }
0x4a: {  	(xrf0) =	vadd.scan.msk.s32 $0xffff, v36  }
0x4b: {  	s30 =	spop (v2sf)  }
0x4c: {  	s28 =	sadd.s32 s28, s30  }
0x4d: {  	v35 =	vadd.s32 s28, v35  }
.Ltmp1:
0x4e: {  	(pc) =	sbr.rel @p0 .LBB2_3-.Ltmp1, $4  }
0x4f: {  	_ = 	snop  }
0x50: {  	v37, _, _ =	vpop (xrf0)  }
0x51: {  	v36 =	vadd.s32 v37, v35;
	(v2sf) =	vpush v37, $0xF  }
0x52: {  	v35 =	vor.u32 s29, v0;
	s29 =	sadd.s32 $0x10, s29  }
0x53: {  	_ =	sdelay $0x4  }
0x54: {  	[tilespmem:v36+s21+$0x0] =	vst.idx.msk vm0, v33  }
0x55: {  	v33 =	vld.idx.msk [tilespmem:v35+s2+$0x0], $0xffff;
	_ =	sdelay $0x4  }
0x56: {  	vm7 =	vge.f32 v33, v34  }
0x57: {  	v33 =	vsel vm7, $0x1, v1  }
0x58: {  	(xrf0) =	vadd.scan.msk.s32 $0xffff, v33;
	_ =	sdelay $0x3  }
0x59: {  	s29 =	spop (v2sf)  }
0x5a: {  	v40 =	vsel vm7, $0xFFFFFFFF, v1;
	s28 =	sadd.s32 s28, s29  }
0x5b: {  	v41, _, _ =	vpop (xrf0);
	v33 =	vadd.s32 s28, v40  }
0x5c: {  	(v2sf) =	vpush v41, $0xF;
	v33 =	vadd.s32 v41, v33;
	_ =	sdelay $0x4  }
0x5d: {  	[tilespmem:v33+s21+$0x0] =	vst.idx.msk vm7, v35  }
0x5e: {  	v33 =	vld [tilespmem:$0x3C80];
	_ =	sdelay $0x6  }
0x5f: {  	v42 =	vld [tilespmem:$0x3C90]  }
0x60: {  	v35 =	vld.idx.msk [tilespmem:v33+s2+$0x0], $0xffff  }
0x61: {  	s31 =	spop (v2sf)  }
0x62: {  	s28 =	sadd.s32 s28, s31  }
0x63: {  	v33 =	vmov s28  }
0x64: {  	vm8 =	vgt.s32 v33, v0  }
0x65: {  	v35 =	vnsel vm8, $0xBF800000, v35  }
0x66: {  	v43 =	vld [tilespmem:$0x3CA0];
	[tilespmem:$0x3E80] =	vst v35  }
0x67: {  	v34 =	vld.idx.msk [tilespmem:v42+s2+$0x0], $0xffff;
	_ =	sdelay $0x3  }
0x68: {  	vm9 =	vgt.s32 v33, v2  }
0x69: {  	v34 =	vnsel vm9, $0xBF800000, v34  }
0x6a: {  	v44 =	vld [tilespmem:$0x3CB0];
	[tilespmem:$0x3E90] =	vst v34  }
0x6b: {  	v35 =	vld.idx.msk [tilespmem:v43+s2+$0x0], $0xffff;
	_ =	sdelay $0x3  }
0x6c: {  	vm10 =	vgt.s32 v33, v3  }
0x6d: {  	v35 =	vnsel vm10, $0xBF800000, v35  }
0x6e: {  	v45 =	vld [tilespmem:$0x3CC0];
	[tilespmem:$0x3EA0] =	vst v35  }
0x6f: {  	v34 =	vld.idx.msk [tilespmem:v44+s2+$0x0], $0xffff;
	_ =	sdelay $0x3  }
0x70: {  	vm11 =	vgt.s32 v33, v4  }
0x71: {  	v34 =	vnsel vm11, $0xBF800000, v34  }
0x72: {  	v46 =	vld [tilespmem:$0x3CD0];
	[tilespmem:$0x3EB0] =	vst v34  }
0x73: {  	v35 =	vld.idx.msk [tilespmem:v45+s2+$0x0], $0xffff;
	_ =	sdelay $0x3  }
0x74: {  	vm12 =	vgt.s32 v33, v5  }
0x75: {  	v35 =	vnsel vm12, $0xBF800000, v35  }
0x76: {  	v47 =	vld [tilespmem:$0x3CE0];
	[tilespmem:$0x3EC0] =	vst v35  }
0x77: {  	v34 =	vld.idx.msk [tilespmem:v46+s2+$0x0], $0xffff;
	_ =	sdelay $0x3  }
0x78: {  	vm13 =	vgt.s32 v33, v6  }
0x79: {  	v34 =	vnsel vm13, $0xBF800000, v34  }
0x7a: {  	v48 =	vld [tilespmem:$0x3CF0];
	[tilespmem:$0x3ED0] =	vst v34  }
0x7b: {  	v35 =	vld.idx.msk [tilespmem:v47+s2+$0x0], $0xffff;
	_ =	sdelay $0x3  }
0x7c: {  	vm14 =	vgt.s32 v33, v7  }
0x7d: {  	v35 =	vnsel vm14, $0xBF800000, v35  }
0x7e: {  	v49 =	vld [tilespmem:$0x3D00];
	[tilespmem:$0x3EE0] =	vst v35  }
0x7f: {  	v34 =	vld.idx.msk [tilespmem:v48+s2+$0x0], $0xffff;
	_ =	sdelay $0x3  }
0x80: {  	vm15 =	vgt.s32 v33, v8  }
0x81: {  	v34 =	vnsel vm15, $0xBF800000, v34  }
0x82: {  	v50 =	vld [tilespmem:$0x3D10];
	[tilespmem:$0x3EF0] =	vst v34  }
0x83: {  	v35 =	vld.idx.msk [tilespmem:v49+s2+$0x0], $0xffff;
	_ =	sdelay $0x3  }
0x84: {  	vm4 =	vgt.s32 v33, v9  }
0x85: {  	v35 =	vnsel vm4, $0xBF800000, v35  }
0x86: {  	v51 =	vld [tilespmem:$0x3D20];
	[tilespmem:$0x3F00] =	vst v35  }
0x87: {  	v34 =	vld.idx.msk [tilespmem:v50+s2+$0x0], $0xffff;
	_ =	sdelay $0x3  }
0x88: {  	vm5 =	vgt.s32 v33, v10  }
0x89: {  	v34 =	vnsel vm5, $0xBF800000, v34  }
0x8a: {  	v52 =	vld [tilespmem:$0x3D30];
	[tilespmem:$0x3F10] =	vst v34  }
0x8b: {  	v35 =	vld.idx.msk [tilespmem:v51+s2+$0x0], $0xffff;
	_ =	sdelay $0x3  }
0x8c: {  	vm6 =	vgt.s32 v33, v11  }
0x8d: {  	v35 =	vnsel vm6, $0xBF800000, v35  }
0x8e: {  	v53 =	vld [tilespmem:$0x3D40];
	[tilespmem:$0x3F20] =	vst v35  }
0x8f: {  	v34 =	vld.idx.msk [tilespmem:v52+s2+$0x0], $0xffff;
	_ =	sdelay $0x3  }
0x90: {  	vm7 =	vgt.s32 v33, v12  }
0x91: {  	v34 =	vnsel vm7, $0xBF800000, v34  }
0x92: {  	v54 =	vld [tilespmem:$0x3D50];
	[tilespmem:$0x3F30] =	vst v34  }
0x93: {  	v35 =	vld.idx.msk [tilespmem:v53+s2+$0x0], $0xffff;
	_ =	sdelay $0x3  }
0x94: {  	vm8 =	vgt.s32 v33, v13  }
0x95: {  	v35 =	vnsel vm8, $0xBF800000, v35  }
0x96: {  	v55 =	vld [tilespmem:$0x3D60];
	[tilespmem:$0x3F40] =	vst v35  }
0x97: {  	v34 =	vld.idx.msk [tilespmem:v54+s2+$0x0], $0xffff;
	_ =	sdelay $0x3  }
0x98: {  	vm9 =	vgt.s32 v33, v14  }
0x99: {  	v34 =	vnsel vm9, $0xBF800000, v34  }
0x9a: {  	v56 =	vld [tilespmem:$0x3D70];
	[tilespmem:$0x3F50] =	vst v34  }
0x9b: {  	v35 =	vld.idx.msk [tilespmem:v55+s2+$0x0], $0xffff;
	_ =	sdelay $0x3  }
0x9c: {  	vm10 =	vgt.s32 v33, v15  }
0x9d: {  	v35 =	vnsel vm10, $0xBF800000, v35  }
0x9e: {  	v57 =	vld [tilespmem:$0x3D80];
	[tilespmem:$0x3F60] =	vst v35  }
0x9f: {  	v34 =	vld.idx.msk [tilespmem:v56+s2+$0x0], $0xffff;
	_ =	sdelay $0x3  }
0xa0: {  	vm11 =	vgt.s32 v33, v16  }
0xa1: {  	v34 =	vnsel vm11, $0xBF800000, v34  }
0xa2: {  	v58 =	vld [tilespmem:$0x3D90];
	[tilespmem:$0x3F70] =	vst v34  }
0xa3: {  	v35 =	vld.idx.msk [tilespmem:v57+s2+$0x0], $0xffff;
	_ =	sdelay $0x3  }
0xa4: {  	vm12 =	vgt.s32 v33, v17  }
0xa5: {  	v35 =	vnsel vm12, $0xBF800000, v35  }
0xa6: {  	v59 =	vld [tilespmem:$0x3DA0];
	[tilespmem:$0x3F80] =	vst v35  }
0xa7: {  	v34 =	vld.idx.msk [tilespmem:v58+s2+$0x0], $0xffff;
	_ =	sdelay $0x3  }
0xa8: {  	vm13 =	vgt.s32 v33, v18  }
0xa9: {  	v34 =	vnsel vm13, $0xBF800000, v34  }
0xaa: {  	v60 =	vld [tilespmem:$0x3DB0];
	[tilespmem:$0x3F90] =	vst v34  }
0xab: {  	v35 =	vld.idx.msk [tilespmem:v59+s2+$0x0], $0xffff;
	_ =	sdelay $0x3  }
0xac: {  	vm14 =	vgt.s32 v33, v19  }
0xad: {  	v35 =	vnsel vm14, $0xBF800000, v35  }
0xae: {  	v61 =	vld [tilespmem:$0x3DC0];
	[tilespmem:$0x3FA0] =	vst v35  }
0xaf: {  	v34 =	vld.idx.msk [tilespmem:v60+s2+$0x0], $0xffff;
	_ =	sdelay $0x3  }
0xb0: {  	vm15 =	vgt.s32 v33, v20  }
0xb1: {  	v34 =	vnsel vm15, $0xBF800000, v34  }
0xb2: {  	v62 =	vld [tilespmem:$0x3DD0];
	[tilespmem:$0x3FB0] =	vst v34  }
0xb3: {  	v35 =	vld.idx.msk [tilespmem:v61+s2+$0x0], $0xffff;
	_ =	sdelay $0x3  }
0xb4: {  	vm4 =	vgt.s32 v33, v21  }
0xb5: {  	v35 =	vnsel vm4, $0xBF800000, v35  }
0xb6: {  	v63 =	vld [tilespmem:$0x3DE0];
	[tilespmem:$0x3FC0] =	vst v35  }
0xb7: {  	v34 =	vld.idx.msk [tilespmem:v62+s2+$0x0], $0xffff;
	_ =	sdelay $0x3  }
0xb8: {  	vm5 =	vgt.s32 v33, v22  }
0xb9: {  	v34 =	vnsel vm5, $0xBF800000, v34  }
0xba: {  	v36 =	vld [tilespmem:$0x3DF0];
	[tilespmem:$0x3FD0] =	vst v34  }
0xbb: {  	v35 =	vld.idx.msk [tilespmem:v63+s2+$0x0], $0xffff;
	_ =	sdelay $0x3  }
0xbc: {  	vm6 =	vgt.s32 v33, v23  }
0xbd: {  	v35 =	vnsel vm6, $0xBF800000, v35  }
0xbe: {  	v37 =	vld [tilespmem:$0x3E00];
	[tilespmem:$0x3FE0] =	vst v35  }
0xbf: {  	v34 =	vld.idx.msk [tilespmem:v36+s2+$0x0], $0xffff;
	_ =	sdelay $0x3  }
0xc0: {  	vm7 =	vgt.s32 v33, v24  }
0xc1: {  	v34 =	vnsel vm7, $0xBF800000, v34  }
0xc2: {  	v38 =	vld [tilespmem:$0x3E10];
	[tilespmem:$0x3FF0] =	vst v34  }
0xc3: {  	v35 =	vld.idx.msk [tilespmem:v37+s2+$0x0], $0xffff;
	_ =	sdelay $0x3  }
0xc4: {  	vm8 =	vgt.s32 v33, v25  }
0xc5: {  	v35 =	vnsel vm8, $0xBF800000, v35  }
0xc6: {  	v39 =	vld [tilespmem:$0x3E20];
	[tilespmem:$0x4000] =	vst v35  }
0xc7: {  	v34 =	vld.idx.msk [tilespmem:v38+s2+$0x0], $0xffff;
	_ =	sdelay $0x3  }
0xc8: {  	vm9 =	vgt.s32 v33, v26  }
0xc9: {  	v34 =	vnsel vm9, $0xBF800000, v34  }
0xca: {  	v40 =	vld [tilespmem:$0x3E30];
	[tilespmem:$0x4010] =	vst v34  }
0xcb: {  	v35 =	vld.idx.msk [tilespmem:v39+s2+$0x0], $0xffff;
	_ =	sdelay $0x3  }
0xcc: {  	vm10 =	vgt.s32 v33, v27  }
0xcd: {  	v35 =	vnsel vm10, $0xBF800000, v35  }
0xce: {  	v41 =	vld [tilespmem:$0x3E40];
	[tilespmem:$0x4020] =	vst v35  }
0xcf: {  	v34 =	vld.idx.msk [tilespmem:v40+s2+$0x0], $0xffff;
	_ =	sdelay $0x3  }
0xd0: {  	vm11 =	vgt.s32 v33, v28  }
0xd1: {  	v34 =	vnsel vm11, $0xBF800000, v34  }
0xd2: {  	v42 =	vld [tilespmem:$0x3E50];
	[tilespmem:$0x4030] =	vst v34  }
0xd3: {  	v35 =	vld.idx.msk [tilespmem:v41+s2+$0x0], $0xffff;
	_ =	sdelay $0x3  }
0xd4: {  	vm12 =	vgt.s32 v33, v29  }
0xd5: {  	v35 =	vnsel vm12, $0xBF800000, v35  }
0xd6: {  	v43 =	vld [tilespmem:$0x3E60];
	[tilespmem:$0x4040] =	vst v35  }
0xd7: {  	v34 =	vld.idx.msk [tilespmem:v42+s2+$0x0], $0xffff;
	_ =	sdelay $0x3  }
0xd8: {  	vm13 =	vgt.s32 v33, v30  }
0xd9: {  	v34 =	vnsel vm13, $0xBF800000, v34  }
0xda: {  	v44 =	vld [tilespmem:$0x3E70];
	[tilespmem:$0x4050] =	vst v34  }
0xdb: {  	v35 =	vld.idx.msk [tilespmem:v43+s2+$0x0], $0xffff;
	_ =	sdelay $0x3  }
0xdc: {  	vm14 =	vgt.s32 v33, v31  }
0xdd: {  	v35 =	vnsel vm14, $0xBF800000, v35  }
0xde: {  	[tilespmem:$0x4060] =	vst v35  }
0xdf: {  	v34 =	vld.idx.msk [tilespmem:v44+s2+$0x0], $0xffff;
	_ =	sdelay $0x3  }
0xe0: {  	vm15 =	vgt.s32 v33, v32  }
0xe1: {  	v33 =	vnsel vm15, $0xBF800000, v34  }
0xe2: {  	[tilespmem:$0x4070] =	vst v33  }
0xe3: {  	[hbm4b:s4+s17] =	stream.strided.scatter [tilespmem:s22], [sflag:$0x1], $0x200, s18, s17, $0x38;
	[tilespmem:$0x4280] =	vst v63  }
0xe4: {  	_ =	swait.ge [sflag:s19], $0x200  }
0xe5: {  	[sflag:s19] =	ssyncset.done $0x0  }
0xe6: {  	[sflag:s19] =	ssyncadd.s32 $0xFFFFFE00  }
0xe7: {  	[tilespmem:s23], [sflag:$0x1] =	stream.strided.gather [hbm4b:s5+s17], $0x1400, s18, s17, $0x38;
	[tilespmem:$0x4280] =	vst v63  }
0xe8: {  	_ =	swait.ge [sflag:s19], $0x1400  }
0xe9: {  	[sflag:s19] =	ssyncset.done $0x0  }
0xea: {  	[sflag:s19] =	ssyncadd.s32 $0xFFFFEC00  }
0xeb: {  	v45 =	vld [tilespmem:$0x3C80];
	_ =	sdelay $0x5  }
0xec: {  	v46 =	vld [tilespmem:$0x3C90];
	_ =	sdelay $0x1  }
0xed: {  	v33 =	vld.idx.msk [tilespmem:v45+s23+$0x0], $0xffff;
	_ =	sdelay $0x3  }
0xee: {  	v47 =	vld [tilespmem:$0x3CA0]  }
0xef: {  	[tilespmem:$0x4080] =	vst v33  }
0xf0: {  	v33 =	vld.idx.msk [tilespmem:v46+s23+$0x0], $0xffff;
	_ =	sdelay $0x4  }
0xf1: {  	[tilespmem:$0x4090] =	vst v33  }
0xf2: {  	v33 =	vld.idx.msk [tilespmem:v47+s23+$0x0], $0xffff  }
0xf3: {  	v48 =	vld [tilespmem:$0x3CB0];
	_ =	sdelay $0x5  }
0xf4: {  	v35 =	vld [tilespmem:$0x3CC0]  }
0xf5: {  	[tilespmem:$0x40A0] =	vst v33  }
0xf6: {  	v33 =	vld.idx.msk [tilespmem:v48+s23+$0x0], $0xffff;
	_ =	sdelay $0x3  }
0xf7: {  	v49 =	vld [tilespmem:$0x3CD0]  }
0xf8: {  	[tilespmem:$0x40B0] =	vst v33  }
0xf9: {  	v33 =	vld.idx.msk [tilespmem:v35+s23+$0x0], $0xffff;
	_ =	sdelay $0x3  }
0xfa: {  	v50 =	vld [tilespmem:$0x3CE0]  }
0xfb: {  	[tilespmem:$0x40C0] =	vst v33  }
0xfc: {  	v33 =	vld.idx.msk [tilespmem:v49+s23+$0x0], $0xffff;
	_ =	sdelay $0x3  }
0xfd: {  	v51 =	vld [tilespmem:$0x3CF0]  }
0xfe: {  	[tilespmem:$0x40D0] =	vst v33  }
0xff: {  	v33 =	vld.idx.msk [tilespmem:v50+s23+$0x0], $0xffff;
	_ =	sdelay $0x3  }
0x100: {  	v52 =	vld [tilespmem:$0x3D00]  }
0x101: {  	[tilespmem:$0x40E0] =	vst v33  }
0x102: {  	v33 =	vld.idx.msk [tilespmem:v51+s23+$0x0], $0xffff;
	_ =	sdelay $0x3  }
0x103: {  	v53 =	vld [tilespmem:$0x3D10]  }
0x104: {  	[tilespmem:$0x40F0] =	vst v33  }
0x105: {  	v33 =	vld.idx.msk [tilespmem:v52+s23+$0x0], $0xffff;
	_ =	sdelay $0x3  }
0x106: {  	v54 =	vld [tilespmem:$0x3D20]  }
0x107: {  	[tilespmem:$0x4100] =	vst v33  }
0x108: {  	v33 =	vld.idx.msk [tilespmem:v53+s23+$0x0], $0xffff;
	_ =	sdelay $0x3  }
0x109: {  	v55 =	vld [tilespmem:$0x3D30]  }
0x10a: {  	[tilespmem:$0x4110] =	vst v33  }
0x10b: {  	v33 =	vld.idx.msk [tilespmem:v54+s23+$0x0], $0xffff;
	_ =	sdelay $0x3  }
0x10c: {  	v56 =	vld [tilespmem:$0x3D40]  }
0x10d: {  	[tilespmem:$0x4120] =	vst v33  }
0x10e: {  	v33 =	vld.idx.msk [tilespmem:v55+s23+$0x0], $0xffff;
	_ =	sdelay $0x3  }
0x10f: {  	v57 =	vld [tilespmem:$0x3D50]  }
0x110: {  	[tilespmem:$0x4130] =	vst v33  }
0x111: {  	v33 =	vld.idx.msk [tilespmem:v56+s23+$0x0], $0xffff;
	_ =	sdelay $0x3  }
0x112: {  	v58 =	vld [tilespmem:$0x3D60]  }
0x113: {  	[tilespmem:$0x4140] =	vst v33  }
0x114: {  	v33 =	vld.idx.msk [tilespmem:v57+s23+$0x0], $0xffff;
	_ =	sdelay $0x3  }
0x115: {  	v59 =	vld [tilespmem:$0x3D70]  }
0x116: {  	[tilespmem:$0x4150] =	vst v33  }
0x117: {  	v33 =	vld.idx.msk [tilespmem:v58+s23+$0x0], $0xffff;
	_ =	sdelay $0x3  }
0x118: {  	v60 =	vld [tilespmem:$0x3D80]  }
0x119: {  	[tilespmem:$0x4160] =	vst v33  }
0x11a: {  	v33 =	vld.idx.msk [tilespmem:v59+s23+$0x0], $0xffff;
	_ =	sdelay $0x3  }
0x11b: {  	v61 =	vld [tilespmem:$0x3D90]  }
0x11c: {  	[tilespmem:$0x4170] =	vst v33  }
0x11d: {  	v33 =	vld.idx.msk [tilespmem:v60+s23+$0x0], $0xffff;
	_ =	sdelay $0x3  }
0x11e: {  	v62 =	vld [tilespmem:$0x3DA0]  }
0x11f: {  	[tilespmem:$0x4180] =	vst v33  }
0x120: {  	v33 =	vld.idx.msk [tilespmem:v61+s23+$0x0], $0xffff;
	_ =	sdelay $0x3  }
0x121: {  	v63 =	vld [tilespmem:$0x3DB0]  }
0x122: {  	[tilespmem:$0x4190] =	vst v33  }
0x123: {  	v33 =	vld.idx.msk [tilespmem:v62+s23+$0x0], $0xffff;
	_ =	sdelay $0x3  }
0x124: {  	v36 =	vld [tilespmem:$0x3DC0]  }
0x125: {  	[tilespmem:$0x41A0] =	vst v33  }
0x126: {  	v33 =	vld.idx.msk [tilespmem:v63+s23+$0x0], $0xffff;
	_ =	sdelay $0x3  }
0x127: {  	v37 =	vld [tilespmem:$0x3DD0]  }
0x128: {  	[tilespmem:$0x41B0] =	vst v33  }
0x129: {  	v33 =	vld.idx.msk [tilespmem:v36+s23+$0x0], $0xffff;
	_ =	sdelay $0x3  }
0x12a: {  	v38 =	vld [tilespmem:$0x3DE0]  }
0x12b: {  	[tilespmem:$0x41C0] =	vst v33  }
0x12c: {  	v33 =	vld.idx.msk [tilespmem:v37+s23+$0x0], $0xffff;
	_ =	sdelay $0x3  }
0x12d: {  	v39 =	vld [tilespmem:$0x3DF0]  }
0x12e: {  	[tilespmem:$0x41D0] =	vst v33  }
0x12f: {  	v33 =	vld.idx.msk [tilespmem:v38+s23+$0x0], $0xffff;
	_ =	sdelay $0x3  }
0x130: {  	v40 =	vld [tilespmem:$0x3E00]  }
0x131: {  	[tilespmem:$0x41E0] =	vst v33  }
0x132: {  	v33 =	vld.idx.msk [tilespmem:v39+s23+$0x0], $0xffff;
	_ =	sdelay $0x3  }
0x133: {  	v41 =	vld [tilespmem:$0x3E10]  }
0x134: {  	[tilespmem:$0x41F0] =	vst v33  }
0x135: {  	v33 =	vld.idx.msk [tilespmem:v40+s23+$0x0], $0xffff;
	_ =	sdelay $0x3  }
0x136: {  	v42 =	vld [tilespmem:$0x3E20]  }
0x137: {  	[tilespmem:$0x4200] =	vst v33  }
0x138: {  	v33 =	vld.idx.msk [tilespmem:v41+s23+$0x0], $0xffff;
	_ =	sdelay $0x3  }
0x139: {  	v43 =	vld [tilespmem:$0x3E30]  }
0x13a: {  	[tilespmem:$0x4210] =	vst v33  }
0x13b: {  	v33 =	vld.idx.msk [tilespmem:v42+s23+$0x0], $0xffff;
	_ =	sdelay $0x3  }
0x13c: {  	v44 =	vld [tilespmem:$0x3E40]  }
0x13d: {  	[tilespmem:$0x4220] =	vst v33  }
0x13e: {  	v33 =	vld.idx.msk [tilespmem:v43+s23+$0x0], $0xffff;
	_ =	sdelay $0x3  }
0x13f: {  	v45 =	vld [tilespmem:$0x3E50]  }
0x140: {  	[tilespmem:$0x4230] =	vst v33  }
0x141: {  	v33 =	vld.idx.msk [tilespmem:v44+s23+$0x0], $0xffff;
	_ =	sdelay $0x3  }
0x142: {  	v46 =	vld [tilespmem:$0x3E60]  }
0x143: {  	[tilespmem:$0x4240] =	vst v33  }
0x144: {  	v33 =	vld.idx.msk [tilespmem:v45+s23+$0x0], $0xffff;
	_ =	sdelay $0x3  }
0x145: {  	v47 =	vld [tilespmem:$0x3E70]  }
0x146: {  	[tilespmem:$0x4250] =	vst v33  }
0x147: {  	v33 =	vld.idx.msk [tilespmem:v46+s23+$0x0], $0xffff;
	_ =	sdelay $0x4  }
0x148: {  	[tilespmem:$0x4260] =	vst v33  }
0x149: {  	v33 =	vld.idx.msk [tilespmem:v47+s23+$0x0], $0xffff;
	_ =	sdelay $0x4  }
0x14a: {  	[tilespmem:$0x4270] =	vst v33  }
0x14b: {  	[hbm4b:s6+s17] =	stream.strided.scatter [tilespmem:s24], [sflag:$0x1], $0x200, s18, s17, $0x38;
	[tilespmem:$0x4280] =	vst v63  }
0x14c: {  	_ =	swait.ge [sflag:s19], $0x200  }
0x14d: {  	[sflag:s19] =	ssyncset.done $0x0  }
0x14e: {  	[sflag:s19] =	ssyncadd.s32 $0xFFFFFE00  }
0x14f: {  	[tilespmem:s25], [sflag:$0x1] =	stream.strided.gather [hbm4b:s7+s17], $0x1400, s18, s17, $0x38;
	[tilespmem:$0x4280] =	vst v63  }
0x150: {  	_ =	swait.ge [sflag:s19], $0x1400  }
0x151: {  	[sflag:s19] =	ssyncset.done $0x0  }
0x152: {  	[sflag:s19] =	ssyncadd.s32 $0xFFFFEC00  }
0x153: {  	v48 =	vld [tilespmem:$0x3C80];
	_ =	sdelay $0x5  }
0x154: {  	v49 =	vld [tilespmem:$0x3C90];
	_ =	sdelay $0x1  }
0x155: {  	v33 =	vld.idx.msk [tilespmem:v48+s25+$0x0], $0xffff;
	_ =	sdelay $0x3  }
0x156: {  	v50 =	vld [tilespmem:$0x3CA0]  }
0x157: {  	[tilespmem:$0x3E80] =	vst v33  }
0x158: {  	v33 =	vld.idx.msk [tilespmem:v49+s25+$0x0], $0xffff;
	_ =	sdelay $0x3  }
0x159: {  	v51 =	vld [tilespmem:$0x3CB0]  }
0x15a: {  	[tilespmem:$0x3E90] =	vst v33  }
0x15b: {  	v33 =	vld.idx.msk [tilespmem:v50+s25+$0x0], $0xffff;
	_ =	sdelay $0x3  }
0x15c: {  	v52 =	vld [tilespmem:$0x3CC0]  }
0x15d: {  	[tilespmem:$0x3EA0] =	vst v33  }
0x15e: {  	v33 =	vld.idx.msk [tilespmem:v51+s25+$0x0], $0xffff;
	_ =	sdelay $0x3  }
0x15f: {  	v53 =	vld [tilespmem:$0x3CD0]  }
0x160: {  	[tilespmem:$0x3EB0] =	vst v33  }
0x161: {  	v33 =	vld.idx.msk [tilespmem:v52+s25+$0x0], $0xffff;
	_ =	sdelay $0x3  }
0x162: {  	v54 =	vld [tilespmem:$0x3CE0]  }
0x163: {  	[tilespmem:$0x3EC0] =	vst v33  }
0x164: {  	v33 =	vld.idx.msk [tilespmem:v53+s25+$0x0], $0xffff;
	_ =	sdelay $0x3  }
0x165: {  	v55 =	vld [tilespmem:$0x3CF0]  }
0x166: {  	[tilespmem:$0x3ED0] =	vst v33  }
0x167: {  	v33 =	vld.idx.msk [tilespmem:v54+s25+$0x0], $0xffff;
	_ =	sdelay $0x3  }
0x168: {  	v56 =	vld [tilespmem:$0x3D00]  }
0x169: {  	[tilespmem:$0x3EE0] =	vst v33  }
0x16a: {  	v33 =	vld.idx.msk [tilespmem:v55+s25+$0x0], $0xffff;
	_ =	sdelay $0x3  }
0x16b: {  	v57 =	vld [tilespmem:$0x3D10]  }
0x16c: {  	[tilespmem:$0x3EF0] =	vst v33  }
0x16d: {  	v33 =	vld.idx.msk [tilespmem:v56+s25+$0x0], $0xffff;
	_ =	sdelay $0x3  }
0x16e: {  	v58 =	vld [tilespmem:$0x3D20]  }
0x16f: {  	[tilespmem:$0x3F00] =	vst v33  }
0x170: {  	v33 =	vld.idx.msk [tilespmem:v57+s25+$0x0], $0xffff;
	_ =	sdelay $0x3  }
0x171: {  	v59 =	vld [tilespmem:$0x3D30]  }
0x172: {  	[tilespmem:$0x3F10] =	vst v33  }
0x173: {  	v33 =	vld.idx.msk [tilespmem:v58+s25+$0x0], $0xffff;
	_ =	sdelay $0x3  }
0x174: {  	v60 =	vld [tilespmem:$0x3D40]  }
0x175: {  	[tilespmem:$0x3F20] =	vst v33  }
0x176: {  	v33 =	vld.idx.msk [tilespmem:v59+s25+$0x0], $0xffff;
	_ =	sdelay $0x3  }
0x177: {  	v61 =	vld [tilespmem:$0x3D50]  }
0x178: {  	[tilespmem:$0x3F30] =	vst v33  }
0x179: {  	v33 =	vld.idx.msk [tilespmem:v60+s25+$0x0], $0xffff;
	_ =	sdelay $0x3  }
0x17a: {  	v62 =	vld [tilespmem:$0x3D60]  }
0x17b: {  	[tilespmem:$0x3F40] =	vst v33  }
0x17c: {  	v33 =	vld.idx.msk [tilespmem:v61+s25+$0x0], $0xffff;
	_ =	sdelay $0x3  }
0x17d: {  	v63 =	vld [tilespmem:$0x3D70]  }
0x17e: {  	[tilespmem:$0x3F50] =	vst v33  }
0x17f: {  	v33 =	vld.idx.msk [tilespmem:v62+s25+$0x0], $0xffff;
	_ =	sdelay $0x3  }
0x180: {  	v36 =	vld [tilespmem:$0x3D80]  }
0x181: {  	[tilespmem:$0x3F60] =	vst v33  }
0x182: {  	v33 =	vld.idx.msk [tilespmem:v63+s25+$0x0], $0xffff;
	_ =	sdelay $0x3  }
0x183: {  	v37 =	vld [tilespmem:$0x3D90]  }
0x184: {  	[tilespmem:$0x3F70] =	vst v33  }
0x185: {  	v33 =	vld.idx.msk [tilespmem:v36+s25+$0x0], $0xffff;
	_ =	sdelay $0x3  }
0x186: {  	v38 =	vld [tilespmem:$0x3DA0]  }
0x187: {  	[tilespmem:$0x3F80] =	vst v33  }
0x188: {  	v33 =	vld.idx.msk [tilespmem:v37+s25+$0x0], $0xffff;
	_ =	sdelay $0x3  }
0x189: {  	v39 =	vld [tilespmem:$0x3DB0]  }
0x18a: {  	[tilespmem:$0x3F90] =	vst v33  }
0x18b: {  	v33 =	vld.idx.msk [tilespmem:v38+s25+$0x0], $0xffff;
	_ =	sdelay $0x3  }
0x18c: {  	v40 =	vld [tilespmem:$0x3DC0]  }
0x18d: {  	[tilespmem:$0x3FA0] =	vst v33  }
0x18e: {  	v33 =	vld.idx.msk [tilespmem:v39+s25+$0x0], $0xffff;
	_ =	sdelay $0x3  }
0x18f: {  	v41 =	vld [tilespmem:$0x3DD0]  }
0x190: {  	[tilespmem:$0x3FB0] =	vst v33  }
0x191: {  	v33 =	vld.idx.msk [tilespmem:v40+s25+$0x0], $0xffff;
	_ =	sdelay $0x3  }
0x192: {  	v42 =	vld [tilespmem:$0x3DE0]  }
0x193: {  	[tilespmem:$0x3FC0] =	vst v33  }
0x194: {  	v33 =	vld.idx.msk [tilespmem:v41+s25+$0x0], $0xffff;
	_ =	sdelay $0x3  }
0x195: {  	v43 =	vld [tilespmem:$0x3DF0]  }
0x196: {  	[tilespmem:$0x3FD0] =	vst v33  }
0x197: {  	v33 =	vld.idx.msk [tilespmem:v42+s25+$0x0], $0xffff;
	_ =	sdelay $0x3  }
0x198: {  	v44 =	vld [tilespmem:$0x3E00]  }
0x199: {  	[tilespmem:$0x3FE0] =	vst v33  }
0x19a: {  	v33 =	vld.idx.msk [tilespmem:v43+s25+$0x0], $0xffff;
	_ =	sdelay $0x3  }
0x19b: {  	v45 =	vld [tilespmem:$0x3E10]  }
0x19c: {  	[tilespmem:$0x3FF0] =	vst v33  }
0x19d: {  	v33 =	vld.idx.msk [tilespmem:v44+s25+$0x0], $0xffff;
	_ =	sdelay $0x3  }
0x19e: {  	v46 =	vld [tilespmem:$0x3E20]  }
0x19f: {  	[tilespmem:$0x4000] =	vst v33  }
0x1a0: {  	v33 =	vld.idx.msk [tilespmem:v45+s25+$0x0], $0xffff;
	_ =	sdelay $0x3  }
0x1a1: {  	v47 =	vld [tilespmem:$0x3E30]  }
0x1a2: {  	[tilespmem:$0x4010] =	vst v33  }
0x1a3: {  	v33 =	vld.idx.msk [tilespmem:v46+s25+$0x0], $0xffff;
	_ =	sdelay $0x3  }
0x1a4: {  	v48 =	vld [tilespmem:$0x3E40]  }
0x1a5: {  	[tilespmem:$0x4020] =	vst v33  }
0x1a6: {  	v33 =	vld.idx.msk [tilespmem:v47+s25+$0x0], $0xffff;
	_ =	sdelay $0x3  }
0x1a7: {  	v49 =	vld [tilespmem:$0x3E50]  }
0x1a8: {  	[tilespmem:$0x4030] =	vst v33  }
0x1a9: {  	v33 =	vld.idx.msk [tilespmem:v48+s25+$0x0], $0xffff;
	_ =	sdelay $0x3  }
0x1aa: {  	v50 =	vld [tilespmem:$0x3E60]  }
0x1ab: {  	[tilespmem:$0x4040] =	vst v33  }
0x1ac: {  	v33 =	vld.idx.msk [tilespmem:v49+s25+$0x0], $0xffff;
	_ =	sdelay $0x3  }
0x1ad: {  	v51 =	vld [tilespmem:$0x3E70]  }
0x1ae: {  	[tilespmem:$0x4050] =	vst v33  }
0x1af: {  	v33 =	vld.idx.msk [tilespmem:v50+s25+$0x0], $0xffff;
	_ =	sdelay $0x4  }
0x1b0: {  	[tilespmem:$0x4060] =	vst v33  }
0x1b1: {  	v33 =	vld.idx.msk [tilespmem:v51+s25+$0x0], $0xffff;
	_ =	sdelay $0x4  }
0x1b2: {  	[tilespmem:$0x4070] =	vst v33  }
0x1b3: {  	[hbm4b:s8+s17] =	stream.strided.scatter [tilespmem:s22], [sflag:$0x1], $0x200, s18, s17, $0x38;
	[tilespmem:$0x4280] =	vst v63  }
0x1b4: {  	_ =	swait.ge [sflag:s19], $0x200  }
0x1b5: {  	[sflag:s19] =	ssyncset.done $0x0  }
0x1b6: {  	[sflag:s19] =	ssyncadd.s32 $0xFFFFFE00  }
0x1b7: {  	[tilespmem:s25], [sflag:$0x1] =	stream.strided.gather [hbm4b:s9+s17], $0x1400, s18, s17, $0x38;
	[tilespmem:$0x4280] =	vst v63  }
0x1b8: {  	_ =	swait.ge [sflag:s19], $0x1400  }
0x1b9: {  	[sflag:s19] =	ssyncset.done $0x0  }
0x1ba: {  	[sflag:s19] =	ssyncadd.s32 $0xFFFFEC00  }
0x1bb: {  	v52 =	vld [tilespmem:$0x3C80];
	_ =	sdelay $0x5  }
0x1bc: {  	v53 =	vld [tilespmem:$0x3C90];
	_ =	sdelay $0x1  }
0x1bd: {  	v33 =	vld.idx.msk [tilespmem:v52+s25+$0x0], $0xffff;
	_ =	sdelay $0x3  }
0x1be: {  	v54 =	vld [tilespmem:$0x3CA0]  }
0x1bf: {  	[tilespmem:$0x3E80] =	vst v33  }
0x1c0: {  	v33 =	vld.idx.msk [tilespmem:v53+s25+$0x0], $0xffff;
	_ =	sdelay $0x3  }
0x1c1: {  	v55 =	vld [tilespmem:$0x3CB0]  }
0x1c2: {  	[tilespmem:$0x3E90] =	vst v33  }
0x1c3: {  	v33 =	vld.idx.msk [tilespmem:v54+s25+$0x0], $0xffff;
	_ =	sdelay $0x3  }
0x1c4: {  	v56 =	vld [tilespmem:$0x3CC0]  }
0x1c5: {  	[tilespmem:$0x3EA0] =	vst v33  }
0x1c6: {  	v33 =	vld.idx.msk [tilespmem:v55+s25+$0x0], $0xffff;
	_ =	sdelay $0x3  }
0x1c7: {  	v57 =	vld [tilespmem:$0x3CD0]  }
0x1c8: {  	[tilespmem:$0x3EB0] =	vst v33  }
0x1c9: {  	v33 =	vld.idx.msk [tilespmem:v56+s25+$0x0], $0xffff;
	_ =	sdelay $0x3  }
0x1ca: {  	v58 =	vld [tilespmem:$0x3CE0]  }
0x1cb: {  	[tilespmem:$0x3EC0] =	vst v33  }
0x1cc: {  	v33 =	vld.idx.msk [tilespmem:v57+s25+$0x0], $0xffff;
	_ =	sdelay $0x3  }
0x1cd: {  	v59 =	vld [tilespmem:$0x3CF0]  }
0x1ce: {  	[tilespmem:$0x3ED0] =	vst v33  }
0x1cf: {  	v33 =	vld.idx.msk [tilespmem:v58+s25+$0x0], $0xffff;
	_ =	sdelay $0x3  }
0x1d0: {  	v60 =	vld [tilespmem:$0x3D00]  }
0x1d1: {  	[tilespmem:$0x3EE0] =	vst v33  }
0x1d2: {  	v33 =	vld.idx.msk [tilespmem:v59+s25+$0x0], $0xffff;
	_ =	sdelay $0x3  }
0x1d3: {  	v61 =	vld [tilespmem:$0x3D10]  }
0x1d4: {  	[tilespmem:$0x3EF0] =	vst v33  }
0x1d5: {  	v33 =	vld.idx.msk [tilespmem:v60+s25+$0x0], $0xffff;
	_ =	sdelay $0x3  }
0x1d6: {  	v62 =	vld [tilespmem:$0x3D20]  }
0x1d7: {  	[tilespmem:$0x3F00] =	vst v33  }
0x1d8: {  	v33 =	vld.idx.msk [tilespmem:v61+s25+$0x0], $0xffff;
	_ =	sdelay $0x3  }
0x1d9: {  	v63 =	vld [tilespmem:$0x3D30]  }
0x1da: {  	[tilespmem:$0x3F10] =	vst v33  }
0x1db: {  	v33 =	vld.idx.msk [tilespmem:v62+s25+$0x0], $0xffff;
	_ =	sdelay $0x3  }
0x1dc: {  	v36 =	vld [tilespmem:$0x3D40]  }
0x1dd: {  	[tilespmem:$0x3F20] =	vst v33  }
0x1de: {  	v33 =	vld.idx.msk [tilespmem:v63+s25+$0x0], $0xffff;
	_ =	sdelay $0x3  }
0x1df: {  	v37 =	vld [tilespmem:$0x3D50]  }
0x1e0: {  	[tilespmem:$0x3F30] =	vst v33  }
0x1e1: {  	v33 =	vld.idx.msk [tilespmem:v36+s25+$0x0], $0xffff;
	_ =	sdelay $0x3  }
0x1e2: {  	v38 =	vld [tilespmem:$0x3D60]  }
0x1e3: {  	[tilespmem:$0x3F40] =	vst v33  }
0x1e4: {  	v33 =	vld.idx.msk [tilespmem:v37+s25+$0x0], $0xffff;
	_ =	sdelay $0x3  }
0x1e5: {  	v39 =	vld [tilespmem:$0x3D70]  }
0x1e6: {  	[tilespmem:$0x3F50] =	vst v33  }
0x1e7: {  	v33 =	vld.idx.msk [tilespmem:v38+s25+$0x0], $0xffff;
	_ =	sdelay $0x3  }
0x1e8: {  	v40 =	vld [tilespmem:$0x3D80]  }
0x1e9: {  	[tilespmem:$0x3F60] =	vst v33  }
0x1ea: {  	v33 =	vld.idx.msk [tilespmem:v39+s25+$0x0], $0xffff;
	_ =	sdelay $0x3  }
0x1eb: {  	v41 =	vld [tilespmem:$0x3D90]  }
0x1ec: {  	[tilespmem:$0x3F70] =	vst v33  }
0x1ed: {  	v33 =	vld.idx.msk [tilespmem:v40+s25+$0x0], $0xffff;
	_ =	sdelay $0x3  }
0x1ee: {  	v42 =	vld [tilespmem:$0x3DA0]  }
0x1ef: {  	[tilespmem:$0x3F80] =	vst v33  }
0x1f0: {  	v33 =	vld.idx.msk [tilespmem:v41+s25+$0x0], $0xffff;
	_ =	sdelay $0x3  }
0x1f1: {  	v43 =	vld [tilespmem:$0x3DB0]  }
0x1f2: {  	[tilespmem:$0x3F90] =	vst v33  }
0x1f3: {  	v33 =	vld.idx.msk [tilespmem:v42+s25+$0x0], $0xffff;
	_ =	sdelay $0x3  }
0x1f4: {  	v44 =	vld [tilespmem:$0x3DC0]  }
0x1f5: {  	[tilespmem:$0x3FA0] =	vst v33  }
0x1f6: {  	v33 =	vld.idx.msk [tilespmem:v43+s25+$0x0], $0xffff;
	_ =	sdelay $0x3  }
0x1f7: {  	v45 =	vld [tilespmem:$0x3DD0]  }
0x1f8: {  	[tilespmem:$0x3FB0] =	vst v33  }
0x1f9: {  	v33 =	vld.idx.msk [tilespmem:v44+s25+$0x0], $0xffff;
	_ =	sdelay $0x3  }
0x1fa: {  	v46 =	vld [tilespmem:$0x3DE0]  }
0x1fb: {  	[tilespmem:$0x3FC0] =	vst v33  }
0x1fc: {  	v33 =	vld.idx.msk [tilespmem:v45+s25+$0x0], $0xffff;
	_ =	sdelay $0x3  }
0x1fd: {  	v47 =	vld [tilespmem:$0x3DF0]  }
0x1fe: {  	[tilespmem:$0x3FD0] =	vst v33  }
0x1ff: {  	v33 =	vld.idx.msk [tilespmem:v46+s25+$0x0], $0xffff;
	_ =	sdelay $0x3  }
0x200: {  	v48 =	vld [tilespmem:$0x3E00]  }
0x201: {  	[tilespmem:$0x3FE0] =	vst v33  }
0x202: {  	v33 =	vld.idx.msk [tilespmem:v47+s25+$0x0], $0xffff;
	_ =	sdelay $0x3  }
0x203: {  	v49 =	vld [tilespmem:$0x3E10]  }
0x204: {  	[tilespmem:$0x3FF0] =	vst v33  }
0x205: {  	v33 =	vld.idx.msk [tilespmem:v48+s25+$0x0], $0xffff;
	_ =	sdelay $0x3  }
0x206: {  	v50 =	vld [tilespmem:$0x3E20]  }
0x207: {  	[tilespmem:$0x4000] =	vst v33  }
0x208: {  	v33 =	vld.idx.msk [tilespmem:v49+s25+$0x0], $0xffff;
	_ =	sdelay $0x3  }
0x209: {  	v51 =	vld [tilespmem:$0x3E30]  }
0x20a: {  	[tilespmem:$0x4010] =	vst v33  }
0x20b: {  	v33 =	vld.idx.msk [tilespmem:v50+s25+$0x0], $0xffff;
	_ =	sdelay $0x3  }
0x20c: {  	v52 =	vld [tilespmem:$0x3E40]  }
0x20d: {  	[tilespmem:$0x4020] =	vst v33  }
0x20e: {  	v33 =	vld.idx.msk [tilespmem:v51+s25+$0x0], $0xffff;
	_ =	sdelay $0x3  }
0x20f: {  	v53 =	vld [tilespmem:$0x3E50]  }
0x210: {  	[tilespmem:$0x4030] =	vst v33  }
0x211: {  	v33 =	vld.idx.msk [tilespmem:v52+s25+$0x0], $0xffff;
	_ =	sdelay $0x3  }
0x212: {  	v54 =	vld [tilespmem:$0x3E60]  }
0x213: {  	[tilespmem:$0x4040] =	vst v33  }
0x214: {  	v33 =	vld.idx.msk [tilespmem:v53+s25+$0x0], $0xffff;
	_ =	sdelay $0x3  }
0x215: {  	v55 =	vld [tilespmem:$0x3E70]  }
0x216: {  	[tilespmem:$0x4050] =	vst v33  }
0x217: {  	v33 =	vld.idx.msk [tilespmem:v54+s25+$0x0], $0xffff;
	_ =	sdelay $0x4  }
0x218: {  	[tilespmem:$0x4060] =	vst v33  }
0x219: {  	v33 =	vld.idx.msk [tilespmem:v55+s25+$0x0], $0xffff;
	_ =	sdelay $0x4  }
0x21a: {  	[tilespmem:$0x4070] =	vst v33  }
0x21b: {  	[hbm4b:s10+s17] =	stream.strided.scatter [tilespmem:s22], [sflag:$0x1], $0x200, s18, s17, $0x38;
	[tilespmem:$0x4280] =	vst v63  }
0x21c: {  	_ =	swait.ge [sflag:s19], $0x200  }
0x21d: {  	[sflag:s19] =	ssyncset.done $0x0  }
0x21e: {  	[sflag:s19] =	ssyncadd.s32 $0xFFFFFE00  }
0x21f: {  	[tilespmem:s25], [sflag:$0x1] =	stream.strided.gather [hbm4b:s11+s17], $0x1400, s18, s17, $0x38;
	[tilespmem:$0x4280] =	vst v63  }
0x220: {  	_ =	swait.ge [sflag:s19], $0x1400  }
0x221: {  	[sflag:s19] =	ssyncset.done $0x0  }
0x222: {  	[sflag:s19] =	ssyncadd.s32 $0xFFFFEC00  }
0x223: {  	v56 =	vld [tilespmem:$0x3C80];
	_ =	sdelay $0x5  }
0x224: {  	v57 =	vld [tilespmem:$0x3C90];
	_ =	sdelay $0x1  }
0x225: {  	v33 =	vld.idx.msk [tilespmem:v56+s25+$0x0], $0xffff;
	_ =	sdelay $0x3  }
0x226: {  	v58 =	vld [tilespmem:$0x3CA0]  }
0x227: {  	[tilespmem:$0x3E80] =	vst v33  }
0x228: {  	v33 =	vld.idx.msk [tilespmem:v57+s25+$0x0], $0xffff;
	_ =	sdelay $0x3  }
0x229: {  	v59 =	vld [tilespmem:$0x3CB0]  }
0x22a: {  	[tilespmem:$0x3E90] =	vst v33  }
0x22b: {  	v33 =	vld.idx.msk [tilespmem:v58+s25+$0x0], $0xffff;
	_ =	sdelay $0x3  }
0x22c: {  	v60 =	vld [tilespmem:$0x3CC0]  }
0x22d: {  	[tilespmem:$0x3EA0] =	vst v33  }
0x22e: {  	v33 =	vld.idx.msk [tilespmem:v59+s25+$0x0], $0xffff;
	_ =	sdelay $0x3  }
0x22f: {  	v61 =	vld [tilespmem:$0x3CD0]  }
0x230: {  	[tilespmem:$0x3EB0] =	vst v33  }
0x231: {  	v33 =	vld.idx.msk [tilespmem:v60+s25+$0x0], $0xffff;
	_ =	sdelay $0x3  }
0x232: {  	v62 =	vld [tilespmem:$0x3CE0]  }
0x233: {  	[tilespmem:$0x3EC0] =	vst v33  }
0x234: {  	v33 =	vld.idx.msk [tilespmem:v61+s25+$0x0], $0xffff;
	_ =	sdelay $0x3  }
0x235: {  	v63 =	vld [tilespmem:$0x3CF0]  }
0x236: {  	[tilespmem:$0x3ED0] =	vst v33  }
0x237: {  	v33 =	vld.idx.msk [tilespmem:v62+s25+$0x0], $0xffff;
	_ =	sdelay $0x3  }
0x238: {  	v36 =	vld [tilespmem:$0x3D00]  }
0x239: {  	[tilespmem:$0x3EE0] =	vst v33  }
0x23a: {  	v33 =	vld.idx.msk [tilespmem:v63+s25+$0x0], $0xffff;
	_ =	sdelay $0x3  }
0x23b: {  	v37 =	vld [tilespmem:$0x3D10]  }
0x23c: {  	[tilespmem:$0x3EF0] =	vst v33  }
0x23d: {  	v33 =	vld.idx.msk [tilespmem:v36+s25+$0x0], $0xffff;
	_ =	sdelay $0x3  }
0x23e: {  	v38 =	vld [tilespmem:$0x3D20]  }
0x23f: {  	[tilespmem:$0x3F00] =	vst v33  }
0x240: {  	v33 =	vld.idx.msk [tilespmem:v37+s25+$0x0], $0xffff;
	_ =	sdelay $0x3  }
0x241: {  	v39 =	vld [tilespmem:$0x3D30]  }
0x242: {  	[tilespmem:$0x3F10] =	vst v33  }
0x243: {  	v33 =	vld.idx.msk [tilespmem:v38+s25+$0x0], $0xffff;
	_ =	sdelay $0x3  }
0x244: {  	v40 =	vld [tilespmem:$0x3D40]  }
0x245: {  	[tilespmem:$0x3F20] =	vst v33  }
0x246: {  	v33 =	vld.idx.msk [tilespmem:v39+s25+$0x0], $0xffff;
	_ =	sdelay $0x3  }
0x247: {  	v41 =	vld [tilespmem:$0x3D50]  }
0x248: {  	[tilespmem:$0x3F30] =	vst v33  }
0x249: {  	v33 =	vld.idx.msk [tilespmem:v40+s25+$0x0], $0xffff;
	_ =	sdelay $0x3  }
0x24a: {  	v42 =	vld [tilespmem:$0x3D60]  }
0x24b: {  	[tilespmem:$0x3F40] =	vst v33  }
0x24c: {  	v33 =	vld.idx.msk [tilespmem:v41+s25+$0x0], $0xffff;
	_ =	sdelay $0x3  }
0x24d: {  	v43 =	vld [tilespmem:$0x3D70]  }
0x24e: {  	[tilespmem:$0x3F50] =	vst v33  }
0x24f: {  	v33 =	vld.idx.msk [tilespmem:v42+s25+$0x0], $0xffff;
	_ =	sdelay $0x3  }
0x250: {  	v44 =	vld [tilespmem:$0x3D80]  }
0x251: {  	[tilespmem:$0x3F60] =	vst v33  }
0x252: {  	v33 =	vld.idx.msk [tilespmem:v43+s25+$0x0], $0xffff;
	_ =	sdelay $0x3  }
0x253: {  	v45 =	vld [tilespmem:$0x3D90]  }
0x254: {  	[tilespmem:$0x3F70] =	vst v33  }
0x255: {  	v33 =	vld.idx.msk [tilespmem:v44+s25+$0x0], $0xffff;
	_ =	sdelay $0x3  }
0x256: {  	v46 =	vld [tilespmem:$0x3DA0]  }
0x257: {  	[tilespmem:$0x3F80] =	vst v33  }
0x258: {  	v33 =	vld.idx.msk [tilespmem:v45+s25+$0x0], $0xffff;
	_ =	sdelay $0x3  }
0x259: {  	v47 =	vld [tilespmem:$0x3DB0]  }
0x25a: {  	[tilespmem:$0x3F90] =	vst v33  }
0x25b: {  	v33 =	vld.idx.msk [tilespmem:v46+s25+$0x0], $0xffff;
	_ =	sdelay $0x3  }
0x25c: {  	v48 =	vld [tilespmem:$0x3DC0]  }
0x25d: {  	[tilespmem:$0x3FA0] =	vst v33  }
0x25e: {  	v33 =	vld.idx.msk [tilespmem:v47+s25+$0x0], $0xffff;
	_ =	sdelay $0x3  }
0x25f: {  	v49 =	vld [tilespmem:$0x3DD0]  }
0x260: {  	[tilespmem:$0x3FB0] =	vst v33  }
0x261: {  	v33 =	vld.idx.msk [tilespmem:v48+s25+$0x0], $0xffff;
	_ =	sdelay $0x3  }
0x262: {  	v50 =	vld [tilespmem:$0x3DE0]  }
0x263: {  	[tilespmem:$0x3FC0] =	vst v33  }
0x264: {  	v33 =	vld.idx.msk [tilespmem:v49+s25+$0x0], $0xffff;
	_ =	sdelay $0x3  }
0x265: {  	v51 =	vld [tilespmem:$0x3DF0]  }
0x266: {  	[tilespmem:$0x3FD0] =	vst v33  }
0x267: {  	v33 =	vld.idx.msk [tilespmem:v50+s25+$0x0], $0xffff;
	_ =	sdelay $0x3  }
0x268: {  	v52 =	vld [tilespmem:$0x3E00]  }
0x269: {  	[tilespmem:$0x3FE0] =	vst v33  }
0x26a: {  	v33 =	vld.idx.msk [tilespmem:v51+s25+$0x0], $0xffff;
	_ =	sdelay $0x3  }
0x26b: {  	v53 =	vld [tilespmem:$0x3E10]  }
0x26c: {  	[tilespmem:$0x3FF0] =	vst v33  }
0x26d: {  	v33 =	vld.idx.msk [tilespmem:v52+s25+$0x0], $0xffff;
	_ =	sdelay $0x3  }
0x26e: {  	v54 =	vld [tilespmem:$0x3E20]  }
0x26f: {  	[tilespmem:$0x4000] =	vst v33  }
0x270: {  	v33 =	vld.idx.msk [tilespmem:v53+s25+$0x0], $0xffff;
	_ =	sdelay $0x3  }
0x271: {  	v55 =	vld [tilespmem:$0x3E30]  }
0x272: {  	[tilespmem:$0x4010] =	vst v33  }
0x273: {  	v33 =	vld.idx.msk [tilespmem:v54+s25+$0x0], $0xffff;
	_ =	sdelay $0x3  }
0x274: {  	v56 =	vld [tilespmem:$0x3E40]  }
0x275: {  	[tilespmem:$0x4020] =	vst v33  }
0x276: {  	v33 =	vld.idx.msk [tilespmem:v55+s25+$0x0], $0xffff;
	_ =	sdelay $0x3  }
0x277: {  	v57 =	vld [tilespmem:$0x3E50]  }
0x278: {  	[tilespmem:$0x4030] =	vst v33  }
0x279: {  	v33 =	vld.idx.msk [tilespmem:v56+s25+$0x0], $0xffff;
	_ =	sdelay $0x3  }
0x27a: {  	v58 =	vld [tilespmem:$0x3E60]  }
0x27b: {  	[tilespmem:$0x4040] =	vst v33  }
0x27c: {  	v33 =	vld.idx.msk [tilespmem:v57+s25+$0x0], $0xffff;
	_ =	sdelay $0x3  }
0x27d: {  	v59 =	vld [tilespmem:$0x3E70]  }
0x27e: {  	[tilespmem:$0x4050] =	vst v33  }
0x27f: {  	v33 =	vld.idx.msk [tilespmem:v58+s25+$0x0], $0xffff;
	_ =	sdelay $0x4  }
0x280: {  	[tilespmem:$0x4060] =	vst v33  }
0x281: {  	v33 =	vld.idx.msk [tilespmem:v59+s25+$0x0], $0xffff;
	_ =	sdelay $0x4  }
0x282: {  	[tilespmem:$0x4070] =	vst v33  }
0x283: {  	[hbm4b:s12+s17] =	stream.strided.scatter [tilespmem:s22], [sflag:$0x1], $0x200, s18, s17, $0x38;
	[tilespmem:$0x4280] =	vst v63  }
0x284: {  	_ =	swait.ge [sflag:s19], $0x200  }
0x285: {  	[sflag:s19] =	ssyncset.done $0x0  }
0x286: {  	[sflag:s19] =	ssyncadd.s32 $0xFFFFFE00  }
0x287: {  	[tilespmem:s25], [sflag:$0x1] =	stream.strided.gather [hbm4b:s13+s17], $0x1400, s18, s17, $0x38;
	[tilespmem:$0x4280] =	vst v63  }
0x288: {  	_ =	swait.ge [sflag:s19], $0x1400  }
0x289: {  	[sflag:s19] =	ssyncset.done $0x0  }
0x28a: {  	[sflag:s19] =	ssyncadd.s32 $0xFFFFEC00  }
0x28b: {  	v60 =	vld [tilespmem:$0x3C80];
	_ =	sdelay $0x5  }
0x28c: {  	v61 =	vld [tilespmem:$0x3C90];
	_ =	sdelay $0x1  }
0x28d: {  	v33 =	vld.idx.msk [tilespmem:v60+s25+$0x0], $0xffff;
	_ =	sdelay $0x3  }
0x28e: {  	v62 =	vld [tilespmem:$0x3CA0]  }
0x28f: {  	[tilespmem:$0x3E80] =	vst v33  }
0x290: {  	v33 =	vld.idx.msk [tilespmem:v61+s25+$0x0], $0xffff;
	_ =	sdelay $0x3  }
0x291: {  	v63 =	vld [tilespmem:$0x3CB0]  }
0x292: {  	[tilespmem:$0x3E90] =	vst v33  }
0x293: {  	v33 =	vld.idx.msk [tilespmem:v62+s25+$0x0], $0xffff;
	_ =	sdelay $0x3  }
0x294: {  	v36 =	vld [tilespmem:$0x3CC0]  }
0x295: {  	[tilespmem:$0x3EA0] =	vst v33  }
0x296: {  	v33 =	vld.idx.msk [tilespmem:v63+s25+$0x0], $0xffff;
	_ =	sdelay $0x3  }
0x297: {  	v37 =	vld [tilespmem:$0x3CD0]  }
0x298: {  	[tilespmem:$0x3EB0] =	vst v33  }
0x299: {  	v33 =	vld.idx.msk [tilespmem:v36+s25+$0x0], $0xffff;
	_ =	sdelay $0x3  }
0x29a: {  	v38 =	vld [tilespmem:$0x3CE0]  }
0x29b: {  	[tilespmem:$0x3EC0] =	vst v33  }
0x29c: {  	v33 =	vld.idx.msk [tilespmem:v37+s25+$0x0], $0xffff;
	_ =	sdelay $0x3  }
0x29d: {  	v39 =	vld [tilespmem:$0x3CF0]  }
0x29e: {  	[tilespmem:$0x3ED0] =	vst v33  }
0x29f: {  	v33 =	vld.idx.msk [tilespmem:v38+s25+$0x0], $0xffff;
	_ =	sdelay $0x3  }
0x2a0: {  	v40 =	vld [tilespmem:$0x3D00]  }
0x2a1: {  	[tilespmem:$0x3EE0] =	vst v33  }
0x2a2: {  	v33 =	vld.idx.msk [tilespmem:v39+s25+$0x0], $0xffff;
	_ =	sdelay $0x3  }
0x2a3: {  	v41 =	vld [tilespmem:$0x3D10]  }
0x2a4: {  	[tilespmem:$0x3EF0] =	vst v33  }
0x2a5: {  	v33 =	vld.idx.msk [tilespmem:v40+s25+$0x0], $0xffff;
	_ =	sdelay $0x3  }
0x2a6: {  	v42 =	vld [tilespmem:$0x3D20]  }
0x2a7: {  	[tilespmem:$0x3F00] =	vst v33  }
0x2a8: {  	v33 =	vld.idx.msk [tilespmem:v41+s25+$0x0], $0xffff;
	_ =	sdelay $0x3  }
0x2a9: {  	v43 =	vld [tilespmem:$0x3D30]  }
0x2aa: {  	[tilespmem:$0x3F10] =	vst v33  }
0x2ab: {  	v33 =	vld.idx.msk [tilespmem:v42+s25+$0x0], $0xffff;
	_ =	sdelay $0x3  }
0x2ac: {  	v44 =	vld [tilespmem:$0x3D40]  }
0x2ad: {  	[tilespmem:$0x3F20] =	vst v33  }
0x2ae: {  	v33 =	vld.idx.msk [tilespmem:v43+s25+$0x0], $0xffff;
	_ =	sdelay $0x3  }
0x2af: {  	v45 =	vld [tilespmem:$0x3D50]  }
0x2b0: {  	[tilespmem:$0x3F30] =	vst v33  }
0x2b1: {  	v33 =	vld.idx.msk [tilespmem:v44+s25+$0x0], $0xffff;
	_ =	sdelay $0x3  }
0x2b2: {  	v46 =	vld [tilespmem:$0x3D60]  }
0x2b3: {  	[tilespmem:$0x3F40] =	vst v33  }
0x2b4: {  	v33 =	vld.idx.msk [tilespmem:v45+s25+$0x0], $0xffff;
	_ =	sdelay $0x3  }
0x2b5: {  	v47 =	vld [tilespmem:$0x3D70]  }
0x2b6: {  	[tilespmem:$0x3F50] =	vst v33  }
0x2b7: {  	v33 =	vld.idx.msk [tilespmem:v46+s25+$0x0], $0xffff;
	_ =	sdelay $0x3  }
0x2b8: {  	v48 =	vld [tilespmem:$0x3D80]  }
0x2b9: {  	[tilespmem:$0x3F60] =	vst v33  }
0x2ba: {  	v33 =	vld.idx.msk [tilespmem:v47+s25+$0x0], $0xffff;
	_ =	sdelay $0x3  }
0x2bb: {  	v49 =	vld [tilespmem:$0x3D90]  }
0x2bc: {  	[tilespmem:$0x3F70] =	vst v33  }
0x2bd: {  	v33 =	vld.idx.msk [tilespmem:v48+s25+$0x0], $0xffff;
	_ =	sdelay $0x3  }
0x2be: {  	v50 =	vld [tilespmem:$0x3DA0]  }
0x2bf: {  	[tilespmem:$0x3F80] =	vst v33  }
0x2c0: {  	v33 =	vld.idx.msk [tilespmem:v49+s25+$0x0], $0xffff;
	_ =	sdelay $0x3  }
0x2c1: {  	v51 =	vld [tilespmem:$0x3DB0]  }
0x2c2: {  	[tilespmem:$0x3F90] =	vst v33  }
0x2c3: {  	v33 =	vld.idx.msk [tilespmem:v50+s25+$0x0], $0xffff;
	_ =	sdelay $0x3  }
0x2c4: {  	v52 =	vld [tilespmem:$0x3DC0]  }
0x2c5: {  	[tilespmem:$0x3FA0] =	vst v33  }
0x2c6: {  	v33 =	vld.idx.msk [tilespmem:v51+s25+$0x0], $0xffff;
	_ =	sdelay $0x3  }
0x2c7: {  	v53 =	vld [tilespmem:$0x3DD0]  }
0x2c8: {  	[tilespmem:$0x3FB0] =	vst v33  }
0x2c9: {  	v33 =	vld.idx.msk [tilespmem:v52+s25+$0x0], $0xffff;
	_ =	sdelay $0x3  }
0x2ca: {  	v54 =	vld [tilespmem:$0x3DE0]  }
0x2cb: {  	[tilespmem:$0x3FC0] =	vst v33  }
0x2cc: {  	v33 =	vld.idx.msk [tilespmem:v53+s25+$0x0], $0xffff;
	_ =	sdelay $0x3  }
0x2cd: {  	v55 =	vld [tilespmem:$0x3DF0]  }
0x2ce: {  	[tilespmem:$0x3FD0] =	vst v33  }
0x2cf: {  	v33 =	vld.idx.msk [tilespmem:v54+s25+$0x0], $0xffff;
	_ =	sdelay $0x3  }
0x2d0: {  	v56 =	vld [tilespmem:$0x3E00]  }
0x2d1: {  	[tilespmem:$0x3FE0] =	vst v33  }
0x2d2: {  	v33 =	vld.idx.msk [tilespmem:v55+s25+$0x0], $0xffff;
	_ =	sdelay $0x3  }
0x2d3: {  	v57 =	vld [tilespmem:$0x3E10]  }
0x2d4: {  	[tilespmem:$0x3FF0] =	vst v33  }
0x2d5: {  	v33 =	vld.idx.msk [tilespmem:v56+s25+$0x0], $0xffff;
	_ =	sdelay $0x3  }
0x2d6: {  	v58 =	vld [tilespmem:$0x3E20]  }
0x2d7: {  	[tilespmem:$0x4000] =	vst v33  }
0x2d8: {  	v33 =	vld.idx.msk [tilespmem:v57+s25+$0x0], $0xffff;
	_ =	sdelay $0x3  }
0x2d9: {  	v59 =	vld [tilespmem:$0x3E30]  }
0x2da: {  	[tilespmem:$0x4010] =	vst v33  }
0x2db: {  	v33 =	vld.idx.msk [tilespmem:v58+s25+$0x0], $0xffff;
	_ =	sdelay $0x3  }
0x2dc: {  	v60 =	vld [tilespmem:$0x3E40]  }
0x2dd: {  	[tilespmem:$0x4020] =	vst v33  }
0x2de: {  	v33 =	vld.idx.msk [tilespmem:v59+s25+$0x0], $0xffff;
	_ =	sdelay $0x3  }
0x2df: {  	v61 =	vld [tilespmem:$0x3E50]  }
0x2e0: {  	[tilespmem:$0x4030] =	vst v33  }
0x2e1: {  	v33 =	vld.idx.msk [tilespmem:v60+s25+$0x0], $0xffff;
	_ =	sdelay $0x3  }
0x2e2: {  	v62 =	vld [tilespmem:$0x3E60]  }
0x2e3: {  	[tilespmem:$0x4040] =	vst v33  }
0x2e4: {  	v33 =	vld.idx.msk [tilespmem:v61+s25+$0x0], $0xffff;
	_ =	sdelay $0x3  }
0x2e5: {  	v63 =	vld [tilespmem:$0x3E70]  }
0x2e6: {  	[tilespmem:$0x4050] =	vst v33  }
0x2e7: {  	v33 =	vld.idx.msk [tilespmem:v62+s25+$0x0], $0xffff;
	_ =	sdelay $0x4  }
0x2e8: {  	[tilespmem:$0x4060] =	vst v33  }
0x2e9: {  	v33 =	vld.idx.msk [tilespmem:v63+s25+$0x0], $0xffff;
	_ =	sdelay $0x2  }
0x2ea: {  	s26 =	sadd.s32 $0x1, s26  }
0x2eb: {  	p0 =	sne.s32 s26, s16  }
.Ltmp2:
0x2ec: {  	[tilespmem:$0x4070] =	vst v33;
	(pc) =	sbr.rel @p0 .LBB2_2-.Ltmp2, $4  }
0x2ed: {  	[hbm4b:s14+s17] =	stream.strided.scatter [tilespmem:s22], [sflag:$0x1], $0x200, s18, s17, $0x38;
	[tilespmem:$0x4280] =	vst v63  }
0x2ee: {  	_ =	swait.ge [sflag:s19], $0x200  }
0x2ef: {  	[sflag:s19] =	ssyncset.done $0x0  }
0x2f0: {  	[sflag:s19] =	ssyncadd.s32 $0xFFFFFE00  }
.LBB2_5:
0x2f1: {  	_ =	sfence.sel $0x180000  }
0x2f2: {  	[bflag:$0x0] =	sbarrier.arrive $0xFFFF  }
0x2f3: {  	p0 =	sne.s32 s1, $0x0;
	_ =	strace $0x90000047  }
0x2f4: {  	s0 =	sadd.s32 @!p0 $0x100000, s0;
	[bflag:$0x2] =	sbarrier.arrive $0xFFFF  }
0x2f5: {  	[sflag:s0] =	ssyncadd.tile.s32 @!p0 $0x1;
	_ =	shalt  }
.Lfunc_end2:
_tile_overlayer_lowered:
.L_overlay_start_2:
0x2f6: {  	(tag) =	ssettag $0x2  }
0x2f7: {  	s0 =	rddreg [dreg:$0x0];
	s2 =	stileid.u32  }
0x2f8: {  	s1 =	rddreg [dreg:$0x1];
	p0 =	sne.s32 s2, $0x0  }
0x2f9: {  	s3 =	rddreg [dreg:$0x2];
	[bflag:$0x3] =	sbarrier.arrive $0xFFFF;
	s2 =	simm.s32 @!p0 $0x1C01  }
0x2fa: {  	[timem:s3], [sflag:s2] =	dma.local @!p0 [hbm:s0], s1  }
0x2fb: {  	s0 =	simm.s32 @!p0 $0x1  }
0x2fc: {  	_ =	swait.ge @!p0 [sflag:s0], s1  }
0x2fd: {  	s1 =	ssub.s32 @!p0 $0x0, s1;
	[sflag:s0] =	ssyncset.done @!p0 $0x0  }
0x2fe: {  	[sflag:s0] =	ssyncadd.s32 @!p0 s1  }
0x2ff: {  	[bflag:$0x3] =	sbarrier.arrive $0xFFFF  }
0x300: {  	_ =	shalt  }

</sc_bundles>
